<compile_context>
chip_gen: v7x
topology: tpu7x:2x2x1
jax: 0.10.2.dev20260603
libtpu: 0.0.44.dev20260713+nightly
codegen_flags: <defaults>
</compile_context>

<pallas_src>
import jax
import jax.numpy as jnp
from jax import lax
from jax.experimental import pallas as pl
from jax.experimental.pallas import tpu as pltpu
from jax.experimental.pallas import tpu_sc as plsc

EMBED = 512
N_ATOMS = 50000
N_COEFFS = 6400000

NUM_WORKERS = 32
W_ROWS = 64
W_SHIFT = 15
W_SLOTS = W_ROWS * EMBED
N_WIN = (N_ATOMS + W_ROWS - 1) // W_ROWS
TAIL_ROWS = N_ATOMS - (N_WIN - 1) * W_ROWS
K_MAX = (N_WIN + NUM_WORKERS - 1) // NUM_WORKERS
CHUNK = 4096
CHUNK_SHIFT = 12
B_PAD = 896

P_TILE = N_COEFFS // NUM_WORKERS
H_NCH = (P_TILE + CHUNK - 1) // CHUNK
I32_MAX = 2147483647


def _bnd_body(key_hbm, bnd_hbm, kb0, kb1, bndv, sem0, sem1):
    wid = lax.axis_index("s") * 2 + lax.axis_index("c")
    lane = lax.iota(jnp.int32, 16)
    sems = (sem0, sem1)
    kbufs = (kb0, kb1)
    t0 = wid * P_TILE
    tend = t0 + P_TILE

    def chunk_start(c, b):
        st = pl.multiple_of(jnp.minimum(t0 + c * CHUNK, N_COEFFS - CHUNK), 8)
        pst = pl.multiple_of(jnp.maximum(st - 8, 0), 8)
        pltpu.async_copy(key_hbm.at[pl.ds(pst, 8)],
                         kbufs[b].at[pl.ds(0, 8)], sems[b])
        pltpu.async_copy(key_hbm.at[pl.ds(st, CHUNK)],
                         kbufs[b].at[pl.ds(8, CHUNK)], sems[b])

    def chunk_wait(b):
        pltpu.make_async_copy(key_hbm.at[pl.ds(0, 8)],
                              kbufs[b].at[pl.ds(0, 8)], sems[b]).wait()
        pltpu.make_async_copy(key_hbm.at[pl.ds(0, CHUNK)],
                              kbufs[b].at[pl.ds(8, CHUNK)], sems[b]).wait()

    maxv = jnp.full((16,), I32_MAX, jnp.int32)

    @plsc.parallel_loop(0, B_PAD // 16, unroll=2)
    def _(i):
        bndv[pl.ds(i << 4, 16)] = maxv

    chunk_start(0, 0)

    def chunk_compute(c, b):
        st = pl.multiple_of(jnp.minimum(t0 + c * CHUNK, N_COEFFS - CHUNK), 8)
        kb = kbufs[b]

        @plsc.parallel_loop(0, CHUNK // 16, unroll=4)
        def _(j):
            off = j << 4
            kp = kb[pl.ds(off + 7, 16)]
            kv = kb[pl.ds(off + 8, 16)]
            gi = st + off + lane
            wv = kv >> W_SHIFT
            wp = kp >> W_SHIFT
            m = ((wv > wp) | (gi == 0)) & (gi < tend)
            plsc.store_scatter(bndv, [wv], gi, mask=m)

    def pair_body(g, _):
        for b in (0, 1):
            c = 2 * g + b

            @pl.when(c < H_NCH)
            def _():
                @pl.when(c + 1 < H_NCH)
                def _():
                    chunk_start(c + 1, (b + 1) % 2)
                chunk_wait(b)
                chunk_compute(c, b)
        return 0
    lax.fori_loop(0, (H_NCH + 1) >> 1, pair_body, 0)

    pltpu.sync_copy(bndv, bnd_hbm.at[wid])


def _sc_body(sk_hbm, sv_hbm, bnd_hbm, out_hbm,
             buf0, buf1, kbuf0, kbuf1, vbuf0, vbuf1, bvec,
             sem0, sem1, osem0, osem1):
    wid = lax.axis_index("s") * 2 + lax.axis_index("c")
    lane = lax.iota(jnp.int32, 16)
    zeros16 = jnp.zeros((16,), jnp.float32)
    sems = (sem0, sem1)
    osems = (osem0, osem1)
    kbufs = (kbuf0, kbuf1)
    vbufs = (vbuf0, vbuf1)
    bufs = (buf0, buf1)

    pltpu.sync_copy(bnd_hbm, bvec)

    def chunk_start(s8, c, b):
        st = pl.multiple_of(jnp.minimum(s8 + c * CHUNK, N_COEFFS - CHUNK), 8)
        st2 = pl.multiple_of(jnp.minimum(st + CHUNK, N_COEFFS - 8), 8)
        pltpu.async_copy(sk_hbm.at[pl.ds(st, CHUNK)],
                         kbufs[b].at[pl.ds(0, CHUNK)], sems[b])
        pltpu.async_copy(sk_hbm.at[pl.ds(st2, 8)],
                         kbufs[b].at[pl.ds(CHUNK, 8)], sems[b])
        pltpu.async_copy(sv_hbm.at[pl.ds(st, CHUNK)], vbufs[b], sems[b])

    def chunk_wait(b):
        pltpu.make_async_copy(sk_hbm.at[pl.ds(0, CHUNK)],
                              kbufs[b].at[pl.ds(0, CHUNK)], sems[b]).wait()
        pltpu.make_async_copy(sk_hbm.at[pl.ds(0, 8)],
                              kbufs[b].at[pl.ds(CHUNK, 8)], sems[b]).wait()
        pltpu.make_async_copy(sv_hbm.at[pl.ds(0, CHUNK)],
                              vbufs[b], sems[b]).wait()

    def process_window(k, w, p):
        buf = bufs[p]
        wr = w * W_ROWS
        bv = bvec[pl.ds(w, 16)]
        s = bv[0]
        e = bv[1]

        s8 = s & ~7
        nch = (e - s8 + CHUNK - 1) >> CHUNK_SHIFT

        @pl.when(nch > 0)
        def _():
            chunk_start(s8, 0, 0)

        @pl.when(k >= 2)
        def _():
            pltpu.make_async_copy(
                buf, out_hbm.at[pl.ds(0, W_ROWS), :], osems[p]).wait()

        @plsc.parallel_loop(0, W_SLOTS // 16, unroll=8)
        def _(i):
            buf[i >> 5, pl.ds((i & 31) << 4, 16)] = zeros16

        def chunk_compute(c, b):
            st = pl.multiple_of(
                jnp.minimum(s8 + c * CHUNK, N_COEFFS - CHUNK), 8)
            kb = kbufs[b]
            vb = vbufs[b]

            @plsc.parallel_loop(0, CHUNK // 16, unroll=4)
            def _(j):
                off = j << 4
                kv = kb[pl.ds(off, 16)]
                kn = kb[pl.ds(off + 1, 16)]
                vv = vb[pl.ds(off, 16)]
                gi = st + off + lane
                m = (gi >= s) & (gi < e) & (
                    (kv != kn) | (gi == N_COEFFS - 1))
                row = (kv >> 9) - wr
                col = kv & (EMBED - 1)
                plsc.store_scatter(buf, [row, col], vv, mask=m)

        def pair_body(g, _):
            for b in (0, 1):
                c = 2 * g + b

                @pl.when(c < nch)
                def _():
                    @pl.when(c + 1 < nch)
                    def _():
                        chunk_start(s8, c + 1, (b + 1) % 2)
                    chunk_wait(b)
                    chunk_compute(c, b)
            return 0
        lax.fori_loop(0, (nch + 1) >> 1, pair_body, 0)

        rr = pl.multiple_of(wr, 8)

        @pl.when(w < N_WIN - 1)
        def _():
            pltpu.async_copy(buf, out_hbm.at[pl.ds(rr, W_ROWS), :], osems[p])

        @pl.when(w == N_WIN - 1)
        def _():
            pltpu.sync_copy(buf.at[pl.ds(0, TAIL_ROWS), :],
                            out_hbm.at[pl.ds(rr, TAIL_ROWS), :])

    def wpair_body(g, _):
        for p in (0, 1):
            k = 2 * g + p
            w = wid + NUM_WORKERS * k

            @pl.when(w < N_WIN)
            def _():
                process_window(k, w, p)
        return 0
    lax.fori_loop(0, (K_MAX + 1) >> 1, wpair_body, 0)

    nk = (N_WIN - wid + NUM_WORKERS - 1) // NUM_WORKERS
    for p in (0, 1):
        last_k = nk - 1 - ((nk - 1 - p) % 2)
        last_w = wid + NUM_WORKERS * last_k

        @pl.when((nk > p) & (last_w < N_WIN - 1))
        def _():
            pltpu.make_async_copy(
                bufs[p], out_hbm.at[pl.ds(0, W_ROWS), :], osems[p]).wait()


def kernel(coeffs, basis_function_ind, n_basis_per_atom, coeff_ind_to_node_ind):
    del n_basis_per_atom
    basis = basis_function_ind.astype(jnp.int32)
    node = coeff_ind_to_node_ind.astype(jnp.int32)

    key = node * EMBED + basis

    mesh = plsc.VectorSubcoreMesh(core_axis_name="c", subcore_axis_name="s")

    partials = pl.kernel(
        _bnd_body,
        out_type=jax.ShapeDtypeStruct((NUM_WORKERS, B_PAD), jnp.int32),
        mesh=mesh,
        scratch_types=[
            pltpu.VMEM((CHUNK + 128,), jnp.int32),
            pltpu.VMEM((CHUNK + 128,), jnp.int32),
            pltpu.VMEM((B_PAD,), jnp.int32),
            pltpu.SemaphoreType.DMA,
            pltpu.SemaphoreType.DMA,
        ],
        compiler_params=pltpu.CompilerParams(needs_layout_passes=False),
    )(key)
    col = jnp.minimum(jnp.min(partials, axis=0), N_COEFFS)
    bnd = jnp.flip(jax.lax.cummin(jnp.flip(col)))

    sk, sv = lax.sort((key, coeffs), dimension=0, num_keys=1, is_stable=False)

    out = pl.kernel(
        _sc_body,
        out_type=jax.ShapeDtypeStruct((N_ATOMS, EMBED), jnp.float32),
        mesh=mesh,
        scratch_types=[
            pltpu.VMEM((W_ROWS, EMBED), jnp.float32),
            pltpu.VMEM((W_ROWS, EMBED), jnp.float32),
            pltpu.VMEM((CHUNK + 128,), jnp.int32),
            pltpu.VMEM((CHUNK + 128,), jnp.int32),
            pltpu.VMEM((CHUNK,), jnp.float32),
            pltpu.VMEM((CHUNK,), jnp.float32),
            pltpu.VMEM((B_PAD,), jnp.int32),
            pltpu.SemaphoreType.DMA,
            pltpu.SemaphoreType.DMA,
            pltpu.SemaphoreType.DMA,
            pltpu.SemaphoreType.DMA,
        ],
        compiler_params=pltpu.CompilerParams(needs_layout_passes=False),
    )(sk, sv, bnd)
    return out

# --- scband reference (transcript-rebuilt; emitter-appended) ---
"""Pipeline reference for scband-atom-hot-embedding-59072980189791 (READ-ONLY COPY).

The authoritative reference and input builder live on the scoring server;
editing this copy changes nothing except your own understanding.
"""

import jax, jax.numpy as jnp
import numpy as np

EMBED_DIM = 512
N_ATOMS = 50000
N_COEFFS = 6400000

def setup_inputs(seed: int = 0) -> dict:
    key = jax.random.key(seed)
    k1, k2, k3 = jax.random.split(key, 3)
    coeffs = jax.random.normal(k1, (N_COEFFS,), dtype=jnp.float32)
    basis_function_ind = jax.random.randint(k2, (N_COEFFS,), 0, EMBED_DIM, dtype=jnp.int64 if jax.config.jax_enable_x64 else jnp.int32)
    n_basis_per_atom = jnp.ones((N_ATOMS,), dtype=jnp.int32)
    coeff_ind_to_node_ind = jnp.sort(jax.random.randint(k3, (N_COEFFS,), 0, N_ATOMS, dtype=jnp.int64 if jax.config.jax_enable_x64 else jnp.int32))
    return {
        "coeffs": coeffs,
        "basis_function_ind": basis_function_ind,
        "n_basis_per_atom": n_basis_per_atom,
        "coeff_ind_to_node_ind": coeff_ind_to_node_ind,
    }

def reference(coeffs, basis_function_ind, n_basis_per_atom, coeff_ind_to_node_ind):
    n_atoms = n_basis_per_atom.shape[0]
    a_hot_coeffs = jnp.zeros((n_atoms, EMBED_DIM), dtype=coeffs.dtype)
    a_hot_coeffs = a_hot_coeffs.at[coeff_ind_to_node_ind, basis_function_ind].set(coeffs)
    return a_hot_coeffs

if __name__ == "__main__":
    import jax
    _d = setup_inputs()
    print(jax.jit(kernel)(*tuple(_d.values())))

</pallas_src>

<mosaic_0001>
#map = affine_map<(d0, d1) -> (0)>
#map1 = affine_map<(d0, d1) -> (0, 0)>
module attributes {stable_mosaic.version = 14 : i64} {
  func.func @_bnd_body(%arg0: i32, %arg1: i32, %arg2: memref<6400000xi32, #tpu.memory_space<hbm>>, %arg3: memref<32x896xi32, #tpu.memory_space<hbm>>, %arg4: memref<4224xi32, #tpu.memory_space<vmem>>, %arg5: memref<4224xi32, #tpu.memory_space<vmem>>, %arg6: memref<896xi32, #tpu.memory_space<vmem>>, %arg7: memref<!tpu.dma_semaphore, #tpu.memory_space<semaphore_mem>>, %arg8: memref<!tpu.dma_semaphore, #tpu.memory_space<semaphore_mem>>) attributes {dimension_semantics = [#tpu.dimension_semantics<core_parallel>, #tpu.dimension_semantics<subcore_parallel>], iteration_bounds = array<i64: 2, 16>, scalar_prefetch = 0 : i64, scratch_operands = 5 : i64, tpu.core_type = #tpu.core_type<sc_vector_subcore>, window_params = [{transform_indices = #map}, {transform_indices = #map1}]} {
    %mul3A = arith.constant 2 : i32
    %mul3A_0 = arith.muli %arg1, %mul3A : i32
    %add3A = arith.addi %mul3A_0, %arg0 : i32
    %iota3A = tpu.iota {dimensions = array<i32: 0>} : vector<16xi32>
    %mul3A_1 = arith.constant 200000 : i32
    %mul3A_2 = arith.muli %add3A, %mul3A_1 : i32
    %add3A_3 = arith.constant 200000 : i32
    %add3A_4 = arith.addi %mul3A_2, %add3A_3 : i32
    %broadcast_in_dim3A = arith.constant 2147483647 : i32
    %broadcast_in_dim3A_5 = vector.broadcast %broadcast_in_dim3A : i32 to vector<16xi32>
    %parallel_loop3A = arith.constant 0 : i32
    %parallel_loop3A_6 = arith.constant 56 : i32
    %parallel_loop3A_7 = arith.constant 1 : i32
    scf.for %parallel_loop3A_31 = %parallel_loop3A to %parallel_loop3A_6 step %parallel_loop3A_7  : i32 {
      %parallel_loop3A_32 = arith.constant 4 : i32
      %parallel_loop3A_33 = arith.shli %parallel_loop3A_31, %parallel_loop3A_32 : i32
      %parallel_loop3A_34 = arith.index_cast %parallel_loop3A_33 : i32 to index
      %parallel_loop3A_35 = tpu.vector_load %arg6[%parallel_loop3A_34] {strides = array<i32>} : memref<896xi32, #tpu.memory_space<vmem>>, vector<16xi32>,
      tpu.vector_store %arg6[%parallel_loop3A_34], %broadcast_in_dim3A_5 {strides = array<i32>} : memref<896xi32, #tpu.memory_space<vmem>>, vector<16xi32>,
    } {sc.loop_unroll_factor = 2 : i64, sc.parallel_access}
    %add3A_8 = arith.constant 0 : i32
    %add3A_9 = arith.addi %mul3A_2, %add3A_8 : i32
    %min3A = arith.constant 6395904 : i32
    %min3A_10 = arith.minsi %add3A_9, %min3A : i32
    %multiple_of3A = tpu.assume_multiple %min3A_10, 8 : i32
    %sub3A = arith.constant 8 : i32
    %sub3A_11 = arith.subi %multiple_of3A, %sub3A : i32
    %max3A = arith.constant 0 : i32
    %max3A_12 = arith.maxsi %sub3A_11, %max3A : i32
    %multiple_of3A_13 = tpu.assume_multiple %max3A_12, 8 : i32
    %dma_start3A = arith.constant 0 : i32
    %dma_start3A_14 = tpu.memref_slice %arg4[%dma_start3A] : memref<4224xi32, #tpu.memory_space<vmem>> -> memref<8xi32, #tpu.memory_space<vmem>>
    %dma_start3A_15 = tpu.memref_slice %arg2[%multiple_of3A_13] : memref<6400000xi32, #tpu.memory_space<hbm>> -> memref<8xi32, #tpu.memory_space<hbm>>
    %dma_start3A_16 = arith.constant 0 : i32
    %dma_start3A_17 = tpu.memref_slice %arg4[%dma_start3A_16] : memref<4224xi32, #tpu.memory_space<vmem>> -> memref<8xi32, #tpu.memory_space<vmem>>
    %dma_start3A_18 = tpu.memref_slice %arg2[%multiple_of3A_13] : memref<6400000xi32, #tpu.memory_space<hbm>> -> memref<8xi32, #tpu.memory_space<hbm>>
    tpu.enqueue_dma source(%dma_start3A_18 : memref<8xi32, #tpu.memory_space<hbm>>) target(%dma_start3A_17 : memref<8xi32, #tpu.memory_space<vmem>>) target_semaphore(%arg7 : memref<!tpu.dma_semaphore, #tpu.memory_space<semaphore_mem>>)
    %dma_start3A_19 = arith.constant 8 : i32
    %dma_start3A_20 = tpu.memref_slice %arg4[%dma_start3A_19] : memref<4224xi32, #tpu.memory_space<vmem>> -> memref<4096xi32, #tpu.memory_space<vmem>>
    %dma_start3A_21 = tpu.memref_slice %arg2[%multiple_of3A] : memref<6400000xi32, #tpu.memory_space<hbm>> -> memref<4096xi32, #tpu.memory_space<hbm>>
    %dma_start3A_22 = arith.constant 8 : i32
    %dma_start3A_23 = tpu.memref_slice %arg4[%dma_start3A_22] : memref<4224xi32, #tpu.memory_space<vmem>> -> memref<4096xi32, #tpu.memory_space<vmem>>
    %dma_start3A_24 = tpu.memref_slice %arg2[%multiple_of3A] : memref<6400000xi32, #tpu.memory_space<hbm>> -> memref<4096xi32, #tpu.memory_space<hbm>>
    tpu.enqueue_dma source(%dma_start3A_24 : memref<4096xi32, #tpu.memory_space<hbm>>) target(%dma_start3A_23 : memref<4096xi32, #tpu.memory_space<vmem>>) target_semaphore(%arg7 : memref<!tpu.dma_semaphore, #tpu.memory_space<semaphore_mem>>)
    %scan3A = arith.constant 0 : i32
    %scan3A_25 = arith.constant 0 : i32
    %scan3A_26 = arith.constant 25 : i32
    %scan3A_27 = arith.addi %scan3A_25, %scan3A_26 : i32
    %scan3A_28 = arith.constant 1 : i32
    %scan3A_29 = scf.for %scan3A_31 = %scan3A_25 to %scan3A_27 step %scan3A_28 iter_args(%scan3A_32 = %scan3A) -> (i32)  : i32 {
      %mul3A_33 = arith.constant 2 : i32
      %mul3A_34 = arith.muli %mul3A_33, %scan3A_31 : i32
      %add3A_35 = arith.constant 0 : i32
      %add3A_36 = arith.addi %mul3A_34, %add3A_35 : i32
      %lt3A = arith.constant 49 : i32
      %lt3A_37 = arith.cmpi slt, %add3A_36, %lt3A : i32
      %convert_element_type3A = arith.extui %lt3A_37 : i1 to i32
      %cond3A = arith.constant 0 : i32
      %cond3A_38 = arith.cmpi ne, %convert_element_type3A, %cond3A : i32
      scf.if %cond3A_38 {
        %add3A_49 = arith.constant 1 : i32
        %add3A_50 = arith.addi %add3A_36, %add3A_49 : i32
        %lt3A_51 = arith.constant 49 : i32
        %lt3A_52 = arith.cmpi slt, %add3A_50, %lt3A_51 : i32
        %convert_element_type3A_53 = arith.extui %lt3A_52 : i1 to i32
        %cond3A_54 = arith.constant 0 : i32
        %cond3A_55 = arith.cmpi ne, %convert_element_type3A_53, %cond3A_54 : i32
        scf.if %cond3A_55 {
          %add3A_80 = arith.constant 1 : i32
          %add3A_81 = arith.addi %add3A_36, %add3A_80 : i32
          %mul3A_82 = arith.constant 4096 : i32
          %mul3A_83 = arith.muli %add3A_81, %mul3A_82 : i32
          %add3A_84 = arith.addi %mul3A_2, %mul3A_83 : i32
          %min3A_85 = arith.constant 6395904 : i32
          %min3A_86 = arith.minsi %add3A_84, %min3A_85 : i32
          %multiple_of3A_87 = tpu.assume_multiple %min3A_86, 8 : i32
          %sub3A_88 = arith.constant 8 : i32
          %sub3A_89 = arith.subi %multiple_of3A_87, %sub3A_88 : i32
          %max3A_90 = arith.constant 0 : i32
          %max3A_91 = arith.maxsi %sub3A_89, %max3A_90 : i32
          %multiple_of3A_92 = tpu.assume_multiple %max3A_91, 8 : i32
          %dma_start3A_93 = arith.constant 0 : i32
          %dma_start3A_94 = tpu.memref_slice %arg5[%dma_start3A_93] : memref<4224xi32, #tpu.memory_space<vmem>> -> memref<8xi32, #tpu.memory_space<vmem>>
          %dma_start3A_95 = tpu.memref_slice %arg2[%multiple_of3A_92] : memref<6400000xi32, #tpu.memory_space<hbm>> -> memref<8xi32, #tpu.memory_space<hbm>>
          %dma_start3A_96 = arith.constant 0 : i32
          %dma_start3A_97 = tpu.memref_slice %arg5[%dma_start3A_96] : memref<4224xi32, #tpu.memory_space<vmem>> -> memref<8xi32, #tpu.memory_space<vmem>>
          %dma_start3A_98 = tpu.memref_slice %arg2[%multiple_of3A_92] : memref<6400000xi32, #tpu.memory_space<hbm>> -> memref<8xi32, #tpu.memory_space<hbm>>
          tpu.enqueue_dma source(%dma_start3A_98 : memref<8xi32, #tpu.memory_space<hbm>>) target(%dma_start3A_97 : memref<8xi32, #tpu.memory_space<vmem>>) target_semaphore(%arg8 : memref<!tpu.dma_semaphore, #tpu.memory_space<semaphore_mem>>)
          %dma_start3A_99 = arith.constant 8 : i32
          %dma_start3A_100 = tpu.memref_slice %arg5[%dma_start3A_99] : memref<4224xi32, #tpu.memory_space<vmem>> -> memref<4096xi32, #tpu.memory_space<vmem>>
          %dma_start3A_101 = tpu.memref_slice %arg2[%multiple_of3A_87] : memref<6400000xi32, #tpu.memory_space<hbm>> -> memref<4096xi32, #tpu.memory_space<hbm>>
          %dma_start3A_102 = arith.constant 8 : i32
          %dma_start3A_103 = tpu.memref_slice %arg5[%dma_start3A_102] : memref<4224xi32, #tpu.memory_space<vmem>> -> memref<4096xi32, #tpu.memory_space<vmem>>
          %dma_start3A_104 = tpu.memref_slice %arg2[%multiple_of3A_87] : memref<6400000xi32, #tpu.memory_space<hbm>> -> memref<4096xi32, #tpu.memory_space<hbm>>
          tpu.enqueue_dma source(%dma_start3A_104 : memref<4096xi32, #tpu.memory_space<hbm>>) target(%dma_start3A_103 : memref<4096xi32, #tpu.memory_space<vmem>>) target_semaphore(%arg8 : memref<!tpu.dma_semaphore, #tpu.memory_space<semaphore_mem>>)
        } else {
        }
        %dma_wait3A = arith.constant 0 : i32
        %dma_wait3A_56 = tpu.memref_slice %arg4[%dma_wait3A] : memref<4224xi32, #tpu.memory_space<vmem>> -> memref<8xi32, #tpu.memory_space<vmem>>
        %dma_wait3A_57 = arith.constant 0 : i32
        %dma_wait3A_58 = tpu.memref_slice %arg2[%dma_wait3A_57] : memref<6400000xi32, #tpu.memory_space<hbm>> -> memref<8xi32, #tpu.memory_space<hbm>>
        %dma_wait3A_59 = arith.constant 0 : i32
        %dma_wait3A_60 = tpu.memref_slice %arg4[%dma_wait3A_59] : memref<4224xi32, #tpu.memory_space<vmem>> -> memref<8xi32, #tpu.memory_space<vmem>>
        %dma_wait3A_61 = arith.constant 0 : i32
        %dma_wait3A_62 = tpu.memref_slice %arg2[%dma_wait3A_61] : memref<6400000xi32, #tpu.memory_space<hbm>> -> memref<8xi32, #tpu.memory_space<hbm>>
        tpu.wait_dma2 semaphore(%arg7 : memref<!tpu.dma_semaphore, #tpu.memory_space<semaphore_mem>>) src(%dma_wait3A_62 : memref<8xi32, #tpu.memory_space<hbm>>) dst(%dma_wait3A_60 : memref<8xi32, #tpu.memory_space<vmem>>)
        %dma_wait3A_63 = arith.constant 8 : i32
        %dma_wait3A_64 = tpu.memref_slice %arg4[%dma_wait3A_63] : memref<4224xi32, #tpu.memory_space<vmem>> -> memref<4096xi32, #tpu.memory_space<vmem>>
        %dma_wait3A_65 = arith.constant 0 : i32
        %dma_wait3A_66 = tpu.memref_slice %arg2[%dma_wait3A_65] : memref<6400000xi32, #tpu.memory_space<hbm>> -> memref<4096xi32, #tpu.memory_space<hbm>>
        %dma_wait3A_67 = arith.constant 8 : i32
        %dma_wait3A_68 = tpu.memref_slice %arg4[%dma_wait3A_67] : memref<4224xi32, #tpu.memory_space<vmem>> -> memref<4096xi32, #tpu.memory_space<vmem>>
        %dma_wait3A_69 = arith.constant 0 : i32
        %dma_wait3A_70 = tpu.memref_slice %arg2[%dma_wait3A_69] : memref<6400000xi32, #tpu.memory_space<hbm>> -> memref<4096xi32, #tpu.memory_space<hbm>>
        tpu.wait_dma2 semaphore(%arg7 : memref<!tpu.dma_semaphore, #tpu.memory_space<semaphore_mem>>) src(%dma_wait3A_70 : memref<4096xi32, #tpu.memory_space<hbm>>) dst(%dma_wait3A_68 : memref<4096xi32, #tpu.memory_space<vmem>>)
        %mul3A_71 = arith.constant 4096 : i32
        %mul3A_72 = arith.muli %add3A_36, %mul3A_71 : i32
        %add3A_73 = arith.addi %mul3A_2, %mul3A_72 : i32
        %min3A_74 = arith.constant 6395904 : i32
        %min3A_75 = arith.minsi %add3A_73, %min3A_74 : i32
        %multiple_of3A_76 = tpu.assume_multiple %min3A_75, 8 : i32
        %parallel_loop3A_77 = arith.constant 0 : i32
        %parallel_loop3A_78 = arith.constant 256 : i32
        %parallel_loop3A_79 = arith.constant 1 : i32
        scf.for %parallel_loop3A_80 = %parallel_loop3A_77 to %parallel_loop3A_78 step %parallel_loop3A_79  : i32 {
          %parallel_loop3A_81 = arith.constant 4 : i32
          %parallel_loop3A_82 = arith.shli %parallel_loop3A_80, %parallel_loop3A_81 : i32
          %parallel_loop3A_83 = arith.constant 7 : i32
          %parallel_loop3A_84 = arith.addi %parallel_loop3A_82, %parallel_loop3A_83 : i32
          %parallel_loop3A_85 = arith.index_cast %parallel_loop3A_84 : i32 to index
          %parallel_loop3A_86 = tpu.vector_load %arg4[%parallel_loop3A_85] {strides = array<i32>} : memref<4224xi32, #tpu.memory_space<vmem>>, vector<16xi32>,
          %parallel_loop3A_87 = arith.constant 8 : i32
          %parallel_loop3A_88 = arith.addi %parallel_loop3A_82, %parallel_loop3A_87 : i32
          %parallel_loop3A_89 = arith.index_cast %parallel_loop3A_88 : i32 to index
          %parallel_loop3A_90 = tpu.vector_load %arg4[%parallel_loop3A_89] {strides = array<i32>} : memref<4224xi32, #tpu.memory_space<vmem>>, vector<16xi32>,
          %parallel_loop3A_91 = arith.addi %multiple_of3A_76, %parallel_loop3A_82 : i32
          %parallel_loop3A_92 = vector.broadcast %parallel_loop3A_91 : i32 to vector<16xi32>
          %parallel_loop3A_93 = arith.addi %parallel_loop3A_92, %iota3A : vector<16xi32>
          %parallel_loop3A_94 = arith.constant 15 : i32
          %parallel_loop3A_95 = vector.broadcast %parallel_loop3A_94 : i32 to vector<16xi32>
          %parallel_loop3A_96 = arith.shrsi %parallel_loop3A_90, %parallel_loop3A_95 : vector<16xi32>
          %parallel_loop3A_97 = arith.constant 15 : i32
          %parallel_loop3A_98 = vector.broadcast %parallel_loop3A_97 : i32 to vector<16xi32>
          %parallel_loop3A_99 = arith.shrsi %parallel_loop3A_86, %parallel_loop3A_98 : vector<16xi32>
          %parallel_loop3A_100 = arith.cmpi sgt, %parallel_loop3A_96, %parallel_loop3A_99 : vector<16xi32>
          %parallel_loop3A_101 = arith.constant 0 : i32
          %parallel_loop3A_102 = vector.broadcast %parallel_loop3A_101 : i32 to vector<16xi32>
          %parallel_loop3A_103 = arith.cmpi eq, %parallel_loop3A_93, %parallel_loop3A_102 : vector<16xi32>
          %parallel_loop3A_104 = arith.ori %parallel_loop3A_100, %parallel_loop3A_103 : vector<16xi1>
          %parallel_loop3A_105 = vector.broadcast %add3A_4 : i32 to vector<16xi32>
          %parallel_loop3A_106 = arith.cmpi slt, %parallel_loop3A_93, %parallel_loop3A_105 : vector<16xi32>
          %parallel_loop3A_107 = arith.andi %parallel_loop3A_104, %parallel_loop3A_106 : vector<16xi1>
          tpu.vector_store_idx %arg6[%parallel_loop3A_96], %parallel_loop3A_93 masked %parallel_loop3A_107 : memref<896xi32, #tpu.memory_space<vmem>>[vector<16xi32>], vector<16xi32>, vector<16xi1>
        } {sc.loop_unroll_factor = 4 : i64, sc.parallel_access}
      } else {
      }
      %mul3A_39 = arith.constant 2 : i32
      %mul3A_40 = arith.muli %mul3A_39, %scan3A_31 : i32
      %add3A_41 = arith.constant 1 : i32
      %add3A_42 = arith.addi %mul3A_40, %add3A_41 : i32
      %lt3A_43 = arith.constant 49 : i32
      %lt3A_44 = arith.cmpi slt, %add3A_42, %lt3A_43 : i32
      %convert_element_type3A_45 = arith.extui %lt3A_44 : i1 to i32
      %cond3A_46 = arith.constant 0 : i32
      %cond3A_47 = arith.cmpi ne, %convert_element_type3A_45, %cond3A_46 : i32
      scf.if %cond3A_47 {
        %add3A_49 = arith.constant 1 : i32
        %add3A_50 = arith.addi %add3A_42, %add3A_49 : i32
        %lt3A_51 = arith.constant 49 : i32
        %lt3A_52 = arith.cmpi slt, %add3A_50, %lt3A_51 : i32
        %convert_element_type3A_53 = arith.extui %lt3A_52 : i1 to i32
        %cond3A_54 = arith.constant 0 : i32
        %cond3A_55 = arith.cmpi ne, %convert_element_type3A_53, %cond3A_54 : i32
        scf.if %cond3A_55 {
          %add3A_80 = arith.constant 1 : i32
          %add3A_81 = arith.addi %add3A_42, %add3A_80 : i32
          %mul3A_82 = arith.constant 4096 : i32
          %mul3A_83 = arith.muli %add3A_81, %mul3A_82 : i32
          %add3A_84 = arith.addi %mul3A_2, %mul3A_83 : i32
          %min3A_85 = arith.constant 6395904 : i32
          %min3A_86 = arith.minsi %add3A_84, %min3A_85 : i32
          %multiple_of3A_87 = tpu.assume_multiple %min3A_86, 8 : i32
          %sub3A_88 = arith.constant 8 : i32
          %sub3A_89 = arith.subi %multiple_of3A_87, %sub3A_88 : i32
          %max3A_90 = arith.constant 0 : i32
          %max3A_91 = arith.maxsi %sub3A_89, %max3A_90 : i32
          %multiple_of3A_92 = tpu.assume_multiple %max3A_91, 8 : i32
          %dma_start3A_93 = arith.constant 0 : i32
          %dma_start3A_94 = tpu.memref_slice %arg4[%dma_start3A_93] : memref<4224xi32, #tpu.memory_space<vmem>> -> memref<8xi32, #tpu.memory_space<vmem>>
          %dma_start3A_95 = tpu.memref_slice %arg2[%multiple_of3A_92] : memref<6400000xi32, #tpu.memory_space<hbm>> -> memref<8xi32, #tpu.memory_space<hbm>>
          %dma_start3A_96 = arith.constant 0 : i32
          %dma_start3A_97 = tpu.memref_slice %arg4[%dma_start3A_96] : memref<4224xi32, #tpu.memory_space<vmem>> -> memref<8xi32, #tpu.memory_space<vmem>>
          %dma_start3A_98 = tpu.memref_slice %arg2[%multiple_of3A_92] : memref<6400000xi32, #tpu.memory_space<hbm>> -> memref<8xi32, #tpu.memory_space<hbm>>
          tpu.enqueue_dma source(%dma_start3A_98 : memref<8xi32, #tpu.memory_space<hbm>>) target(%dma_start3A_97 : memref<8xi32, #tpu.memory_space<vmem>>) target_semaphore(%arg7 : memref<!tpu.dma_semaphore, #tpu.memory_space<semaphore_mem>>)
          %dma_start3A_99 = arith.constant 8 : i32
          %dma_start3A_100 = tpu.memref_slice %arg4[%dma_start3A_99] : memref<4224xi32, #tpu.memory_space<vmem>> -> memref<4096xi32, #tpu.memory_space<vmem>>
          %dma_start3A_101 = tpu.memref_slice %arg2[%multiple_of3A_87] : memref<6400000xi32, #tpu.memory_space<hbm>> -> memref<4096xi32, #tpu.memory_space<hbm>>
          %dma_start3A_102 = arith.constant 8 : i32
          %dma_start3A_103 = tpu.memref_slice %arg4[%dma_start3A_102] : memref<4224xi32, #tpu.memory_space<vmem>> -> memref<4096xi32, #tpu.memory_space<vmem>>
          %dma_start3A_104 = tpu.memref_slice %arg2[%multiple_of3A_87] : memref<6400000xi32, #tpu.memory_space<hbm>> -> memref<4096xi32, #tpu.memory_space<hbm>>
          tpu.enqueue_dma source(%dma_start3A_104 : memref<4096xi32, #tpu.memory_space<hbm>>) target(%dma_start3A_103 : memref<4096xi32, #tpu.memory_space<vmem>>) target_semaphore(%arg7 : memref<!tpu.dma_semaphore, #tpu.memory_space<semaphore_mem>>)
        } else {
        }
        %dma_wait3A = arith.constant 0 : i32
        %dma_wait3A_56 = tpu.memref_slice %arg5[%dma_wait3A] : memref<4224xi32, #tpu.memory_space<vmem>> -> memref<8xi32, #tpu.memory_space<vmem>>
        %dma_wait3A_57 = arith.constant 0 : i32
        %dma_wait3A_58 = tpu.memref_slice %arg2[%dma_wait3A_57] : memref<6400000xi32, #tpu.memory_space<hbm>> -> memref<8xi32, #tpu.memory_space<hbm>>
        %dma_wait3A_59 = arith.constant 0 : i32
        %dma_wait3A_60 = tpu.memref_slice %arg5[%dma_wait3A_59] : memref<4224xi32, #tpu.memory_space<vmem>> -> memref<8xi32, #tpu.memory_space<vmem>>
        %dma_wait3A_61 = arith.constant 0 : i32
        %dma_wait3A_62 = tpu.memref_slice %arg2[%dma_wait3A_61] : memref<6400000xi32, #tpu.memory_space<hbm>> -> memref<8xi32, #tpu.memory_space<hbm>>
        tpu.wait_dma2 semaphore(%arg8 : memref<!tpu.dma_semaphore, #tpu.memory_space<semaphore_mem>>) src(%dma_wait3A_62 : memref<8xi32, #tpu.memory_space<hbm>>) dst(%dma_wait3A_60 : memref<8xi32, #tpu.memory_space<vmem>>)
        %dma_wait3A_63 = arith.constant 8 : i32
        %dma_wait3A_64 = tpu.memref_slice %arg5[%dma_wait3A_63] : memref<4224xi32, #tpu.memory_space<vmem>> -> memref<4096xi32, #tpu.memory_space<vmem>>
        %dma_wait3A_65 = arith.constant 0 : i32
        %dma_wait3A_66 = tpu.memref_slice %arg2[%dma_wait3A_65] : memref<6400000xi32, #tpu.memory_space<hbm>> -> memref<4096xi32, #tpu.memory_space<hbm>>
        %dma_wait3A_67 = arith.constant 8 : i32
        %dma_wait3A_68 = tpu.memref_slice %arg5[%dma_wait3A_67] : memref<4224xi32, #tpu.memory_space<vmem>> -> memref<4096xi32, #tpu.memory_space<vmem>>
        %dma_wait3A_69 = arith.constant 0 : i32
        %dma_wait3A_70 = tpu.memref_slice %arg2[%dma_wait3A_69] : memref<6400000xi32, #tpu.memory_space<hbm>> -> memref<4096xi32, #tpu.memory_space<hbm>>
        tpu.wait_dma2 semaphore(%arg8 : memref<!tpu.dma_semaphore, #tpu.memory_space<semaphore_mem>>) src(%dma_wait3A_70 : memref<4096xi32, #tpu.memory_space<hbm>>) dst(%dma_wait3A_68 : memref<4096xi32, #tpu.memory_space<vmem>>)
        %mul3A_71 = arith.constant 4096 : i32
        %mul3A_72 = arith.muli %add3A_42, %mul3A_71 : i32
        %add3A_73 = arith.addi %mul3A_2, %mul3A_72 : i32
        %min3A_74 = arith.constant 6395904 : i32
        %min3A_75 = arith.minsi %add3A_73, %min3A_74 : i32
        %multiple_of3A_76 = tpu.assume_multiple %min3A_75, 8 : i32
        %parallel_loop3A_77 = arith.constant 0 : i32
        %parallel_loop3A_78 = arith.constant 256 : i32
        %parallel_loop3A_79 = arith.constant 1 : i32
        scf.for %parallel_loop3A_80 = %parallel_loop3A_77 to %parallel_loop3A_78 step %parallel_loop3A_79  : i32 {
          %parallel_loop3A_81 = arith.constant 4 : i32
          %parallel_loop3A_82 = arith.shli %parallel_loop3A_80, %parallel_loop3A_81 : i32
          %parallel_loop3A_83 = arith.constant 7 : i32
          %parallel_loop3A_84 = arith.addi %parallel_loop3A_82, %parallel_loop3A_83 : i32
          %parallel_loop3A_85 = arith.index_cast %parallel_loop3A_84 : i32 to index
          %parallel_loop3A_86 = tpu.vector_load %arg5[%parallel_loop3A_85] {strides = array<i32>} : memref<4224xi32, #tpu.memory_space<vmem>>, vector<16xi32>,
          %parallel_loop3A_87 = arith.constant 8 : i32
          %parallel_loop3A_88 = arith.addi %parallel_loop3A_82, %parallel_loop3A_87 : i32
          %parallel_loop3A_89 = arith.index_cast %parallel_loop3A_88 : i32 to index
          %parallel_loop3A_90 = tpu.vector_load %arg5[%parallel_loop3A_89] {strides = array<i32>} : memref<4224xi32, #tpu.memory_space<vmem>>, vector<16xi32>,
          %parallel_loop3A_91 = arith.addi %multiple_of3A_76, %parallel_loop3A_82 : i32
          %parallel_loop3A_92 = vector.broadcast %parallel_loop3A_91 : i32 to vector<16xi32>
          %parallel_loop3A_93 = arith.addi %parallel_loop3A_92, %iota3A : vector<16xi32>
          %parallel_loop3A_94 = arith.constant 15 : i32
          %parallel_loop3A_95 = vector.broadcast %parallel_loop3A_94 : i32 to vector<16xi32>
          %parallel_loop3A_96 = arith.shrsi %parallel_loop3A_90, %parallel_loop3A_95 : vector<16xi32>
          %parallel_loop3A_97 = arith.constant 15 : i32
          %parallel_loop3A_98 = vector.broadcast %parallel_loop3A_97 : i32 to vector<16xi32>
          %parallel_loop3A_99 = arith.shrsi %parallel_loop3A_86, %parallel_loop3A_98 : vector<16xi32>
          %parallel_loop3A_100 = arith.cmpi sgt, %parallel_loop3A_96, %parallel_loop3A_99 : vector<16xi32>
          %parallel_loop3A_101 = arith.constant 0 : i32
          %parallel_loop3A_102 = vector.broadcast %parallel_loop3A_101 : i32 to vector<16xi32>
          %parallel_loop3A_103 = arith.cmpi eq, %parallel_loop3A_93, %parallel_loop3A_102 : vector<16xi32>
          %parallel_loop3A_104 = arith.ori %parallel_loop3A_100, %parallel_loop3A_103 : vector<16xi1>
          %parallel_loop3A_105 = vector.broadcast %add3A_4 : i32 to vector<16xi32>
          %parallel_loop3A_106 = arith.cmpi slt, %parallel_loop3A_93, %parallel_loop3A_105 : vector<16xi32>
          %parallel_loop3A_107 = arith.andi %parallel_loop3A_104, %parallel_loop3A_106 : vector<16xi1>
          tpu.vector_store_idx %arg6[%parallel_loop3A_96], %parallel_loop3A_93 masked %parallel_loop3A_107 : memref<896xi32, #tpu.memory_space<vmem>>[vector<16xi32>], vector<16xi32>, vector<16xi1>
        } {sc.loop_unroll_factor = 4 : i64, sc.parallel_access}
      } else {
      }
      %scan3A_48 = arith.constant 0 : i32
      scf.yield %scan3A_48 : i32
    }
    %scan3A_30 = arith.constant 25 : i32
    "tpu.region"() ({
      %run_scoped3A = tpu.sem_alloc : memref<!tpu.dma_semaphore, #tpu.memory_space<semaphore_mem>>
      %dma_start3A_31 = arith.constant 0 : i32
      %dma_start3A_32 = tpu.memref_slice %arg3[%add3A, %dma_start3A_31] : memref<32x896xi32, #tpu.memory_space<hbm>> -> memref<1x896xi32, #tpu.memory_space<hbm>>
      %dma_start3A_33 = tpu.memref_squeeze %dma_start3A_32 : memref<1x896xi32, #tpu.memory_space<hbm>> -> memref<896xi32, #tpu.memory_space<hbm>>
      %dma_start3A_34 = arith.constant 0 : i32
      %dma_start3A_35 = tpu.memref_slice %arg3[%add3A, %dma_start3A_34] : memref<32x896xi32, #tpu.memory_space<hbm>> -> memref<1x896xi32, #tpu.memory_space<hbm>>
      %dma_start3A_36 = tpu.memref_squeeze %dma_start3A_35 : memref<1x896xi32, #tpu.memory_space<hbm>> -> memref<896xi32, #tpu.memory_space<hbm>>
      tpu.enqueue_dma source(%arg6 : memref<896xi32, #tpu.memory_space<vmem>>) target(%dma_start3A_36 : memref<896xi32, #tpu.memory_space<hbm>>) target_semaphore(%run_scoped3A : memref<!tpu.dma_semaphore, #tpu.memory_space<semaphore_mem>>)
      %dma_wait3A = arith.constant 0 : i32
      %dma_wait3A_37 = tpu.memref_slice %arg3[%add3A, %dma_wait3A] : memref<32x896xi32, #tpu.memory_space<hbm>> -> memref<1x896xi32, #tpu.memory_space<hbm>>
      %dma_wait3A_38 = tpu.memref_squeeze %dma_wait3A_37 : memref<1x896xi32, #tpu.memory_space<hbm>> -> memref<896xi32, #tpu.memory_space<hbm>>
      %dma_wait3A_39 = arith.constant 0 : i32
      %dma_wait3A_40 = tpu.memref_slice %arg3[%add3A, %dma_wait3A_39] : memref<32x896xi32, #tpu.memory_space<hbm>> -> memref<1x896xi32, #tpu.memory_space<hbm>>
      %dma_wait3A_41 = tpu.memref_squeeze %dma_wait3A_40 : memref<1x896xi32, #tpu.memory_space<hbm>> -> memref<896xi32, #tpu.memory_space<hbm>>
      tpu.wait_dma2 semaphore(%run_scoped3A : memref<!tpu.dma_semaphore, #tpu.memory_space<semaphore_mem>>) src(%arg6 : memref<896xi32, #tpu.memory_space<vmem>>) dst(%dma_wait3A_41 : memref<896xi32, #tpu.memory_space<hbm>>)
      tpu.yield
    }) : () -> ()
    return
  }
}

#map = affine_map<(d0, d1) -> (0)>
#map1 = affine_map<(d0, d1) -> (0, 0)>
module attributes {stable_mosaic.version = 14 : i64} {
  func.func @_sc_body(%arg0: i32, %arg1: i32, %arg2: memref<6400000xi32, #tpu.memory_space<hbm>>, %arg3: memref<6400000xf32, #tpu.memory_space<hbm>>, %arg4: memref<896xi32, #tpu.memory_space<hbm>>, %arg5: memref<50000x512xf32, #tpu.memory_space<hbm>>, %arg6: memref<64x512xf32, #tpu.memory_space<vmem>>, %arg7: memref<64x512xf32, #tpu.memory_space<vmem>>, %arg8: memref<4224xi32, #tpu.memory_space<vmem>>, %arg9: memref<4224xi32, #tpu.memory_space<vmem>>, %arg10: memref<4096xf32, #tpu.memory_space<vmem>>, %arg11: memref<4096xf32, #tpu.memory_space<vmem>>, %arg12: memref<896xi32, #tpu.memory_space<vmem>>, %arg13: memref<!tpu.dma_semaphore, #tpu.memory_space<semaphore_mem>>, %arg14: memref<!tpu.dma_semaphore, #tpu.memory_space<semaphore_mem>>, %arg15: memref<!tpu.dma_semaphore, #tpu.memory_space<semaphore_mem>>, %arg16: memref<!tpu.dma_semaphore, #tpu.memory_space<semaphore_mem>>) attributes {dimension_semantics = [#tpu.dimension_semantics<core_parallel>, #tpu.dimension_semantics<subcore_parallel>], iteration_bounds = array<i64: 2, 16>, scalar_prefetch = 0 : i64, scratch_operands = 11 : i64, tpu.core_type = #tpu.core_type<sc_vector_subcore>, window_params = [{transform_indices = #map}, {transform_indices = #map}, {transform_indices = #map}, {transform_indices = #map1}]} {
    %mul3A = arith.constant 2 : i32
    %mul3A_0 = arith.muli %arg1, %mul3A : i32
    %add3A = arith.addi %mul3A_0, %arg0 : i32
    %iota3A = tpu.iota {dimensions = array<i32: 0>} : vector<16xi32>
    %broadcast_in_dim3A = arith.constant 0.000000e+00 : f32
    %broadcast_in_dim3A_1 = vector.broadcast %broadcast_in_dim3A : f32 to vector<16xf32>
    "tpu.region"() ({
      %run_scoped3A = tpu.sem_alloc : memref<!tpu.dma_semaphore, #tpu.memory_space<semaphore_mem>>
      tpu.enqueue_dma source(%arg4 : memref<896xi32, #tpu.memory_space<hbm>>) target(%arg12 : memref<896xi32, #tpu.memory_space<vmem>>) target_semaphore(%run_scoped3A : memref<!tpu.dma_semaphore, #tpu.memory_space<semaphore_mem>>)
      tpu.wait_dma2 semaphore(%run_scoped3A : memref<!tpu.dma_semaphore, #tpu.memory_space<semaphore_mem>>) src(%arg4 : memref<896xi32, #tpu.memory_space<hbm>>) dst(%arg12 : memref<896xi32, #tpu.memory_space<vmem>>)
      tpu.yield
    }) : () -> ()
    %scan3A = arith.constant 0 : i32
    %scan3A_2 = arith.constant 0 : i32
    %scan3A_3 = arith.constant 13 : i32
    %scan3A_4 = arith.addi %scan3A_2, %scan3A_3 : i32
    %scan3A_5 = arith.constant 1 : i32
    %scan3A_6 = scf.for %scan3A_93 = %scan3A_2 to %scan3A_4 step %scan3A_5 iter_args(%scan3A_94 = %scan3A) -> (i32)  : i32 {
      %mul3A_95 = arith.constant 2 : i32
      %mul3A_96 = arith.muli %mul3A_95, %scan3A_93 : i32
      %add3A_97 = arith.constant 0 : i32
      %add3A_98 = arith.addi %mul3A_96, %add3A_97 : i32
      %mul3A_99 = arith.constant 32 : i32
      %mul3A_100 = arith.muli %mul3A_99, %add3A_98 : i32
      %add3A_101 = arith.addi %add3A, %mul3A_100 : i32
      %lt3A_102 = arith.constant 782 : i32
      %lt3A_103 = arith.cmpi slt, %add3A_101, %lt3A_102 : i32
      %convert_element_type3A_104 = arith.extui %lt3A_103 : i1 to i32
      %cond3A_105 = arith.constant 0 : i32
      %cond3A_106 = arith.cmpi ne, %convert_element_type3A_104, %cond3A_105 : i32
      scf.if %cond3A_106 {
        %mul3A_120 = arith.constant 64 : i32
        %mul3A_121 = arith.muli %add3A_101, %mul3A_120 : i32
        %get3A = arith.index_cast %add3A_101 : i32 to index
        %get3A_122 = tpu.vector_load %arg12[%get3A] {strides = array<i32>} : memref<896xi32, #tpu.memory_space<vmem>>, vector<16xi32>,
        %slice3A = vector.extract_strided_slice %get3A_122 {offsets = [0], sizes = [1], strides = [1]} : vector<16xi32> to vector<1xi32>
        %squeeze3A = vector.extract %slice3A[0] : i32 from vector<1xi32>
        %slice3A_123 = vector.extract_strided_slice %get3A_122 {offsets = [1], sizes = [1], strides = [1]} : vector<16xi32> to vector<1xi32>
        %squeeze3A_124 = vector.extract %slice3A_123[0] : i32 from vector<1xi32>
        %and3A_125 = arith.constant -8 : i32
        %and3A_126 = arith.andi %squeeze3A, %and3A_125 : i32
        %sub3A_127 = arith.subi %squeeze3A_124, %and3A_126 : i32
        %add3A_128 = arith.constant 4096 : i32
        %add3A_129 = arith.addi %sub3A_127, %add3A_128 : i32
        %sub3A_130 = arith.constant 1 : i32
        %sub3A_131 = arith.subi %add3A_129, %sub3A_130 : i32
        %shift_right_arithmetic3A = arith.constant 12 : i32
        %shift_right_arithmetic3A_132 = arith.shrsi %sub3A_131, %shift_right_arithmetic3A : i32
        %gt3A_133 = arith.constant 0 : i32
        %gt3A_134 = arith.cmpi sgt, %shift_right_arithmetic3A_132, %gt3A_133 : i32
        %convert_element_type3A_135 = arith.extui %gt3A_134 : i1 to i32
        %cond3A_136 = arith.constant 0 : i32
        %cond3A_137 = arith.cmpi ne, %convert_element_type3A_135, %cond3A_136 : i32
        scf.if %cond3A_137 {
          %add3A_169 = arith.constant 0 : i32
          %add3A_170 = arith.addi %and3A_126, %add3A_169 : i32
          %min3A = arith.constant 6395904 : i32
          %min3A_171 = arith.minsi %add3A_170, %min3A : i32
          %multiple_of3A_172 = tpu.assume_multiple %min3A_171, 8 : i32
          %add3A_173 = arith.constant 4096 : i32
          %add3A_174 = arith.addi %multiple_of3A_172, %add3A_173 : i32
          %min3A_175 = arith.constant 6399992 : i32
          %min3A_176 = arith.minsi %add3A_174, %min3A_175 : i32
          %multiple_of3A_177 = tpu.assume_multiple %min3A_176, 8 : i32
          %dma_start3A = arith.constant 0 : i32
          %dma_start3A_178 = tpu.memref_slice %arg8[%dma_start3A] : memref<4224xi32, #tpu.memory_space<vmem>> -> memref<4096xi32, #tpu.memory_space<vmem>>
          %dma_start3A_179 = tpu.memref_slice %arg2[%multiple_of3A_172] : memref<6400000xi32, #tpu.memory_space<hbm>> -> memref<4096xi32, #tpu.memory_space<hbm>>
          %dma_start3A_180 = arith.constant 0 : i32
          %dma_start3A_181 = tpu.memref_slice %arg8[%dma_start3A_180] : memref<4224xi32, #tpu.memory_space<vmem>> -> memref<4096xi32, #tpu.memory_space<vmem>>
          %dma_start3A_182 = tpu.memref_slice %arg2[%multiple_of3A_172] : memref<6400000xi32, #tpu.memory_space<hbm>> -> memref<4096xi32, #tpu.memory_space<hbm>>
          tpu.enqueue_dma source(%dma_start3A_182 : memref<4096xi32, #tpu.memory_space<hbm>>) target(%dma_start3A_181 : memref<4096xi32, #tpu.memory_space<vmem>>) target_semaphore(%arg13 : memref<!tpu.dma_semaphore, #tpu.memory_space<semaphore_mem>>)
          %dma_start3A_183 = arith.constant 4096 : i32
          %dma_start3A_184 = tpu.memref_slice %arg8[%dma_start3A_183] : memref<4224xi32, #tpu.memory_space<vmem>> -> memref<8xi32, #tpu.memory_space<vmem>>
          %dma_start3A_185 = tpu.memref_slice %arg2[%multiple_of3A_177] : memref<6400000xi32, #tpu.memory_space<hbm>> -> memref<8xi32, #tpu.memory_space<hbm>>
          %dma_start3A_186 = arith.constant 4096 : i32
          %dma_start3A_187 = tpu.memref_slice %arg8[%dma_start3A_186] : memref<4224xi32, #tpu.memory_space<vmem>> -> memref<8xi32, #tpu.memory_space<vmem>>
          %dma_start3A_188 = tpu.memref_slice %arg2[%multiple_of3A_177] : memref<6400000xi32, #tpu.memory_space<hbm>> -> memref<8xi32, #tpu.memory_space<hbm>>
          tpu.enqueue_dma source(%dma_start3A_188 : memref<8xi32, #tpu.memory_space<hbm>>) target(%dma_start3A_187 : memref<8xi32, #tpu.memory_space<vmem>>) target_semaphore(%arg13 : memref<!tpu.dma_semaphore, #tpu.memory_space<semaphore_mem>>)
          %dma_start3A_189 = tpu.memref_slice %arg3[%multiple_of3A_172] : memref<6400000xf32, #tpu.memory_space<hbm>> -> memref<4096xf32, #tpu.memory_space<hbm>>
          %dma_start3A_190 = tpu.memref_slice %arg3[%multiple_of3A_172] : memref<6400000xf32, #tpu.memory_space<hbm>> -> memref<4096xf32, #tpu.memory_space<hbm>>
          tpu.enqueue_dma source(%dma_start3A_190 : memref<4096xf32, #tpu.memory_space<hbm>>) target(%arg10 : memref<4096xf32, #tpu.memory_space<vmem>>) target_semaphore(%arg13 : memref<!tpu.dma_semaphore, #tpu.memory_space<semaphore_mem>>)
        } else {
        }
        %ge3A = arith.constant 2 : i32
        %ge3A_138 = arith.cmpi sge, %add3A_98, %ge3A : i32
        %convert_element_type3A_139 = arith.extui %ge3A_138 : i1 to i32
        %cond3A_140 = arith.constant 0 : i32
        %cond3A_141 = arith.cmpi ne, %convert_element_type3A_139, %cond3A_140 : i32
        scf.if %cond3A_141 {
          %dma_wait3A = arith.constant 0 : i32
          %dma_wait3A_169 = arith.constant 0 : i32
          %dma_wait3A_170 = tpu.memref_slice %arg5[%dma_wait3A, %dma_wait3A_169] : memref<50000x512xf32, #tpu.memory_space<hbm>> -> memref<64x512xf32, #tpu.memory_space<hbm>>
          %dma_wait3A_171 = arith.constant 0 : i32
          %dma_wait3A_172 = arith.constant 0 : i32
          %dma_wait3A_173 = tpu.memref_slice %arg5[%dma_wait3A_171, %dma_wait3A_172] : memref<50000x512xf32, #tpu.memory_space<hbm>> -> memref<64x512xf32, #tpu.memory_space<hbm>>
          tpu.wait_dma2 semaphore(%arg15 : memref<!tpu.dma_semaphore, #tpu.memory_space<semaphore_mem>>) src(%arg6 : memref<64x512xf32, #tpu.memory_space<vmem>>) dst(%dma_wait3A_173 : memref<64x512xf32, #tpu.memory_space<hbm>>)
        } else {
        }
        %parallel_loop3A = arith.constant 0 : i32
        %parallel_loop3A_142 = arith.constant 2048 : i32
        %parallel_loop3A_143 = arith.constant 1 : i32
        scf.for %parallel_loop3A_169 = %parallel_loop3A to %parallel_loop3A_142 step %parallel_loop3A_143  : i32 {
          %parallel_loop3A_170 = arith.constant 5 : i32
          %parallel_loop3A_171 = arith.shrsi %parallel_loop3A_169, %parallel_loop3A_170 : i32
          %parallel_loop3A_172 = arith.constant 31 : i32
          %parallel_loop3A_173 = arith.andi %parallel_loop3A_169, %parallel_loop3A_172 : i32
          %parallel_loop3A_174 = arith.constant 4 : i32
          %parallel_loop3A_175 = arith.shli %parallel_loop3A_173, %parallel_loop3A_174 : i32
          %parallel_loop3A_176 = arith.index_cast %parallel_loop3A_171 : i32 to index
          %parallel_loop3A_177 = arith.index_cast %parallel_loop3A_175 : i32 to index
          %parallel_loop3A_178 = tpu.vector_load %arg6[%parallel_loop3A_176, %parallel_loop3A_177] {strides = array<i32>} : memref<64x512xf32, #tpu.memory_space<vmem>>, vector<16xf32>,
          tpu.vector_store %arg6[%parallel_loop3A_176, %parallel_loop3A_177], %broadcast_in_dim3A_1 {strides = array<i32>} : memref<64x512xf32, #tpu.memory_space<vmem>>, vector<16xf32>,
        } {sc.loop_unroll_factor = 8 : i64, sc.parallel_access}
        %add3A_144 = arith.constant 1 : i32
        %add3A_145 = arith.addi %shift_right_arithmetic3A_132, %add3A_144 : i32
        %shift_right_arithmetic3A_146 = arith.constant 1 : i32
        %shift_right_arithmetic3A_147 = arith.shrsi %add3A_145, %shift_right_arithmetic3A_146 : i32
        %while3A = arith.constant 0 : i32
        %while3A_148 = arith.constant 0 : i32
        %while3A_149 = arith.subi %shift_right_arithmetic3A_147, %while3A : i32
        %while3A_150 = arith.addi %while3A, %while3A_149 : i32
        %while3A_151 = arith.constant 1 : i32
        %while3A_152 = arith.divsi %while3A_149, %while3A_151 : i32
        %while3A_153 = arith.muli %while3A_152, %while3A_151 : i32
        %while3A_154 = arith.addi %while3A, %while3A_153 : i32
        %while3A_155 = arith.constant 1 : i32
        %while3A_156 = scf.for %while3A_169 = %while3A to %while3A_154 step %while3A_155 iter_args(%while3A_170 = %while3A_148) -> (i32)  : i32 {
          %mul3A_171 = arith.constant 2 : i32
          %mul3A_172 = arith.muli %mul3A_171, %while3A_169 : i32
          %add3A_173 = arith.constant 0 : i32
          %add3A_174 = arith.addi %mul3A_172, %add3A_173 : i32
          %lt3A_175 = arith.cmpi slt, %add3A_174, %shift_right_arithmetic3A_132 : i32
          %convert_element_type3A_176 = arith.extui %lt3A_175 : i1 to i32
          %cond3A_177 = arith.constant 0 : i32
          %cond3A_178 = arith.cmpi ne, %convert_element_type3A_176, %cond3A_177 : i32
          scf.if %cond3A_178 {
            %add3A_188 = arith.constant 1 : i32
            %add3A_189 = arith.addi %add3A_174, %add3A_188 : i32
            %lt3A_190 = arith.cmpi slt, %add3A_189, %shift_right_arithmetic3A_132 : i32
            %convert_element_type3A_191 = arith.extui %lt3A_190 : i1 to i32
            %cond3A_192 = arith.constant 0 : i32
            %cond3A_193 = arith.cmpi ne, %convert_element_type3A_191, %cond3A_192 : i32
            scf.if %cond3A_193 {
              %add3A_221 = arith.constant 1 : i32
              %add3A_222 = arith.addi %add3A_174, %add3A_221 : i32
              %mul3A_223 = arith.constant 4096 : i32
              %mul3A_224 = arith.muli %add3A_222, %mul3A_223 : i32
              %add3A_225 = arith.addi %and3A_126, %mul3A_224 : i32
              %min3A_226 = arith.constant 6395904 : i32
              %min3A_227 = arith.minsi %add3A_225, %min3A_226 : i32
              %multiple_of3A_228 = tpu.assume_multiple %min3A_227, 8 : i32
              %add3A_229 = arith.constant 4096 : i32
              %add3A_230 = arith.addi %multiple_of3A_228, %add3A_229 : i32
              %min3A_231 = arith.constant 6399992 : i32
              %min3A_232 = arith.minsi %add3A_230, %min3A_231 : i32
              %multiple_of3A_233 = tpu.assume_multiple %min3A_232, 8 : i32
              %dma_start3A = arith.constant 0 : i32
              %dma_start3A_234 = tpu.memref_slice %arg9[%dma_start3A] : memref<4224xi32, #tpu.memory_space<vmem>> -> memref<4096xi32, #tpu.memory_space<vmem>>
              %dma_start3A_235 = tpu.memref_slice %arg2[%multiple_of3A_228] : memref<6400000xi32, #tpu.memory_space<hbm>> -> memref<4096xi32, #tpu.memory_space<hbm>>
              %dma_start3A_236 = arith.constant 0 : i32
              %dma_start3A_237 = tpu.memref_slice %arg9[%dma_start3A_236] : memref<4224xi32, #tpu.memory_space<vmem>> -> memref<4096xi32, #tpu.memory_space<vmem>>
              %dma_start3A_238 = tpu.memref_slice %arg2[%multiple_of3A_228] : memref<6400000xi32, #tpu.memory_space<hbm>> -> memref<4096xi32, #tpu.memory_space<hbm>>
              tpu.enqueue_dma source(%dma_start3A_238 : memref<4096xi32, #tpu.memory_space<hbm>>) target(%dma_start3A_237 : memref<4096xi32, #tpu.memory_space<vmem>>) target_semaphore(%arg14 : memref<!tpu.dma_semaphore, #tpu.memory_space<semaphore_mem>>)
              %dma_start3A_239 = arith.constant 4096 : i32
              %dma_start3A_240 = tpu.memref_slice %arg9[%dma_start3A_239] : memref<4224xi32, #tpu.memory_space<vmem>> -> memref<8xi32, #tpu.memory_space<vmem>>
              %dma_start3A_241 = tpu.memref_slice %arg2[%multiple_of3A_233] : memref<6400000xi32, #tpu.memory_space<hbm>> -> memref<8xi32, #tpu.memory_space<hbm>>
              %dma_start3A_242 = arith.constant 4096 : i32
              %dma_start3A_243 = tpu.memref_slice %arg9[%dma_start3A_242] : memref<4224xi32, #tpu.memory_space<vmem>> -> memref<8xi32, #tpu.memory_space<vmem>>
              %dma_start3A_244 = tpu.memref_slice %arg2[%multiple_of3A_233] : memref<6400000xi32, #tpu.memory_space<hbm>> -> memref<8xi32, #tpu.memory_space<hbm>>
              tpu.enqueue_dma source(%dma_start3A_244 : memref<8xi32, #tpu.memory_space<hbm>>) target(%dma_start3A_243 : memref<8xi32, #tpu.memory_space<vmem>>) target_semaphore(%arg14 : memref<!tpu.dma_semaphore, #tpu.memory_space<semaphore_mem>>)
              %dma_start3A_245 = tpu.memref_slice %arg3[%multiple_of3A_228] : memref<6400000xf32, #tpu.memory_space<hbm>> -> memref<4096xf32, #tpu.memory_space<hbm>>
              %dma_start3A_246 = tpu.memref_slice %arg3[%multiple_of3A_228] : memref<6400000xf32, #tpu.memory_space<hbm>> -> memref<4096xf32, #tpu.memory_space<hbm>>
              tpu.enqueue_dma source(%dma_start3A_246 : memref<4096xf32, #tpu.memory_space<hbm>>) target(%arg11 : memref<4096xf32, #tpu.memory_space<vmem>>) target_semaphore(%arg14 : memref<!tpu.dma_semaphore, #tpu.memory_space<semaphore_mem>>)
            } else {
            }
            %dma_wait3A = arith.constant 0 : i32
            %dma_wait3A_194 = tpu.memref_slice %arg8[%dma_wait3A] : memref<4224xi32, #tpu.memory_space<vmem>> -> memref<4096xi32, #tpu.memory_space<vmem>>
            %dma_wait3A_195 = arith.constant 0 : i32
            %dma_wait3A_196 = tpu.memref_slice %arg2[%dma_wait3A_195] : memref<6400000xi32, #tpu.memory_space<hbm>> -> memref<4096xi32, #tpu.memory_space<hbm>>
            %dma_wait3A_197 = arith.constant 0 : i32
            %dma_wait3A_198 = tpu.memref_slice %arg8[%dma_wait3A_197] : memref<4224xi32, #tpu.memory_space<vmem>> -> memref<4096xi32, #tpu.memory_space<vmem>>
            %dma_wait3A_199 = arith.constant 0 : i32
            %dma_wait3A_200 = tpu.memref_slice %arg2[%dma_wait3A_199] : memref<6400000xi32, #tpu.memory_space<hbm>> -> memref<4096xi32, #tpu.memory_space<hbm>>
            tpu.wait_dma2 semaphore(%arg13 : memref<!tpu.dma_semaphore, #tpu.memory_space<semaphore_mem>>) src(%dma_wait3A_200 : memref<4096xi32, #tpu.memory_space<hbm>>) dst(%dma_wait3A_198 : memref<4096xi32, #tpu.memory_space<vmem>>)
            %dma_wait3A_201 = arith.constant 4096 : i32
            %dma_wait3A_202 = tpu.memref_slice %arg8[%dma_wait3A_201] : memref<4224xi32, #tpu.memory_space<vmem>> -> memref<8xi32, #tpu.memory_space<vmem>>
            %dma_wait3A_203 = arith.constant 0 : i32
            %dma_wait3A_204 = tpu.memref_slice %arg2[%dma_wait3A_203] : memref<6400000xi32, #tpu.memory_space<hbm>> -> memref<8xi32, #tpu.memory_space<hbm>>
            %dma_wait3A_205 = arith.constant 4096 : i32
            %dma_wait3A_206 = tpu.memref_slice %arg8[%dma_wait3A_205] : memref<4224xi32, #tpu.memory_space<vmem>> -> memref<8xi32, #tpu.memory_space<vmem>>
            %dma_wait3A_207 = arith.constant 0 : i32
            %dma_wait3A_208 = tpu.memref_slice %arg2[%dma_wait3A_207] : memref<6400000xi32, #tpu.memory_space<hbm>> -> memref<8xi32, #tpu.memory_space<hbm>>
            tpu.wait_dma2 semaphore(%arg13 : memref<!tpu.dma_semaphore, #tpu.memory_space<semaphore_mem>>) src(%dma_wait3A_208 : memref<8xi32, #tpu.memory_space<hbm>>) dst(%dma_wait3A_206 : memref<8xi32, #tpu.memory_space<vmem>>)
            %dma_wait3A_209 = arith.constant 0 : i32
            %dma_wait3A_210 = tpu.memref_slice %arg3[%dma_wait3A_209] : memref<6400000xf32, #tpu.memory_space<hbm>> -> memref<4096xf32, #tpu.memory_space<hbm>>
            %dma_wait3A_211 = arith.constant 0 : i32
            %dma_wait3A_212 = tpu.memref_slice %arg3[%dma_wait3A_211] : memref<6400000xf32, #tpu.memory_space<hbm>> -> memref<4096xf32, #tpu.memory_space<hbm>>
            tpu.wait_dma2 semaphore(%arg13 : memref<!tpu.dma_semaphore, #tpu.memory_space<semaphore_mem>>) src(%dma_wait3A_212 : memref<4096xf32, #tpu.memory_space<hbm>>) dst(%arg10 : memref<4096xf32, #tpu.memory_space<vmem>>)
            %mul3A_213 = arith.constant 4096 : i32
            %mul3A_214 = arith.muli %add3A_174, %mul3A_213 : i32
            %add3A_215 = arith.addi %and3A_126, %mul3A_214 : i32
            %min3A = arith.constant 6395904 : i32
            %min3A_216 = arith.minsi %add3A_215, %min3A : i32
            %multiple_of3A_217 = tpu.assume_multiple %min3A_216, 8 : i32
            %parallel_loop3A_218 = arith.constant 0 : i32
            %parallel_loop3A_219 = arith.constant 256 : i32
            %parallel_loop3A_220 = arith.constant 1 : i32
            scf.for %parallel_loop3A_221 = %parallel_loop3A_218 to %parallel_loop3A_219 step %parallel_loop3A_220  : i32 {
              %parallel_loop3A_222 = arith.constant 4 : i32
              %parallel_loop3A_223 = arith.shli %parallel_loop3A_221, %parallel_loop3A_222 : i32
              %parallel_loop3A_224 = arith.index_cast %parallel_loop3A_223 : i32 to index
              %parallel_loop3A_225 = tpu.vector_load %arg8[%parallel_loop3A_224] {strides = array<i32>} : memref<4224xi32, #tpu.memory_space<vmem>>, vector<16xi32>,
              %parallel_loop3A_226 = arith.constant 1 : i32
              %parallel_loop3A_227 = arith.addi %parallel_loop3A_223, %parallel_loop3A_226 : i32
              %parallel_loop3A_228 = arith.index_cast %parallel_loop3A_227 : i32 to index
              %parallel_loop3A_229 = tpu.vector_load %arg8[%parallel_loop3A_228] {strides = array<i32>} : memref<4224xi32, #tpu.memory_space<vmem>>, vector<16xi32>,
              %parallel_loop3A_230 = arith.index_cast %parallel_loop3A_223 : i32 to index
              %parallel_loop3A_231 = tpu.vector_load %arg10[%parallel_loop3A_230] {strides = array<i32>} : memref<4096xf32, #tpu.memory_space<vmem>>, vector<16xf32>,
              %parallel_loop3A_232 = arith.addi %multiple_of3A_217, %parallel_loop3A_223 : i32
              %parallel_loop3A_233 = vector.broadcast %parallel_loop3A_232 : i32 to vector<16xi32>
              %parallel_loop3A_234 = arith.addi %parallel_loop3A_233, %iota3A : vector<16xi32>
              %parallel_loop3A_235 = vector.broadcast %squeeze3A : i32 to vector<16xi32>
              %parallel_loop3A_236 = arith.cmpi sge, %parallel_loop3A_234, %parallel_loop3A_235 : vector<16xi32>
              %parallel_loop3A_237 = vector.broadcast %squeeze3A_124 : i32 to vector<16xi32>
              %parallel_loop3A_238 = arith.cmpi slt, %parallel_loop3A_234, %parallel_loop3A_237 : vector<16xi32>
              %parallel_loop3A_239 = arith.andi %parallel_loop3A_236, %parallel_loop3A_238 : vector<16xi1>
              %parallel_loop3A_240 = arith.cmpi ne, %parallel_loop3A_225, %parallel_loop3A_229 : vector<16xi32>
              %parallel_loop3A_241 = arith.constant 6399999 : i32
              %parallel_loop3A_242 = vector.broadcast %parallel_loop3A_241 : i32 to vector<16xi32>
              %parallel_loop3A_243 = arith.cmpi eq, %parallel_loop3A_234, %parallel_loop3A_242 : vector<16xi32>
              %parallel_loop3A_244 = arith.ori %parallel_loop3A_240, %parallel_loop3A_243 : vector<16xi1>
              %parallel_loop3A_245 = arith.andi %parallel_loop3A_239, %parallel_loop3A_244 : vector<16xi1>
              %parallel_loop3A_246 = arith.constant 9 : i32
              %parallel_loop3A_247 = vector.broadcast %parallel_loop3A_246 : i32 to vector<16xi32>
              %parallel_loop3A_248 = arith.shrsi %parallel_loop3A_225, %parallel_loop3A_247 : vector<16xi32>
              %parallel_loop3A_249 = vector.broadcast %mul3A_121 : i32 to vector<16xi32>
              %parallel_loop3A_250 = arith.subi %parallel_loop3A_248, %parallel_loop3A_249 : vector<16xi32>
              %parallel_loop3A_251 = arith.constant 511 : i32
              %parallel_loop3A_252 = vector.broadcast %parallel_loop3A_251 : i32 to vector<16xi32>
              %parallel_loop3A_253 = arith.andi %parallel_loop3A_225, %parallel_loop3A_252 : vector<16xi32>
              tpu.vector_store_idx %arg6[%parallel_loop3A_250, %parallel_loop3A_253], %parallel_loop3A_231 masked %parallel_loop3A_245 : memref<64x512xf32, #tpu.memory_space<vmem>>[vector<16xi32>, vector<16xi32>], vector<16xf32>, vector<16xi1>
            } {sc.loop_unroll_factor = 4 : i64, sc.parallel_access}
          } else {
          }
          %mul3A_179 = arith.constant 2 : i32
          %mul3A_180 = arith.muli %mul3A_179, %while3A_169 : i32
          %add3A_181 = arith.constant 1 : i32
          %add3A_182 = arith.addi %mul3A_180, %add3A_181 : i32
          %lt3A_183 = arith.cmpi slt, %add3A_182, %shift_right_arithmetic3A_132 : i32
          %convert_element_type3A_184 = arith.extui %lt3A_183 : i1 to i32
          %cond3A_185 = arith.constant 0 : i32
          %cond3A_186 = arith.cmpi ne, %convert_element_type3A_184, %cond3A_185 : i32
          scf.if %cond3A_186 {
            %add3A_188 = arith.constant 1 : i32
            %add3A_189 = arith.addi %add3A_182, %add3A_188 : i32
            %lt3A_190 = arith.cmpi slt, %add3A_189, %shift_right_arithmetic3A_132 : i32
            %convert_element_type3A_191 = arith.extui %lt3A_190 : i1 to i32
            %cond3A_192 = arith.constant 0 : i32
            %cond3A_193 = arith.cmpi ne, %convert_element_type3A_191, %cond3A_192 : i32
            scf.if %cond3A_193 {
              %add3A_221 = arith.constant 1 : i32
              %add3A_222 = arith.addi %add3A_182, %add3A_221 : i32
              %mul3A_223 = arith.constant 4096 : i32
              %mul3A_224 = arith.muli %add3A_222, %mul3A_223 : i32
              %add3A_225 = arith.addi %and3A_126, %mul3A_224 : i32
              %min3A_226 = arith.constant 6395904 : i32
              %min3A_227 = arith.minsi %add3A_225, %min3A_226 : i32
              %multiple_of3A_228 = tpu.assume_multiple %min3A_227, 8 : i32
              %add3A_229 = arith.constant 4096 : i32
              %add3A_230 = arith.addi %multiple_of3A_228, %add3A_229 : i32
              %min3A_231 = arith.constant 6399992 : i32
              %min3A_232 = arith.minsi %add3A_230, %min3A_231 : i32
              %multiple_of3A_233 = tpu.assume_multiple %min3A_232, 8 : i32
              %dma_start3A = arith.constant 0 : i32
              %dma_start3A_234 = tpu.memref_slice %arg8[%dma_start3A] : memref<4224xi32, #tpu.memory_space<vmem>> -> memref<4096xi32, #tpu.memory_space<vmem>>
              %dma_start3A_235 = tpu.memref_slice %arg2[%multiple_of3A_228] : memref<6400000xi32, #tpu.memory_space<hbm>> -> memref<4096xi32, #tpu.memory_space<hbm>>
              %dma_start3A_236 = arith.constant 0 : i32
              %dma_start3A_237 = tpu.memref_slice %arg8[%dma_start3A_236] : memref<4224xi32, #tpu.memory_space<vmem>> -> memref<4096xi32, #tpu.memory_space<vmem>>
              %dma_start3A_238 = tpu.memref_slice %arg2[%multiple_of3A_228] : memref<6400000xi32, #tpu.memory_space<hbm>> -> memref<4096xi32, #tpu.memory_space<hbm>>
              tpu.enqueue_dma source(%dma_start3A_238 : memref<4096xi32, #tpu.memory_space<hbm>>) target(%dma_start3A_237 : memref<4096xi32, #tpu.memory_space<vmem>>) target_semaphore(%arg13 : memref<!tpu.dma_semaphore, #tpu.memory_space<semaphore_mem>>)
              %dma_start3A_239 = arith.constant 4096 : i32
              %dma_start3A_240 = tpu.memref_slice %arg8[%dma_start3A_239] : memref<4224xi32, #tpu.memory_space<vmem>> -> memref<8xi32, #tpu.memory_space<vmem>>
              %dma_start3A_241 = tpu.memref_slice %arg2[%multiple_of3A_233] : memref<6400000xi32, #tpu.memory_space<hbm>> -> memref<8xi32, #tpu.memory_space<hbm>>
              %dma_start3A_242 = arith.constant 4096 : i32
              %dma_start3A_243 = tpu.memref_slice %arg8[%dma_start3A_242] : memref<4224xi32, #tpu.memory_space<vmem>> -> memref<8xi32, #tpu.memory_space<vmem>>
              %dma_start3A_244 = tpu.memref_slice %arg2[%multiple_of3A_233] : memref<6400000xi32, #tpu.memory_space<hbm>> -> memref<8xi32, #tpu.memory_space<hbm>>
              tpu.enqueue_dma source(%dma_start3A_244 : memref<8xi32, #tpu.memory_space<hbm>>) target(%dma_start3A_243 : memref<8xi32, #tpu.memory_space<vmem>>) target_semaphore(%arg13 : memref<!tpu.dma_semaphore, #tpu.memory_space<semaphore_mem>>)
              %dma_start3A_245 = tpu.memref_slice %arg3[%multiple_of3A_228] : memref<6400000xf32, #tpu.memory_space<hbm>> -> memref<4096xf32, #tpu.memory_space<hbm>>
              %dma_start3A_246 = tpu.memref_slice %arg3[%multiple_of3A_228] : memref<6400000xf32, #tpu.memory_space<hbm>> -> memref<4096xf32, #tpu.memory_space<hbm>>
              tpu.enqueue_dma source(%dma_start3A_246 : memref<4096xf32, #tpu.memory_space<hbm>>) target(%arg10 : memref<4096xf32, #tpu.memory_space<vmem>>) target_semaphore(%arg13 : memref<!tpu.dma_semaphore, #tpu.memory_space<semaphore_mem>>)
            } else {
            }
            %dma_wait3A = arith.constant 0 : i32
            %dma_wait3A_194 = tpu.memref_slice %arg9[%dma_wait3A] : memref<4224xi32, #tpu.memory_space<vmem>> -> memref<4096xi32, #tpu.memory_space<vmem>>
            %dma_wait3A_195 = arith.constant 0 : i32
            %dma_wait3A_196 = tpu.memref_slice %arg2[%dma_wait3A_195] : memref<6400000xi32, #tpu.memory_space<hbm>> -> memref<4096xi32, #tpu.memory_space<hbm>>
            %dma_wait3A_197 = arith.constant 0 : i32
            %dma_wait3A_198 = tpu.memref_slice %arg9[%dma_wait3A_197] : memref<4224xi32, #tpu.memory_space<vmem>> -> memref<4096xi32, #tpu.memory_space<vmem>>
            %dma_wait3A_199 = arith.constant 0 : i32
            %dma_wait3A_200 = tpu.memref_slice %arg2[%dma_wait3A_199] : memref<6400000xi32, #tpu.memory_space<hbm>> -> memref<4096xi32, #tpu.memory_space<hbm>>
            tpu.wait_dma2 semaphore(%arg14 : memref<!tpu.dma_semaphore, #tpu.memory_space<semaphore_mem>>) src(%dma_wait3A_200 : memref<4096xi32, #tpu.memory_space<hbm>>) dst(%dma_wait3A_198 : memref<4096xi32, #tpu.memory_space<vmem>>)
            %dma_wait3A_201 = arith.constant 4096 : i32
            %dma_wait3A_202 = tpu.memref_slice %arg9[%dma_wait3A_201] : memref<4224xi32, #tpu.memory_space<vmem>> -> memref<8xi32, #tpu.memory_space<vmem>>
            %dma_wait3A_203 = arith.constant 0 : i32
            %dma_wait3A_204 = tpu.memref_slice %arg2[%dma_wait3A_203] : memref<6400000xi32, #tpu.memory_space<hbm>> -> memref<8xi32, #tpu.memory_space<hbm>>
            %dma_wait3A_205 = arith.constant 4096 : i32
            %dma_wait3A_206 = tpu.memref_slice %arg9[%dma_wait3A_205] : memref<4224xi32, #tpu.memory_space<vmem>> -> memref<8xi32, #tpu.memory_space<vmem>>
            %dma_wait3A_207 = arith.constant 0 : i32
            %dma_wait3A_208 = tpu.memref_slice %arg2[%dma_wait3A_207] : memref<6400000xi32, #tpu.memory_space<hbm>> -> memref<8xi32, #tpu.memory_space<hbm>>
            tpu.wait_dma2 semaphore(%arg14 : memref<!tpu.dma_semaphore, #tpu.memory_space<semaphore_mem>>) src(%dma_wait3A_208 : memref<8xi32, #tpu.memory_space<hbm>>) dst(%dma_wait3A_206 : memref<8xi32, #tpu.memory_space<vmem>>)
            %dma_wait3A_209 = arith.constant 0 : i32
            %dma_wait3A_210 = tpu.memref_slice %arg3[%dma_wait3A_209] : memref<6400000xf32, #tpu.memory_space<hbm>> -> memref<4096xf32, #tpu.memory_space<hbm>>
            %dma_wait3A_211 = arith.constant 0 : i32
            %dma_wait3A_212 = tpu.memref_slice %arg3[%dma_wait3A_211] : memref<6400000xf32, #tpu.memory_space<hbm>> -> memref<4096xf32, #tpu.memory_space<hbm>>
            tpu.wait_dma2 semaphore(%arg14 : memref<!tpu.dma_semaphore, #tpu.memory_space<semaphore_mem>>) src(%dma_wait3A_212 : memref<4096xf32, #tpu.memory_space<hbm>>) dst(%arg11 : memref<4096xf32, #tpu.memory_space<vmem>>)
            %mul3A_213 = arith.constant 4096 : i32
            %mul3A_214 = arith.muli %add3A_182, %mul3A_213 : i32
            %add3A_215 = arith.addi %and3A_126, %mul3A_214 : i32
            %min3A = arith.constant 6395904 : i32
            %min3A_216 = arith.minsi %add3A_215, %min3A : i32
            %multiple_of3A_217 = tpu.assume_multiple %min3A_216, 8 : i32
            %parallel_loop3A_218 = arith.constant 0 : i32
            %parallel_loop3A_219 = arith.constant 256 : i32
            %parallel_loop3A_220 = arith.constant 1 : i32
            scf.for %parallel_loop3A_221 = %parallel_loop3A_218 to %parallel_loop3A_219 step %parallel_loop3A_220  : i32 {
              %parallel_loop3A_222 = arith.constant 4 : i32
              %parallel_loop3A_223 = arith.shli %parallel_loop3A_221, %parallel_loop3A_222 : i32
              %parallel_loop3A_224 = arith.index_cast %parallel_loop3A_223 : i32 to index
              %parallel_loop3A_225 = tpu.vector_load %arg9[%parallel_loop3A_224] {strides = array<i32>} : memref<4224xi32, #tpu.memory_space<vmem>>, vector<16xi32>,
              %parallel_loop3A_226 = arith.constant 1 : i32
              %parallel_loop3A_227 = arith.addi %parallel_loop3A_223, %parallel_loop3A_226 : i32
              %parallel_loop3A_228 = arith.index_cast %parallel_loop3A_227 : i32 to index
              %parallel_loop3A_229 = tpu.vector_load %arg9[%parallel_loop3A_228] {strides = array<i32>} : memref<4224xi32, #tpu.memory_space<vmem>>, vector<16xi32>,
              %parallel_loop3A_230 = arith.index_cast %parallel_loop3A_223 : i32 to index
              %parallel_loop3A_231 = tpu.vector_load %arg11[%parallel_loop3A_230] {strides = array<i32>} : memref<4096xf32, #tpu.memory_space<vmem>>, vector<16xf32>,
              %parallel_loop3A_232 = arith.addi %multiple_of3A_217, %parallel_loop3A_223 : i32
              %parallel_loop3A_233 = vector.broadcast %parallel_loop3A_232 : i32 to vector<16xi32>
              %parallel_loop3A_234 = arith.addi %parallel_loop3A_233, %iota3A : vector<16xi32>
              %parallel_loop3A_235 = vector.broadcast %squeeze3A : i32 to vector<16xi32>
              %parallel_loop3A_236 = arith.cmpi sge, %parallel_loop3A_234, %parallel_loop3A_235 : vector<16xi32>
              %parallel_loop3A_237 = vector.broadcast %squeeze3A_124 : i32 to vector<16xi32>
              %parallel_loop3A_238 = arith.cmpi slt, %parallel_loop3A_234, %parallel_loop3A_237 : vector<16xi32>
              %parallel_loop3A_239 = arith.andi %parallel_loop3A_236, %parallel_loop3A_238 : vector<16xi1>
              %parallel_loop3A_240 = arith.cmpi ne, %parallel_loop3A_225, %parallel_loop3A_229 : vector<16xi32>
              %parallel_loop3A_241 = arith.constant 6399999 : i32
              %parallel_loop3A_242 = vector.broadcast %parallel_loop3A_241 : i32 to vector<16xi32>
              %parallel_loop3A_243 = arith.cmpi eq, %parallel_loop3A_234, %parallel_loop3A_242 : vector<16xi32>
              %parallel_loop3A_244 = arith.ori %parallel_loop3A_240, %parallel_loop3A_243 : vector<16xi1>
              %parallel_loop3A_245 = arith.andi %parallel_loop3A_239, %parallel_loop3A_244 : vector<16xi1>
              %parallel_loop3A_246 = arith.constant 9 : i32
              %parallel_loop3A_247 = vector.broadcast %parallel_loop3A_246 : i32 to vector<16xi32>
              %parallel_loop3A_248 = arith.shrsi %parallel_loop3A_225, %parallel_loop3A_247 : vector<16xi32>
              %parallel_loop3A_249 = vector.broadcast %mul3A_121 : i32 to vector<16xi32>
              %parallel_loop3A_250 = arith.subi %parallel_loop3A_248, %parallel_loop3A_249 : vector<16xi32>
              %parallel_loop3A_251 = arith.constant 511 : i32
              %parallel_loop3A_252 = vector.broadcast %parallel_loop3A_251 : i32 to vector<16xi32>
              %parallel_loop3A_253 = arith.andi %parallel_loop3A_225, %parallel_loop3A_252 : vector<16xi32>
              tpu.vector_store_idx %arg6[%parallel_loop3A_250, %parallel_loop3A_253], %parallel_loop3A_231 masked %parallel_loop3A_245 : memref<64x512xf32, #tpu.memory_space<vmem>>[vector<16xi32>, vector<16xi32>], vector<16xf32>, vector<16xi1>
            } {sc.loop_unroll_factor = 4 : i64, sc.parallel_access}
          } else {
          }
          %while3A_187 = arith.constant 0 : i32
          scf.yield %while3A_187 : i32
        }
        %while3A_157 = arith.constant 1 : i32
        %while3A_158 = scf.for %while3A_169 = %while3A_154 to %while3A_150 step %while3A_157 iter_args(%while3A_170 = %while3A_156) -> (i32)  : i32 {
          %mul3A_171 = arith.constant 2 : i32
          %mul3A_172 = arith.muli %mul3A_171, %while3A_169 : i32
          %add3A_173 = arith.constant 0 : i32
          %add3A_174 = arith.addi %mul3A_172, %add3A_173 : i32
          %lt3A_175 = arith.cmpi slt, %add3A_174, %shift_right_arithmetic3A_132 : i32
          %convert_element_type3A_176 = arith.extui %lt3A_175 : i1 to i32
          %cond3A_177 = arith.constant 0 : i32
          %cond3A_178 = arith.cmpi ne, %convert_element_type3A_176, %cond3A_177 : i32
          scf.if %cond3A_178 {
            %add3A_188 = arith.constant 1 : i32
            %add3A_189 = arith.addi %add3A_174, %add3A_188 : i32
            %lt3A_190 = arith.cmpi slt, %add3A_189, %shift_right_arithmetic3A_132 : i32
            %convert_element_type3A_191 = arith.extui %lt3A_190 : i1 to i32
            %cond3A_192 = arith.constant 0 : i32
            %cond3A_193 = arith.cmpi ne, %convert_element_type3A_191, %cond3A_192 : i32
            scf.if %cond3A_193 {
              %add3A_221 = arith.constant 1 : i32
              %add3A_222 = arith.addi %add3A_174, %add3A_221 : i32
              %mul3A_223 = arith.constant 4096 : i32
              %mul3A_224 = arith.muli %add3A_222, %mul3A_223 : i32
              %add3A_225 = arith.addi %and3A_126, %mul3A_224 : i32
              %min3A_226 = arith.constant 6395904 : i32
              %min3A_227 = arith.minsi %add3A_225, %min3A_226 : i32
              %multiple_of3A_228 = tpu.assume_multiple %min3A_227, 8 : i32
              %add3A_229 = arith.constant 4096 : i32
              %add3A_230 = arith.addi %multiple_of3A_228, %add3A_229 : i32
              %min3A_231 = arith.constant 6399992 : i32
              %min3A_232 = arith.minsi %add3A_230, %min3A_231 : i32
              %multiple_of3A_233 = tpu.assume_multiple %min3A_232, 8 : i32
              %dma_start3A = arith.constant 0 : i32
              %dma_start3A_234 = tpu.memref_slice %arg9[%dma_start3A] : memref<4224xi32, #tpu.memory_space<vmem>> -> memref<4096xi32, #tpu.memory_space<vmem>>
              %dma_start3A_235 = tpu.memref_slice %arg2[%multiple_of3A_228] : memref<6400000xi32, #tpu.memory_space<hbm>> -> memref<4096xi32, #tpu.memory_space<hbm>>
              %dma_start3A_236 = arith.constant 0 : i32
              %dma_start3A_237 = tpu.memref_slice %arg9[%dma_start3A_236] : memref<4224xi32, #tpu.memory_space<vmem>> -> memref<4096xi32, #tpu.memory_space<vmem>>
              %dma_start3A_238 = tpu.memref_slice %arg2[%multiple_of3A_228] : memref<6400000xi32, #tpu.memory_space<hbm>> -> memref<4096xi32, #tpu.memory_space<hbm>>
              tpu.enqueue_dma source(%dma_start3A_238 : memref<4096xi32, #tpu.memory_space<hbm>>) target(%dma_start3A_237 : memref<4096xi32, #tpu.memory_space<vmem>>) target_semaphore(%arg14 : memref<!tpu.dma_semaphore, #tpu.memory_space<semaphore_mem>>)
              %dma_start3A_239 = arith.constant 4096 : i32
              %dma_start3A_240 = tpu.memref_slice %arg9[%dma_start3A_239] : memref<4224xi32, #tpu.memory_space<vmem>> -> memref<8xi32, #tpu.memory_space<vmem>>
              %dma_start3A_241 = tpu.memref_slice %arg2[%multiple_of3A_233] : memref<6400000xi32, #tpu.memory_space<hbm>> -> memref<8xi32, #tpu.memory_space<hbm>>
              %dma_start3A_242 = arith.constant 4096 : i32
              %dma_start3A_243 = tpu.memref_slice %arg9[%dma_start3A_242] : memref<4224xi32, #tpu.memory_space<vmem>> -> memref<8xi32, #tpu.memory_space<vmem>>
              %dma_start3A_244 = tpu.memref_slice %arg2[%multiple_of3A_233] : memref<6400000xi32, #tpu.memory_space<hbm>> -> memref<8xi32, #tpu.memory_space<hbm>>
              tpu.enqueue_dma source(%dma_start3A_244 : memref<8xi32, #tpu.memory_space<hbm>>) target(%dma_start3A_243 : memref<8xi32, #tpu.memory_space<vmem>>) target_semaphore(%arg14 : memref<!tpu.dma_semaphore, #tpu.memory_space<semaphore_mem>>)
              %dma_start3A_245 = tpu.memref_slice %arg3[%multiple_of3A_228] : memref<6400000xf32, #tpu.memory_space<hbm>> -> memref<4096xf32, #tpu.memory_space<hbm>>
              %dma_start3A_246 = tpu.memref_slice %arg3[%multiple_of3A_228] : memref<6400000xf32, #tpu.memory_space<hbm>> -> memref<4096xf32, #tpu.memory_space<hbm>>
              tpu.enqueue_dma source(%dma_start3A_246 : memref<4096xf32, #tpu.memory_space<hbm>>) target(%arg11 : memref<4096xf32, #tpu.memory_space<vmem>>) target_semaphore(%arg14 : memref<!tpu.dma_semaphore, #tpu.memory_space<semaphore_mem>>)
            } else {
            }
            %dma_wait3A = arith.constant 0 : i32
            %dma_wait3A_194 = tpu.memref_slice %arg8[%dma_wait3A] : memref<4224xi32, #tpu.memory_space<vmem>> -> memref<4096xi32, #tpu.memory_space<vmem>>
            %dma_wait3A_195 = arith.constant 0 : i32
            %dma_wait3A_196 = tpu.memref_slice %arg2[%dma_wait3A_195] : memref<6400000xi32, #tpu.memory_space<hbm>> -> memref<4096xi32, #tpu.memory_space<hbm>>
            %dma_wait3A_197 = arith.constant 0 : i32
            %dma_wait3A_198 = tpu.memref_slice %arg8[%dma_wait3A_197] : memref<4224xi32, #tpu.memory_space<vmem>> -> memref<4096xi32, #tpu.memory_space<vmem>>
            %dma_wait3A_199 = arith.constant 0 : i32
            %dma_wait3A_200 = tpu.memref_slice %arg2[%dma_wait3A_199] : memref<6400000xi32, #tpu.memory_space<hbm>> -> memref<4096xi32, #tpu.memory_space<hbm>>
            tpu.wait_dma2 semaphore(%arg13 : memref<!tpu.dma_semaphore, #tpu.memory_space<semaphore_mem>>) src(%dma_wait3A_200 : memref<4096xi32, #tpu.memory_space<hbm>>) dst(%dma_wait3A_198 : memref<4096xi32, #tpu.memory_space<vmem>>)
            %dma_wait3A_201 = arith.constant 4096 : i32
            %dma_wait3A_202 = tpu.memref_slice %arg8[%dma_wait3A_201] : memref<4224xi32, #tpu.memory_space<vmem>> -> memref<8xi32, #tpu.memory_space<vmem>>
            %dma_wait3A_203 = arith.constant 0 : i32
            %dma_wait3A_204 = tpu.memref_slice %arg2[%dma_wait3A_203] : memref<6400000xi32, #tpu.memory_space<hbm>> -> memref<8xi32, #tpu.memory_space<hbm>>
            %dma_wait3A_205 = arith.constant 4096 : i32
            %dma_wait3A_206 = tpu.memref_slice %arg8[%dma_wait3A_205] : memref<4224xi32, #tpu.memory_space<vmem>> -> memref<8xi32, #tpu.memory_space<vmem>>
            %dma_wait3A_207 = arith.constant 0 : i32
            %dma_wait3A_208 = tpu.memref_slice %arg2[%dma_wait3A_207] : memref<6400000xi32, #tpu.memory_space<hbm>> -> memref<8xi32, #tpu.memory_space<hbm>>
            tpu.wait_dma2 semaphore(%arg13 : memref<!tpu.dma_semaphore, #tpu.memory_space<semaphore_mem>>) src(%dma_wait3A_208 : memref<8xi32, #tpu.memory_space<hbm>>) dst(%dma_wait3A_206 : memref<8xi32, #tpu.memory_space<vmem>>)
            %dma_wait3A_209 = arith.constant 0 : i32
            %dma_wait3A_210 = tpu.memref_slice %arg3[%dma_wait3A_209] : memref<6400000xf32, #tpu.memory_space<hbm>> -> memref<4096xf32, #tpu.memory_space<hbm>>
            %dma_wait3A_211 = arith.constant 0 : i32
            %dma_wait3A_212 = tpu.memref_slice %arg3[%dma_wait3A_211] : memref<6400000xf32, #tpu.memory_space<hbm>> -> memref<4096xf32, #tpu.memory_space<hbm>>
            tpu.wait_dma2 semaphore(%arg13 : memref<!tpu.dma_semaphore, #tpu.memory_space<semaphore_mem>>) src(%dma_wait3A_212 : memref<4096xf32, #tpu.memory_space<hbm>>) dst(%arg10 : memref<4096xf32, #tpu.memory_space<vmem>>)
            %mul3A_213 = arith.constant 4096 : i32
            %mul3A_214 = arith.muli %add3A_174, %mul3A_213 : i32
            %add3A_215 = arith.addi %and3A_126, %mul3A_214 : i32
            %min3A = arith.constant 6395904 : i32
            %min3A_216 = arith.minsi %add3A_215, %min3A : i32
            %multiple_of3A_217 = tpu.assume_multiple %min3A_216, 8 : i32
            %parallel_loop3A_218 = arith.constant 0 : i32
            %parallel_loop3A_219 = arith.constant 256 : i32
            %parallel_loop3A_220 = arith.constant 1 : i32
            scf.for %parallel_loop3A_221 = %parallel_loop3A_218 to %parallel_loop3A_219 step %parallel_loop3A_220  : i32 {
              %parallel_loop3A_222 = arith.constant 4 : i32
              %parallel_loop3A_223 = arith.shli %parallel_loop3A_221, %parallel_loop3A_222 : i32
              %parallel_loop3A_224 = arith.index_cast %parallel_loop3A_223 : i32 to index
              %parallel_loop3A_225 = tpu.vector_load %arg8[%parallel_loop3A_224] {strides = array<i32>} : memref<4224xi32, #tpu.memory_space<vmem>>, vector<16xi32>,
              %parallel_loop3A_226 = arith.constant 1 : i32
              %parallel_loop3A_227 = arith.addi %parallel_loop3A_223, %parallel_loop3A_226 : i32
              %parallel_loop3A_228 = arith.index_cast %parallel_loop3A_227 : i32 to index
              %parallel_loop3A_229 = tpu.vector_load %arg8[%parallel_loop3A_228] {strides = array<i32>} : memref<4224xi32, #tpu.memory_space<vmem>>, vector<16xi32>,
              %parallel_loop3A_230 = arith.index_cast %parallel_loop3A_223 : i32 to index
              %parallel_loop3A_231 = tpu.vector_load %arg10[%parallel_loop3A_230] {strides = array<i32>} : memref<4096xf32, #tpu.memory_space<vmem>>, vector<16xf32>,
              %parallel_loop3A_232 = arith.addi %multiple_of3A_217, %parallel_loop3A_223 : i32
              %parallel_loop3A_233 = vector.broadcast %parallel_loop3A_232 : i32 to vector<16xi32>
              %parallel_loop3A_234 = arith.addi %parallel_loop3A_233, %iota3A : vector<16xi32>
              %parallel_loop3A_235 = vector.broadcast %squeeze3A : i32 to vector<16xi32>
              %parallel_loop3A_236 = arith.cmpi sge, %parallel_loop3A_234, %parallel_loop3A_235 : vector<16xi32>
              %parallel_loop3A_237 = vector.broadcast %squeeze3A_124 : i32 to vector<16xi32>
              %parallel_loop3A_238 = arith.cmpi slt, %parallel_loop3A_234, %parallel_loop3A_237 : vector<16xi32>
              %parallel_loop3A_239 = arith.andi %parallel_loop3A_236, %parallel_loop3A_238 : vector<16xi1>
              %parallel_loop3A_240 = arith.cmpi ne, %parallel_loop3A_225, %parallel_loop3A_229 : vector<16xi32>
              %parallel_loop3A_241 = arith.constant 6399999 : i32
              %parallel_loop3A_242 = vector.broadcast %parallel_loop3A_241 : i32 to vector<16xi32>
              %parallel_loop3A_243 = arith.cmpi eq, %parallel_loop3A_234, %parallel_loop3A_242 : vector<16xi32>
              %parallel_loop3A_244 = arith.ori %parallel_loop3A_240, %parallel_loop3A_243 : vector<16xi1>
              %parallel_loop3A_245 = arith.andi %parallel_loop3A_239, %parallel_loop3A_244 : vector<16xi1>
              %parallel_loop3A_246 = arith.constant 9 : i32
              %parallel_loop3A_247 = vector.broadcast %parallel_loop3A_246 : i32 to vector<16xi32>
              %parallel_loop3A_248 = arith.shrsi %parallel_loop3A_225, %parallel_loop3A_247 : vector<16xi32>
              %parallel_loop3A_249 = vector.broadcast %mul3A_121 : i32 to vector<16xi32>
              %parallel_loop3A_250 = arith.subi %parallel_loop3A_248, %parallel_loop3A_249 : vector<16xi32>
              %parallel_loop3A_251 = arith.constant 511 : i32
              %parallel_loop3A_252 = vector.broadcast %parallel_loop3A_251 : i32 to vector<16xi32>
              %parallel_loop3A_253 = arith.andi %parallel_loop3A_225, %parallel_loop3A_252 : vector<16xi32>
              tpu.vector_store_idx %arg6[%parallel_loop3A_250, %parallel_loop3A_253], %parallel_loop3A_231 masked %parallel_loop3A_245 : memref<64x512xf32, #tpu.memory_space<vmem>>[vector<16xi32>, vector<16xi32>], vector<16xf32>, vector<16xi1>
            } {sc.loop_unroll_factor = 4 : i64, sc.parallel_access}
          } else {
          }
          %mul3A_179 = arith.constant 2 : i32
          %mul3A_180 = arith.muli %mul3A_179, %while3A_169 : i32
          %add3A_181 = arith.constant 1 : i32
          %add3A_182 = arith.addi %mul3A_180, %add3A_181 : i32
          %lt3A_183 = arith.cmpi slt, %add3A_182, %shift_right_arithmetic3A_132 : i32
          %convert_element_type3A_184 = arith.extui %lt3A_183 : i1 to i32
          %cond3A_185 = arith.constant 0 : i32
          %cond3A_186 = arith.cmpi ne, %convert_element_type3A_184, %cond3A_185 : i32
          scf.if %cond3A_186 {
            %add3A_188 = arith.constant 1 : i32
            %add3A_189 = arith.addi %add3A_182, %add3A_188 : i32
            %lt3A_190 = arith.cmpi slt, %add3A_189, %shift_right_arithmetic3A_132 : i32
            %convert_element_type3A_191 = arith.extui %lt3A_190 : i1 to i32
            %cond3A_192 = arith.constant 0 : i32
            %cond3A_193 = arith.cmpi ne, %convert_element_type3A_191, %cond3A_192 : i32
            scf.if %cond3A_193 {
              %add3A_221 = arith.constant 1 : i32
              %add3A_222 = arith.addi %add3A_182, %add3A_221 : i32
              %mul3A_223 = arith.constant 4096 : i32
              %mul3A_224 = arith.muli %add3A_222, %mul3A_223 : i32
              %add3A_225 = arith.addi %and3A_126, %mul3A_224 : i32
              %min3A_226 = arith.constant 6395904 : i32
              %min3A_227 = arith.minsi %add3A_225, %min3A_226 : i32
              %multiple_of3A_228 = tpu.assume_multiple %min3A_227, 8 : i32
              %add3A_229 = arith.constant 4096 : i32
              %add3A_230 = arith.addi %multiple_of3A_228, %add3A_229 : i32
              %min3A_231 = arith.constant 6399992 : i32
              %min3A_232 = arith.minsi %add3A_230, %min3A_231 : i32
              %multiple_of3A_233 = tpu.assume_multiple %min3A_232, 8 : i32
              %dma_start3A = arith.constant 0 : i32
              %dma_start3A_234 = tpu.memref_slice %arg8[%dma_start3A] : memref<4224xi32, #tpu.memory_space<vmem>> -> memref<4096xi32, #tpu.memory_space<vmem>>
              %dma_start3A_235 = tpu.memref_slice %arg2[%multiple_of3A_228] : memref<6400000xi32, #tpu.memory_space<hbm>> -> memref<4096xi32, #tpu.memory_space<hbm>>
              %dma_start3A_236 = arith.constant 0 : i32
              %dma_start3A_237 = tpu.memref_slice %arg8[%dma_start3A_236] : memref<4224xi32, #tpu.memory_space<vmem>> -> memref<4096xi32, #tpu.memory_space<vmem>>
              %dma_start3A_238 = tpu.memref_slice %arg2[%multiple_of3A_228] : memref<6400000xi32, #tpu.memory_space<hbm>> -> memref<4096xi32, #tpu.memory_space<hbm>>
              tpu.enqueue_dma source(%dma_start3A_238 : memref<4096xi32, #tpu.memory_space<hbm>>) target(%dma_start3A_237 : memref<4096xi32, #tpu.memory_space<vmem>>) target_semaphore(%arg13 : memref<!tpu.dma_semaphore, #tpu.memory_space<semaphore_mem>>)
              %dma_start3A_239 = arith.constant 4096 : i32
              %dma_start3A_240 = tpu.memref_slice %arg8[%dma_start3A_239] : memref<4224xi32, #tpu.memory_space<vmem>> -> memref<8xi32, #tpu.memory_space<vmem>>
              %dma_start3A_241 = tpu.memref_slice %arg2[%multiple_of3A_233] : memref<6400000xi32, #tpu.memory_space<hbm>> -> memref<8xi32, #tpu.memory_space<hbm>>
              %dma_start3A_242 = arith.constant 4096 : i32
              %dma_start3A_243 = tpu.memref_slice %arg8[%dma_start3A_242] : memref<4224xi32, #tpu.memory_space<vmem>> -> memref<8xi32, #tpu.memory_space<vmem>>
              %dma_start3A_244 = tpu.memref_slice %arg2[%multiple_of3A_233] : memref<6400000xi32, #tpu.memory_space<hbm>> -> memref<8xi32, #tpu.memory_space<hbm>>
              tpu.enqueue_dma source(%dma_start3A_244 : memref<8xi32, #tpu.memory_space<hbm>>) target(%dma_start3A_243 : memref<8xi32, #tpu.memory_space<vmem>>) target_semaphore(%arg13 : memref<!tpu.dma_semaphore, #tpu.memory_space<semaphore_mem>>)
              %dma_start3A_245 = tpu.memref_slice %arg3[%multiple_of3A_228] : memref<6400000xf32, #tpu.memory_space<hbm>> -> memref<4096xf32, #tpu.memory_space<hbm>>
              %dma_start3A_246 = tpu.memref_slice %arg3[%multiple_of3A_228] : memref<6400000xf32, #tpu.memory_space<hbm>> -> memref<4096xf32, #tpu.memory_space<hbm>>
              tpu.enqueue_dma source(%dma_start3A_246 : memref<4096xf32, #tpu.memory_space<hbm>>) target(%arg10 : memref<4096xf32, #tpu.memory_space<vmem>>) target_semaphore(%arg13 : memref<!tpu.dma_semaphore, #tpu.memory_space<semaphore_mem>>)
            } else {
            }
            %dma_wait3A = arith.constant 0 : i32
            %dma_wait3A_194 = tpu.memref_slice %arg9[%dma_wait3A] : memref<4224xi32, #tpu.memory_space<vmem>> -> memref<4096xi32, #tpu.memory_space<vmem>>
            %dma_wait3A_195 = arith.constant 0 : i32
            %dma_wait3A_196 = tpu.memref_slice %arg2[%dma_wait3A_195] : memref<6400000xi32, #tpu.memory_space<hbm>> -> memref<4096xi32, #tpu.memory_space<hbm>>
            %dma_wait3A_197 = arith.constant 0 : i32
            %dma_wait3A_198 = tpu.memref_slice %arg9[%dma_wait3A_197] : memref<4224xi32, #tpu.memory_space<vmem>> -> memref<4096xi32, #tpu.memory_space<vmem>>
            %dma_wait3A_199 = arith.constant 0 : i32
            %dma_wait3A_200 = tpu.memref_slice %arg2[%dma_wait3A_199] : memref<6400000xi32, #tpu.memory_space<hbm>> -> memref<4096xi32, #tpu.memory_space<hbm>>
            tpu.wait_dma2 semaphore(%arg14 : memref<!tpu.dma_semaphore, #tpu.memory_space<semaphore_mem>>) src(%dma_wait3A_200 : memref<4096xi32, #tpu.memory_space<hbm>>) dst(%dma_wait3A_198 : memref<4096xi32, #tpu.memory_space<vmem>>)
            %dma_wait3A_201 = arith.constant 4096 : i32
            %dma_wait3A_202 = tpu.memref_slice %arg9[%dma_wait3A_201] : memref<4224xi32, #tpu.memory_space<vmem>> -> memref<8xi32, #tpu.memory_space<vmem>>
            %dma_wait3A_203 = arith.constant 0 : i32
            %dma_wait3A_204 = tpu.memref_slice %arg2[%dma_wait3A_203] : memref<6400000xi32, #tpu.memory_space<hbm>> -> memref<8xi32, #tpu.memory_space<hbm>>
            %dma_wait3A_205 = arith.constant 4096 : i32
            %dma_wait3A_206 = tpu.memref_slice %arg9[%dma_wait3A_205] : memref<4224xi32, #tpu.memory_space<vmem>> -> memref<8xi32, #tpu.memory_space<vmem>>
            %dma_wait3A_207 = arith.constant 0 : i32
            %dma_wait3A_208 = tpu.memref_slice %arg2[%dma_wait3A_207] : memref<6400000xi32, #tpu.memory_space<hbm>> -> memref<8xi32, #tpu.memory_space<hbm>>
            tpu.wait_dma2 semaphore(%arg14 : memref<!tpu.dma_semaphore, #tpu.memory_space<semaphore_mem>>) src(%dma_wait3A_208 : memref<8xi32, #tpu.memory_space<hbm>>) dst(%dma_wait3A_206 : memref<8xi32, #tpu.memory_space<vmem>>)
            %dma_wait3A_209 = arith.constant 0 : i32
            %dma_wait3A_210 = tpu.memref_slice %arg3[%dma_wait3A_209] : memref<6400000xf32, #tpu.memory_space<hbm>> -> memref<4096xf32, #tpu.memory_space<hbm>>
            %dma_wait3A_211 = arith.constant 0 : i32
            %dma_wait3A_212 = tpu.memref_slice %arg3[%dma_wait3A_211] : memref<6400000xf32, #tpu.memory_space<hbm>> -> memref<4096xf32, #tpu.memory_space<hbm>>
            tpu.wait_dma2 semaphore(%arg14 : memref<!tpu.dma_semaphore, #tpu.memory_space<semaphore_mem>>) src(%dma_wait3A_212 : memref<4096xf32, #tpu.memory_space<hbm>>) dst(%arg11 : memref<4096xf32, #tpu.memory_space<vmem>>)
            %mul3A_213 = arith.constant 4096 : i32
            %mul3A_214 = arith.muli %add3A_182, %mul3A_213 : i32
            %add3A_215 = arith.addi %and3A_126, %mul3A_214 : i32
            %min3A = arith.constant 6395904 : i32
            %min3A_216 = arith.minsi %add3A_215, %min3A : i32
            %multiple_of3A_217 = tpu.assume_multiple %min3A_216, 8 : i32
            %parallel_loop3A_218 = arith.constant 0 : i32
            %parallel_loop3A_219 = arith.constant 256 : i32
            %parallel_loop3A_220 = arith.constant 1 : i32
            scf.for %parallel_loop3A_221 = %parallel_loop3A_218 to %parallel_loop3A_219 step %parallel_loop3A_220  : i32 {
              %parallel_loop3A_222 = arith.constant 4 : i32
              %parallel_loop3A_223 = arith.shli %parallel_loop3A_221, %parallel_loop3A_222 : i32
              %parallel_loop3A_224 = arith.index_cast %parallel_loop3A_223 : i32 to index
              %parallel_loop3A_225 = tpu.vector_load %arg9[%parallel_loop3A_224] {strides = array<i32>} : memref<4224xi32, #tpu.memory_space<vmem>>, vector<16xi32>,
              %parallel_loop3A_226 = arith.constant 1 : i32
              %parallel_loop3A_227 = arith.addi %parallel_loop3A_223, %parallel_loop3A_226 : i32
              %parallel_loop3A_228 = arith.index_cast %parallel_loop3A_227 : i32 to index
              %parallel_loop3A_229 = tpu.vector_load %arg9[%parallel_loop3A_228] {strides = array<i32>} : memref<4224xi32, #tpu.memory_space<vmem>>, vector<16xi32>,
              %parallel_loop3A_230 = arith.index_cast %parallel_loop3A_223 : i32 to index
              %parallel_loop3A_231 = tpu.vector_load %arg11[%parallel_loop3A_230] {strides = array<i32>} : memref<4096xf32, #tpu.memory_space<vmem>>, vector<16xf32>,
              %parallel_loop3A_232 = arith.addi %multiple_of3A_217, %parallel_loop3A_223 : i32
              %parallel_loop3A_233 = vector.broadcast %parallel_loop3A_232 : i32 to vector<16xi32>
              %parallel_loop3A_234 = arith.addi %parallel_loop3A_233, %iota3A : vector<16xi32>
              %parallel_loop3A_235 = vector.broadcast %squeeze3A : i32 to vector<16xi32>
              %parallel_loop3A_236 = arith.cmpi sge, %parallel_loop3A_234, %parallel_loop3A_235 : vector<16xi32>
              %parallel_loop3A_237 = vector.broadcast %squeeze3A_124 : i32 to vector<16xi32>
              %parallel_loop3A_238 = arith.cmpi slt, %parallel_loop3A_234, %parallel_loop3A_237 : vector<16xi32>
              %parallel_loop3A_239 = arith.andi %parallel_loop3A_236, %parallel_loop3A_238 : vector<16xi1>
              %parallel_loop3A_240 = arith.cmpi ne, %parallel_loop3A_225, %parallel_loop3A_229 : vector<16xi32>
              %parallel_loop3A_241 = arith.constant 6399999 : i32
              %parallel_loop3A_242 = vector.broadcast %parallel_loop3A_241 : i32 to vector<16xi32>
              %parallel_loop3A_243 = arith.cmpi eq, %parallel_loop3A_234, %parallel_loop3A_242 : vector<16xi32>
              %parallel_loop3A_244 = arith.ori %parallel_loop3A_240, %parallel_loop3A_243 : vector<16xi1>
              %parallel_loop3A_245 = arith.andi %parallel_loop3A_239, %parallel_loop3A_244 : vector<16xi1>
              %parallel_loop3A_246 = arith.constant 9 : i32
              %parallel_loop3A_247 = vector.broadcast %parallel_loop3A_246 : i32 to vector<16xi32>
              %parallel_loop3A_248 = arith.shrsi %parallel_loop3A_225, %parallel_loop3A_247 : vector<16xi32>
              %parallel_loop3A_249 = vector.broadcast %mul3A_121 : i32 to vector<16xi32>
              %parallel_loop3A_250 = arith.subi %parallel_loop3A_248, %parallel_loop3A_249 : vector<16xi32>
              %parallel_loop3A_251 = arith.constant 511 : i32
              %parallel_loop3A_252 = vector.broadcast %parallel_loop3A_251 : i32 to vector<16xi32>
              %parallel_loop3A_253 = arith.andi %parallel_loop3A_225, %parallel_loop3A_252 : vector<16xi32>
              tpu.vector_store_idx %arg6[%parallel_loop3A_250, %parallel_loop3A_253], %parallel_loop3A_231 masked %parallel_loop3A_245 : memref<64x512xf32, #tpu.memory_space<vmem>>[vector<16xi32>, vector<16xi32>], vector<16xf32>, vector<16xi1>
            } {sc.loop_unroll_factor = 4 : i64, sc.parallel_access}
          } else {
          }
          %while3A_187 = arith.constant 0 : i32
          scf.yield %while3A_187 : i32
        }
        %multiple_of3A = tpu.assume_multiple %mul3A_121, 8 : i32
        %lt3A_159 = arith.constant 781 : i32
        %lt3A_160 = arith.cmpi slt, %add3A_101, %lt3A_159 : i32
        %convert_element_type3A_161 = arith.extui %lt3A_160 : i1 to i32
        %cond3A_162 = arith.constant 0 : i32
        %cond3A_163 = arith.cmpi ne, %convert_element_type3A_161, %cond3A_162 : i32
        scf.if %cond3A_163 {
          %dma_start3A = arith.constant 0 : i32
          %dma_start3A_169 = tpu.memref_slice %arg5[%multiple_of3A, %dma_start3A] : memref<50000x512xf32, #tpu.memory_space<hbm>> -> memref<64x512xf32, #tpu.memory_space<hbm>>
          %dma_start3A_170 = arith.constant 0 : i32
          %dma_start3A_171 = tpu.memref_slice %arg5[%multiple_of3A, %dma_start3A_170] : memref<50000x512xf32, #tpu.memory_space<hbm>> -> memref<64x512xf32, #tpu.memory_space<hbm>>
          tpu.enqueue_dma source(%arg6 : memref<64x512xf32, #tpu.memory_space<vmem>>) target(%dma_start3A_171 : memref<64x512xf32, #tpu.memory_space<hbm>>) target_semaphore(%arg15 : memref<!tpu.dma_semaphore, #tpu.memory_space<semaphore_mem>>)
        } else {
        }
        %eq3A_164 = arith.constant 781 : i32
        %eq3A_165 = arith.cmpi eq, %add3A_101, %eq3A_164 : i32
        %convert_element_type3A_166 = arith.extui %eq3A_165 : i1 to i32
        %cond3A_167 = arith.constant 0 : i32
        %cond3A_168 = arith.cmpi ne, %convert_element_type3A_166, %cond3A_167 : i32
        scf.if %cond3A_168 {
          "tpu.region"() ({
            %run_scoped3A = tpu.sem_alloc : memref<!tpu.dma_semaphore, #tpu.memory_space<semaphore_mem>>
            %dma_start3A = arith.constant 0 : i32
            %dma_start3A_169 = arith.constant 0 : i32
            %dma_start3A_170 = tpu.memref_slice %arg6[%dma_start3A, %dma_start3A_169] : memref<64x512xf32, #tpu.memory_space<vmem>> -> memref<16x512xf32, #tpu.memory_space<vmem>>
            %dma_start3A_171 = arith.constant 0 : i32
            %dma_start3A_172 = tpu.memref_slice %arg5[%multiple_of3A, %dma_start3A_171] : memref<50000x512xf32, #tpu.memory_space<hbm>> -> memref<16x512xf32, #tpu.memory_space<hbm>>
            %dma_start3A_173 = arith.constant 0 : i32
            %dma_start3A_174 = tpu.memref_slice %arg5[%multiple_of3A, %dma_start3A_173] : memref<50000x512xf32, #tpu.memory_space<hbm>> -> memref<16x512xf32, #tpu.memory_space<hbm>>
            %dma_start3A_175 = arith.constant 0 : i32
            %dma_start3A_176 = arith.constant 0 : i32
            %dma_start3A_177 = tpu.memref_slice %arg6[%dma_start3A_175, %dma_start3A_176] : memref<64x512xf32, #tpu.memory_space<vmem>> -> memref<16x512xf32, #tpu.memory_space<vmem>>
            tpu.enqueue_dma source(%dma_start3A_177 : memref<16x512xf32, #tpu.memory_space<vmem>>) target(%dma_start3A_174 : memref<16x512xf32, #tpu.memory_space<hbm>>) target_semaphore(%run_scoped3A : memref<!tpu.dma_semaphore, #tpu.memory_space<semaphore_mem>>)
            %dma_wait3A = arith.constant 0 : i32
            %dma_wait3A_178 = arith.constant 0 : i32
            %dma_wait3A_179 = tpu.memref_slice %arg6[%dma_wait3A, %dma_wait3A_178] : memref<64x512xf32, #tpu.memory_space<vmem>> -> memref<16x512xf32, #tpu.memory_space<vmem>>
            %dma_wait3A_180 = arith.constant 0 : i32
            %dma_wait3A_181 = tpu.memref_slice %arg5[%multiple_of3A, %dma_wait3A_180] : memref<50000x512xf32, #tpu.memory_space<hbm>> -> memref<16x512xf32, #tpu.memory_space<hbm>>
            %dma_wait3A_182 = arith.constant 0 : i32
            %dma_wait3A_183 = tpu.memref_slice %arg5[%multiple_of3A, %dma_wait3A_182] : memref<50000x512xf32, #tpu.memory_space<hbm>> -> memref<16x512xf32, #tpu.memory_space<hbm>>
            %dma_wait3A_184 = arith.constant 0 : i32
            %dma_wait3A_185 = arith.constant 0 : i32
            %dma_wait3A_186 = tpu.memref_slice %arg6[%dma_wait3A_184, %dma_wait3A_185] : memref<64x512xf32, #tpu.memory_space<vmem>> -> memref<16x512xf32, #tpu.memory_space<vmem>>
            tpu.wait_dma2 semaphore(%run_scoped3A : memref<!tpu.dma_semaphore, #tpu.memory_space<semaphore_mem>>) src(%dma_wait3A_186 : memref<16x512xf32, #tpu.memory_space<vmem>>) dst(%dma_wait3A_183 : memref<16x512xf32, #tpu.memory_space<hbm>>)
            tpu.yield
          }) : () -> ()
        } else {
        }
      } else {
      }
      %mul3A_107 = arith.constant 2 : i32
      %mul3A_108 = arith.muli %mul3A_107, %scan3A_93 : i32
      %add3A_109 = arith.constant 1 : i32
      %add3A_110 = arith.addi %mul3A_108, %add3A_109 : i32
      %mul3A_111 = arith.constant 32 : i32
      %mul3A_112 = arith.muli %mul3A_111, %add3A_110 : i32
      %add3A_113 = arith.addi %add3A, %mul3A_112 : i32
      %lt3A_114 = arith.constant 782 : i32
      %lt3A_115 = arith.cmpi slt, %add3A_113, %lt3A_114 : i32
      %convert_element_type3A_116 = arith.extui %lt3A_115 : i1 to i32
      %cond3A_117 = arith.constant 0 : i32
      %cond3A_118 = arith.cmpi ne, %convert_element_type3A_116, %cond3A_117 : i32
      scf.if %cond3A_118 {
        %mul3A_120 = arith.constant 64 : i32
        %mul3A_121 = arith.muli %add3A_113, %mul3A_120 : i32
        %get3A = arith.index_cast %add3A_113 : i32 to index
        %get3A_122 = tpu.vector_load %arg12[%get3A] {strides = array<i32>} : memref<896xi32, #tpu.memory_space<vmem>>, vector<16xi32>,
        %slice3A = vector.extract_strided_slice %get3A_122 {offsets = [0], sizes = [1], strides = [1]} : vector<16xi32> to vector<1xi32>
        %squeeze3A = vector.extract %slice3A[0] : i32 from vector<1xi32>
        %slice3A_123 = vector.extract_strided_slice %get3A_122 {offsets = [1], sizes = [1], strides = [1]} : vector<16xi32> to vector<1xi32>
        %squeeze3A_124 = vector.extract %slice3A_123[0] : i32 from vector<1xi32>
        %and3A_125 = arith.constant -8 : i32
        %and3A_126 = arith.andi %squeeze3A, %and3A_125 : i32
        %sub3A_127 = arith.subi %squeeze3A_124, %and3A_126 : i32
        %add3A_128 = arith.constant 4096 : i32
        %add3A_129 = arith.addi %sub3A_127, %add3A_128 : i32
        %sub3A_130 = arith.constant 1 : i32
        %sub3A_131 = arith.subi %add3A_129, %sub3A_130 : i32
        %shift_right_arithmetic3A = arith.constant 12 : i32
        %shift_right_arithmetic3A_132 = arith.shrsi %sub3A_131, %shift_right_arithmetic3A : i32
        %gt3A_133 = arith.constant 0 : i32
        %gt3A_134 = arith.cmpi sgt, %shift_right_arithmetic3A_132, %gt3A_133 : i32
        %convert_element_type3A_135 = arith.extui %gt3A_134 : i1 to i32
        %cond3A_136 = arith.constant 0 : i32
        %cond3A_137 = arith.cmpi ne, %convert_element_type3A_135, %cond3A_136 : i32
        scf.if %cond3A_137 {
          %add3A_169 = arith.constant 0 : i32
          %add3A_170 = arith.addi %and3A_126, %add3A_169 : i32
          %min3A = arith.constant 6395904 : i32
          %min3A_171 = arith.minsi %add3A_170, %min3A : i32
          %multiple_of3A_172 = tpu.assume_multiple %min3A_171, 8 : i32
          %add3A_173 = arith.constant 4096 : i32
          %add3A_174 = arith.addi %multiple_of3A_172, %add3A_173 : i32
          %min3A_175 = arith.constant 6399992 : i32
          %min3A_176 = arith.minsi %add3A_174, %min3A_175 : i32
          %multiple_of3A_177 = tpu.assume_multiple %min3A_176, 8 : i32
          %dma_start3A = arith.constant 0 : i32
          %dma_start3A_178 = tpu.memref_slice %arg8[%dma_start3A] : memref<4224xi32, #tpu.memory_space<vmem>> -> memref<4096xi32, #tpu.memory_space<vmem>>
          %dma_start3A_179 = tpu.memref_slice %arg2[%multiple_of3A_172] : memref<6400000xi32, #tpu.memory_space<hbm>> -> memref<4096xi32, #tpu.memory_space<hbm>>
          %dma_start3A_180 = arith.constant 0 : i32
          %dma_start3A_181 = tpu.memref_slice %arg8[%dma_start3A_180] : memref<4224xi32, #tpu.memory_space<vmem>> -> memref<4096xi32, #tpu.memory_space<vmem>>
          %dma_start3A_182 = tpu.memref_slice %arg2[%multiple_of3A_172] : memref<6400000xi32, #tpu.memory_space<hbm>> -> memref<4096xi32, #tpu.memory_space<hbm>>
          tpu.enqueue_dma source(%dma_start3A_182 : memref<4096xi32, #tpu.memory_space<hbm>>) target(%dma_start3A_181 : memref<4096xi32, #tpu.memory_space<vmem>>) target_semaphore(%arg13 : memref<!tpu.dma_semaphore, #tpu.memory_space<semaphore_mem>>)
          %dma_start3A_183 = arith.constant 4096 : i32
          %dma_start3A_184 = tpu.memref_slice %arg8[%dma_start3A_183] : memref<4224xi32, #tpu.memory_space<vmem>> -> memref<8xi32, #tpu.memory_space<vmem>>
          %dma_start3A_185 = tpu.memref_slice %arg2[%multiple_of3A_177] : memref<6400000xi32, #tpu.memory_space<hbm>> -> memref<8xi32, #tpu.memory_space<hbm>>
          %dma_start3A_186 = arith.constant 4096 : i32
          %dma_start3A_187 = tpu.memref_slice %arg8[%dma_start3A_186] : memref<4224xi32, #tpu.memory_space<vmem>> -> memref<8xi32, #tpu.memory_space<vmem>>
          %dma_start3A_188 = tpu.memref_slice %arg2[%multiple_of3A_177] : memref<6400000xi32, #tpu.memory_space<hbm>> -> memref<8xi32, #tpu.memory_space<hbm>>
          tpu.enqueue_dma source(%dma_start3A_188 : memref<8xi32, #tpu.memory_space<hbm>>) target(%dma_start3A_187 : memref<8xi32, #tpu.memory_space<vmem>>) target_semaphore(%arg13 : memref<!tpu.dma_semaphore, #tpu.memory_space<semaphore_mem>>)
          %dma_start3A_189 = tpu.memref_slice %arg3[%multiple_of3A_172] : memref<6400000xf32, #tpu.memory_space<hbm>> -> memref<4096xf32, #tpu.memory_space<hbm>>
          %dma_start3A_190 = tpu.memref_slice %arg3[%multiple_of3A_172] : memref<6400000xf32, #tpu.memory_space<hbm>> -> memref<4096xf32, #tpu.memory_space<hbm>>
          tpu.enqueue_dma source(%dma_start3A_190 : memref<4096xf32, #tpu.memory_space<hbm>>) target(%arg10 : memref<4096xf32, #tpu.memory_space<vmem>>) target_semaphore(%arg13 : memref<!tpu.dma_semaphore, #tpu.memory_space<semaphore_mem>>)
        } else {
        }
        %ge3A = arith.constant 2 : i32
        %ge3A_138 = arith.cmpi sge, %add3A_110, %ge3A : i32
        %convert_element_type3A_139 = arith.extui %ge3A_138 : i1 to i32
        %cond3A_140 = arith.constant 0 : i32
        %cond3A_141 = arith.cmpi ne, %convert_element_type3A_139, %cond3A_140 : i32
        scf.if %cond3A_141 {
          %dma_wait3A = arith.constant 0 : i32
          %dma_wait3A_169 = arith.constant 0 : i32
          %dma_wait3A_170 = tpu.memref_slice %arg5[%dma_wait3A, %dma_wait3A_169] : memref<50000x512xf32, #tpu.memory_space<hbm>> -> memref<64x512xf32, #tpu.memory_space<hbm>>
          %dma_wait3A_171 = arith.constant 0 : i32
          %dma_wait3A_172 = arith.constant 0 : i32
          %dma_wait3A_173 = tpu.memref_slice %arg5[%dma_wait3A_171, %dma_wait3A_172] : memref<50000x512xf32, #tpu.memory_space<hbm>> -> memref<64x512xf32, #tpu.memory_space<hbm>>
          tpu.wait_dma2 semaphore(%arg16 : memref<!tpu.dma_semaphore, #tpu.memory_space<semaphore_mem>>) src(%arg7 : memref<64x512xf32, #tpu.memory_space<vmem>>) dst(%dma_wait3A_173 : memref<64x512xf32, #tpu.memory_space<hbm>>)
        } else {
        }
        %parallel_loop3A = arith.constant 0 : i32
        %parallel_loop3A_142 = arith.constant 2048 : i32
        %parallel_loop3A_143 = arith.constant 1 : i32
        scf.for %parallel_loop3A_169 = %parallel_loop3A to %parallel_loop3A_142 step %parallel_loop3A_143  : i32 {
          %parallel_loop3A_170 = arith.constant 5 : i32
          %parallel_loop3A_171 = arith.shrsi %parallel_loop3A_169, %parallel_loop3A_170 : i32
          %parallel_loop3A_172 = arith.constant 31 : i32
          %parallel_loop3A_173 = arith.andi %parallel_loop3A_169, %parallel_loop3A_172 : i32
          %parallel_loop3A_174 = arith.constant 4 : i32
          %parallel_loop3A_175 = arith.shli %parallel_loop3A_173, %parallel_loop3A_174 : i32
          %parallel_loop3A_176 = arith.index_cast %parallel_loop3A_171 : i32 to index
          %parallel_loop3A_177 = arith.index_cast %parallel_loop3A_175 : i32 to index
          %parallel_loop3A_178 = tpu.vector_load %arg7[%parallel_loop3A_176, %parallel_loop3A_177] {strides = array<i32>} : memref<64x512xf32, #tpu.memory_space<vmem>>, vector<16xf32>,
          tpu.vector_store %arg7[%parallel_loop3A_176, %parallel_loop3A_177], %broadcast_in_dim3A_1 {strides = array<i32>} : memref<64x512xf32, #tpu.memory_space<vmem>>, vector<16xf32>,
        } {sc.loop_unroll_factor = 8 : i64, sc.parallel_access}
        %add3A_144 = arith.constant 1 : i32
        %add3A_145 = arith.addi %shift_right_arithmetic3A_132, %add3A_144 : i32
        %shift_right_arithmetic3A_146 = arith.constant 1 : i32
        %shift_right_arithmetic3A_147 = arith.shrsi %add3A_145, %shift_right_arithmetic3A_146 : i32
        %while3A = arith.constant 0 : i32
        %while3A_148 = arith.constant 0 : i32
        %while3A_149 = arith.subi %shift_right_arithmetic3A_147, %while3A : i32
        %while3A_150 = arith.addi %while3A, %while3A_149 : i32
        %while3A_151 = arith.constant 1 : i32
        %while3A_152 = arith.divsi %while3A_149, %while3A_151 : i32
        %while3A_153 = arith.muli %while3A_152, %while3A_151 : i32
        %while3A_154 = arith.addi %while3A, %while3A_153 : i32
        %while3A_155 = arith.constant 1 : i32
        %while3A_156 = scf.for %while3A_169 = %while3A to %while3A_154 step %while3A_155 iter_args(%while3A_170 = %while3A_148) -> (i32)  : i32 {
          %mul3A_171 = arith.constant 2 : i32
          %mul3A_172 = arith.muli %mul3A_171, %while3A_169 : i32
          %add3A_173 = arith.constant 0 : i32
          %add3A_174 = arith.addi %mul3A_172, %add3A_173 : i32
          %lt3A_175 = arith.cmpi slt, %add3A_174, %shift_right_arithmetic3A_132 : i32
          %convert_element_type3A_176 = arith.extui %lt3A_175 : i1 to i32
          %cond3A_177 = arith.constant 0 : i32
          %cond3A_178 = arith.cmpi ne, %convert_element_type3A_176, %cond3A_177 : i32
          scf.if %cond3A_178 {
            %add3A_188 = arith.constant 1 : i32
            %add3A_189 = arith.addi %add3A_174, %add3A_188 : i32
            %lt3A_190 = arith.cmpi slt, %add3A_189, %shift_right_arithmetic3A_132 : i32
            %convert_element_type3A_191 = arith.extui %lt3A_190 : i1 to i32
            %cond3A_192 = arith.constant 0 : i32
            %cond3A_193 = arith.cmpi ne, %convert_element_type3A_191, %cond3A_192 : i32
            scf.if %cond3A_193 {
              %add3A_221 = arith.constant 1 : i32
              %add3A_222 = arith.addi %add3A_174, %add3A_221 : i32
              %mul3A_223 = arith.constant 4096 : i32
              %mul3A_224 = arith.muli %add3A_222, %mul3A_223 : i32
              %add3A_225 = arith.addi %and3A_126, %mul3A_224 : i32
              %min3A_226 = arith.constant 6395904 : i32
              %min3A_227 = arith.minsi %add3A_225, %min3A_226 : i32
              %multiple_of3A_228 = tpu.assume_multiple %min3A_227, 8 : i32
              %add3A_229 = arith.constant 4096 : i32
              %add3A_230 = arith.addi %multiple_of3A_228, %add3A_229 : i32
              %min3A_231 = arith.constant 6399992 : i32
              %min3A_232 = arith.minsi %add3A_230, %min3A_231 : i32
              %multiple_of3A_233 = tpu.assume_multiple %min3A_232, 8 : i32
              %dma_start3A = arith.constant 0 : i32
              %dma_start3A_234 = tpu.memref_slice %arg9[%dma_start3A] : memref<4224xi32, #tpu.memory_space<vmem>> -> memref<4096xi32, #tpu.memory_space<vmem>>
              %dma_start3A_235 = tpu.memref_slice %arg2[%multiple_of3A_228] : memref<6400000xi32, #tpu.memory_space<hbm>> -> memref<4096xi32, #tpu.memory_space<hbm>>
              %dma_start3A_236 = arith.constant 0 : i32
              %dma_start3A_237 = tpu.memref_slice %arg9[%dma_start3A_236] : memref<4224xi32, #tpu.memory_space<vmem>> -> memref<4096xi32, #tpu.memory_space<vmem>>
              %dma_start3A_238 = tpu.memref_slice %arg2[%multiple_of3A_228] : memref<6400000xi32, #tpu.memory_space<hbm>> -> memref<4096xi32, #tpu.memory_space<hbm>>
              tpu.enqueue_dma source(%dma_start3A_238 : memref<4096xi32, #tpu.memory_space<hbm>>) target(%dma_start3A_237 : memref<4096xi32, #tpu.memory_space<vmem>>) target_semaphore(%arg14 : memref<!tpu.dma_semaphore, #tpu.memory_space<semaphore_mem>>)
              %dma_start3A_239 = arith.constant 4096 : i32
              %dma_start3A_240 = tpu.memref_slice %arg9[%dma_start3A_239] : memref<4224xi32, #tpu.memory_space<vmem>> -> memref<8xi32, #tpu.memory_space<vmem>>
              %dma_start3A_241 = tpu.memref_slice %arg2[%multiple_of3A_233] : memref<6400000xi32, #tpu.memory_space<hbm>> -> memref<8xi32, #tpu.memory_space<hbm>>
              %dma_start3A_242 = arith.constant 4096 : i32
              %dma_start3A_243 = tpu.memref_slice %arg9[%dma_start3A_242] : memref<4224xi32, #tpu.memory_space<vmem>> -> memref<8xi32, #tpu.memory_space<vmem>>
              %dma_start3A_244 = tpu.memref_slice %arg2[%multiple_of3A_233] : memref<6400000xi32, #tpu.memory_space<hbm>> -> memref<8xi32, #tpu.memory_space<hbm>>
              tpu.enqueue_dma source(%dma_start3A_244 : memref<8xi32, #tpu.memory_space<hbm>>) target(%dma_start3A_243 : memref<8xi32, #tpu.memory_space<vmem>>) target_semaphore(%arg14 : memref<!tpu.dma_semaphore, #tpu.memory_space<semaphore_mem>>)
              %dma_start3A_245 = tpu.memref_slice %arg3[%multiple_of3A_228] : memref<6400000xf32, #tpu.memory_space<hbm>> -> memref<4096xf32, #tpu.memory_space<hbm>>
              %dma_start3A_246 = tpu.memref_slice %arg3[%multiple_of3A_228] : memref<6400000xf32, #tpu.memory_space<hbm>> -> memref<4096xf32, #tpu.memory_space<hbm>>
              tpu.enqueue_dma source(%dma_start3A_246 : memref<4096xf32, #tpu.memory_space<hbm>>) target(%arg11 : memref<4096xf32, #tpu.memory_space<vmem>>) target_semaphore(%arg14 : memref<!tpu.dma_semaphore, #tpu.memory_space<semaphore_mem>>)
            } else {
            }
            %dma_wait3A = arith.constant 0 : i32
            %dma_wait3A_194 = tpu.memref_slice %arg8[%dma_wait3A] : memref<4224xi32, #tpu.memory_space<vmem>> -> memref<4096xi32, #tpu.memory_space<vmem>>
            %dma_wait3A_195 = arith.constant 0 : i32
            %dma_wait3A_196 = tpu.memref_slice %arg2[%dma_wait3A_195] : memref<6400000xi32, #tpu.memory_space<hbm>> -> memref<4096xi32, #tpu.memory_space<hbm>>
            %dma_wait3A_197 = arith.constant 0 : i32
            %dma_wait3A_198 = tpu.memref_slice %arg8[%dma_wait3A_197] : memref<4224xi32, #tpu.memory_space<vmem>> -> memref<4096xi32, #tpu.memory_space<vmem>>
            %dma_wait3A_199 = arith.constant 0 : i32
            %dma_wait3A_200 = tpu.memref_slice %arg2[%dma_wait3A_199] : memref<6400000xi32, #tpu.memory_space<hbm>> -> memref<4096xi32, #tpu.memory_space<hbm>>
            tpu.wait_dma2 semaphore(%arg13 : memref<!tpu.dma_semaphore, #tpu.memory_space<semaphore_mem>>) src(%dma_wait3A_200 : memref<4096xi32, #tpu.memory_space<hbm>>) dst(%dma_wait3A_198 : memref<4096xi32, #tpu.memory_space<vmem>>)
            %dma_wait3A_201 = arith.constant 4096 : i32
            %dma_wait3A_202 = tpu.memref_slice %arg8[%dma_wait3A_201] : memref<4224xi32, #tpu.memory_space<vmem>> -> memref<8xi32, #tpu.memory_space<vmem>>
            %dma_wait3A_203 = arith.constant 0 : i32
            %dma_wait3A_204 = tpu.memref_slice %arg2[%dma_wait3A_203] : memref<6400000xi32, #tpu.memory_space<hbm>> -> memref<8xi32, #tpu.memory_space<hbm>>
            %dma_wait3A_205 = arith.constant 4096 : i32
            %dma_wait3A_206 = tpu.memref_slice %arg8[%dma_wait3A_205] : memref<4224xi32, #tpu.memory_space<vmem>> -> memref<8xi32, #tpu.memory_space<vmem>>
            %dma_wait3A_207 = arith.constant 0 : i32
            %dma_wait3A_208 = tpu.memref_slice %arg2[%dma_wait3A_207] : memref<6400000xi32, #tpu.memory_space<hbm>> -> memref<8xi32, #tpu.memory_space<hbm>>
            tpu.wait_dma2 semaphore(%arg13 : memref<!tpu.dma_semaphore, #tpu.memory_space<semaphore_mem>>) src(%dma_wait3A_208 : memref<8xi32, #tpu.memory_space<hbm>>) dst(%dma_wait3A_206 : memref<8xi32, #tpu.memory_space<vmem>>)
            %dma_wait3A_209 = arith.constant 0 : i32
            %dma_wait3A_210 = tpu.memref_slice %arg3[%dma_wait3A_209] : memref<6400000xf32, #tpu.memory_space<hbm>> -> memref<4096xf32, #tpu.memory_space<hbm>>
            %dma_wait3A_211 = arith.constant 0 : i32
            %dma_wait3A_212 = tpu.memref_slice %arg3[%dma_wait3A_211] : memref<6400000xf32, #tpu.memory_space<hbm>> -> memref<4096xf32, #tpu.memory_space<hbm>>
            tpu.wait_dma2 semaphore(%arg13 : memref<!tpu.dma_semaphore, #tpu.memory_space<semaphore_mem>>) src(%dma_wait3A_212 : memref<4096xf32, #tpu.memory_space<hbm>>) dst(%arg10 : memref<4096xf32, #tpu.memory_space<vmem>>)
            %mul3A_213 = arith.constant 4096 : i32
            %mul3A_214 = arith.muli %add3A_174, %mul3A_213 : i32
            %add3A_215 = arith.addi %and3A_126, %mul3A_214 : i32
            %min3A = arith.constant 6395904 : i32
            %min3A_216 = arith.minsi %add3A_215, %min3A : i32
            %multiple_of3A_217 = tpu.assume_multiple %min3A_216, 8 : i32
            %parallel_loop3A_218 = arith.constant 0 : i32
            %parallel_loop3A_219 = arith.constant 256 : i32
            %parallel_loop3A_220 = arith.constant 1 : i32
            scf.for %parallel_loop3A_221 = %parallel_loop3A_218 to %parallel_loop3A_219 step %parallel_loop3A_220  : i32 {
              %parallel_loop3A_222 = arith.constant 4 : i32
              %parallel_loop3A_223 = arith.shli %parallel_loop3A_221, %parallel_loop3A_222 : i32
              %parallel_loop3A_224 = arith.index_cast %parallel_loop3A_223 : i32 to index
              %parallel_loop3A_225 = tpu.vector_load %arg8[%parallel_loop3A_224] {strides = array<i32>} : memref<4224xi32, #tpu.memory_space<vmem>>, vector<16xi32>,
              %parallel_loop3A_226 = arith.constant 1 : i32
              %parallel_loop3A_227 = arith.addi %parallel_loop3A_223, %parallel_loop3A_226 : i32
              %parallel_loop3A_228 = arith.index_cast %parallel_loop3A_227 : i32 to index
              %parallel_loop3A_229 = tpu.vector_load %arg8[%parallel_loop3A_228] {strides = array<i32>} : memref<4224xi32, #tpu.memory_space<vmem>>, vector<16xi32>,
              %parallel_loop3A_230 = arith.index_cast %parallel_loop3A_223 : i32 to index
              %parallel_loop3A_231 = tpu.vector_load %arg10[%parallel_loop3A_230] {strides = array<i32>} : memref<4096xf32, #tpu.memory_space<vmem>>, vector<16xf32>,
              %parallel_loop3A_232 = arith.addi %multiple_of3A_217, %parallel_loop3A_223 : i32
              %parallel_loop3A_233 = vector.broadcast %parallel_loop3A_232 : i32 to vector<16xi32>
              %parallel_loop3A_234 = arith.addi %parallel_loop3A_233, %iota3A : vector<16xi32>
              %parallel_loop3A_235 = vector.broadcast %squeeze3A : i32 to vector<16xi32>
              %parallel_loop3A_236 = arith.cmpi sge, %parallel_loop3A_234, %parallel_loop3A_235 : vector<16xi32>
              %parallel_loop3A_237 = vector.broadcast %squeeze3A_124 : i32 to vector<16xi32>
              %parallel_loop3A_238 = arith.cmpi slt, %parallel_loop3A_234, %parallel_loop3A_237 : vector<16xi32>
              %parallel_loop3A_239 = arith.andi %parallel_loop3A_236, %parallel_loop3A_238 : vector<16xi1>
              %parallel_loop3A_240 = arith.cmpi ne, %parallel_loop3A_225, %parallel_loop3A_229 : vector<16xi32>
              %parallel_loop3A_241 = arith.constant 6399999 : i32
              %parallel_loop3A_242 = vector.broadcast %parallel_loop3A_241 : i32 to vector<16xi32>
              %parallel_loop3A_243 = arith.cmpi eq, %parallel_loop3A_234, %parallel_loop3A_242 : vector<16xi32>
              %parallel_loop3A_244 = arith.ori %parallel_loop3A_240, %parallel_loop3A_243 : vector<16xi1>
              %parallel_loop3A_245 = arith.andi %parallel_loop3A_239, %parallel_loop3A_244 : vector<16xi1>
              %parallel_loop3A_246 = arith.constant 9 : i32
              %parallel_loop3A_247 = vector.broadcast %parallel_loop3A_246 : i32 to vector<16xi32>
              %parallel_loop3A_248 = arith.shrsi %parallel_loop3A_225, %parallel_loop3A_247 : vector<16xi32>
              %parallel_loop3A_249 = vector.broadcast %mul3A_121 : i32 to vector<16xi32>
              %parallel_loop3A_250 = arith.subi %parallel_loop3A_248, %parallel_loop3A_249 : vector<16xi32>
              %parallel_loop3A_251 = arith.constant 511 : i32
              %parallel_loop3A_252 = vector.broadcast %parallel_loop3A_251 : i32 to vector<16xi32>
              %parallel_loop3A_253 = arith.andi %parallel_loop3A_225, %parallel_loop3A_252 : vector<16xi32>
              tpu.vector_store_idx %arg7[%parallel_loop3A_250, %parallel_loop3A_253], %parallel_loop3A_231 masked %parallel_loop3A_245 : memref<64x512xf32, #tpu.memory_space<vmem>>[vector<16xi32>, vector<16xi32>], vector<16xf32>, vector<16xi1>
            } {sc.loop_unroll_factor = 4 : i64, sc.parallel_access}
          } else {
          }
          %mul3A_179 = arith.constant 2 : i32
          %mul3A_180 = arith.muli %mul3A_179, %while3A_169 : i32
          %add3A_181 = arith.constant 1 : i32
          %add3A_182 = arith.addi %mul3A_180, %add3A_181 : i32
          %lt3A_183 = arith.cmpi slt, %add3A_182, %shift_right_arithmetic3A_132 : i32
          %convert_element_type3A_184 = arith.extui %lt3A_183 : i1 to i32
          %cond3A_185 = arith.constant 0 : i32
          %cond3A_186 = arith.cmpi ne, %convert_element_type3A_184, %cond3A_185 : i32
          scf.if %cond3A_186 {
            %add3A_188 = arith.constant 1 : i32
            %add3A_189 = arith.addi %add3A_182, %add3A_188 : i32
            %lt3A_190 = arith.cmpi slt, %add3A_189, %shift_right_arithmetic3A_132 : i32
            %convert_element_type3A_191 = arith.extui %lt3A_190 : i1 to i32
            %cond3A_192 = arith.constant 0 : i32
            %cond3A_193 = arith.cmpi ne, %convert_element_type3A_191, %cond3A_192 : i32
            scf.if %cond3A_193 {
              %add3A_221 = arith.constant 1 : i32
              %add3A_222 = arith.addi %add3A_182, %add3A_221 : i32
              %mul3A_223 = arith.constant 4096 : i32
              %mul3A_224 = arith.muli %add3A_222, %mul3A_223 : i32
              %add3A_225 = arith.addi %and3A_126, %mul3A_224 : i32
              %min3A_226 = arith.constant 6395904 : i32
              %min3A_227 = arith.minsi %add3A_225, %min3A_226 : i32
              %multiple_of3A_228 = tpu.assume_multiple %min3A_227, 8 : i32
              %add3A_229 = arith.constant 4096 : i32
              %add3A_230 = arith.addi %multiple_of3A_228, %add3A_229 : i32
              %min3A_231 = arith.constant 6399992 : i32
              %min3A_232 = arith.minsi %add3A_230, %min3A_231 : i32
              %multiple_of3A_233 = tpu.assume_multiple %min3A_232, 8 : i32
              %dma_start3A = arith.constant 0 : i32
              %dma_start3A_234 = tpu.memref_slice %arg8[%dma_start3A] : memref<4224xi32, #tpu.memory_space<vmem>> -> memref<4096xi32, #tpu.memory_space<vmem>>
              %dma_start3A_235 = tpu.memref_slice %arg2[%multiple_of3A_228] : memref<6400000xi32, #tpu.memory_space<hbm>> -> memref<4096xi32, #tpu.memory_space<hbm>>
              %dma_start3A_236 = arith.constant 0 : i32
              %dma_start3A_237 = tpu.memref_slice %arg8[%dma_start3A_236] : memref<4224xi32, #tpu.memory_space<vmem>> -> memref<4096xi32, #tpu.memory_space<vmem>>
              %dma_start3A_238 = tpu.memref_slice %arg2[%multiple_of3A_228] : memref<6400000xi32, #tpu.memory_space<hbm>> -> memref<4096xi32, #tpu.memory_space<hbm>>
              tpu.enqueue_dma source(%dma_start3A_238 : memref<4096xi32, #tpu.memory_space<hbm>>) target(%dma_start3A_237 : memref<4096xi32, #tpu.memory_space<vmem>>) target_semaphore(%arg13 : memref<!tpu.dma_semaphore, #tpu.memory_space<semaphore_mem>>)
              %dma_start3A_239 = arith.constant 4096 : i32
              %dma_start3A_240 = tpu.memref_slice %arg8[%dma_start3A_239] : memref<4224xi32, #tpu.memory_space<vmem>> -> memref<8xi32, #tpu.memory_space<vmem>>
              %dma_start3A_241 = tpu.memref_slice %arg2[%multiple_of3A_233] : memref<6400000xi32, #tpu.memory_space<hbm>> -> memref<8xi32, #tpu.memory_space<hbm>>
              %dma_start3A_242 = arith.constant 4096 : i32
              %dma_start3A_243 = tpu.memref_slice %arg8[%dma_start3A_242] : memref<4224xi32, #tpu.memory_space<vmem>> -> memref<8xi32, #tpu.memory_space<vmem>>
              %dma_start3A_244 = tpu.memref_slice %arg2[%multiple_of3A_233] : memref<6400000xi32, #tpu.memory_space<hbm>> -> memref<8xi32, #tpu.memory_space<hbm>>
              tpu.enqueue_dma source(%dma_start3A_244 : memref<8xi32, #tpu.memory_space<hbm>>) target(%dma_start3A_243 : memref<8xi32, #tpu.memory_space<vmem>>) target_semaphore(%arg13 : memref<!tpu.dma_semaphore, #tpu.memory_space<semaphore_mem>>)
              %dma_start3A_245 = tpu.memref_slice %arg3[%multiple_of3A_228] : memref<6400000xf32, #tpu.memory_space<hbm>> -> memref<4096xf32, #tpu.memory_space<hbm>>
              %dma_start3A_246 = tpu.memref_slice %arg3[%multiple_of3A_228] : memref<6400000xf32, #tpu.memory_space<hbm>> -> memref<4096xf32, #tpu.memory_space<hbm>>
              tpu.enqueue_dma source(%dma_start3A_246 : memref<4096xf32, #tpu.memory_space<hbm>>) target(%arg10 : memref<4096xf32, #tpu.memory_space<vmem>>) target_semaphore(%arg13 : memref<!tpu.dma_semaphore, #tpu.memory_space<semaphore_mem>>)
            } else {
            }
            %dma_wait3A = arith.constant 0 : i32
            %dma_wait3A_194 = tpu.memref_slice %arg9[%dma_wait3A] : memref<4224xi32, #tpu.memory_space<vmem>> -> memref<4096xi32, #tpu.memory_space<vmem>>
            %dma_wait3A_195 = arith.constant 0 : i32
            %dma_wait3A_196 = tpu.memref_slice %arg2[%dma_wait3A_195] : memref<6400000xi32, #tpu.memory_space<hbm>> -> memref<4096xi32, #tpu.memory_space<hbm>>
            %dma_wait3A_197 = arith.constant 0 : i32
            %dma_wait3A_198 = tpu.memref_slice %arg9[%dma_wait3A_197] : memref<4224xi32, #tpu.memory_space<vmem>> -> memref<4096xi32, #tpu.memory_space<vmem>>
            %dma_wait3A_199 = arith.constant 0 : i32
            %dma_wait3A_200 = tpu.memref_slice %arg2[%dma_wait3A_199] : memref<6400000xi32, #tpu.memory_space<hbm>> -> memref<4096xi32, #tpu.memory_space<hbm>>
            tpu.wait_dma2 semaphore(%arg14 : memref<!tpu.dma_semaphore, #tpu.memory_space<semaphore_mem>>) src(%dma_wait3A_200 : memref<4096xi32, #tpu.memory_space<hbm>>) dst(%dma_wait3A_198 : memref<4096xi32, #tpu.memory_space<vmem>>)
            %dma_wait3A_201 = arith.constant 4096 : i32
            %dma_wait3A_202 = tpu.memref_slice %arg9[%dma_wait3A_201] : memref<4224xi32, #tpu.memory_space<vmem>> -> memref<8xi32, #tpu.memory_space<vmem>>
            %dma_wait3A_203 = arith.constant 0 : i32
            %dma_wait3A_204 = tpu.memref_slice %arg2[%dma_wait3A_203] : memref<6400000xi32, #tpu.memory_space<hbm>> -> memref<8xi32, #tpu.memory_space<hbm>>
            %dma_wait3A_205 = arith.constant 4096 : i32
            %dma_wait3A_206 = tpu.memref_slice %arg9[%dma_wait3A_205] : memref<4224xi32, #tpu.memory_space<vmem>> -> memref<8xi32, #tpu.memory_space<vmem>>
            %dma_wait3A_207 = arith.constant 0 : i32
            %dma_wait3A_208 = tpu.memref_slice %arg2[%dma_wait3A_207] : memref<6400000xi32, #tpu.memory_space<hbm>> -> memref<8xi32, #tpu.memory_space<hbm>>
            tpu.wait_dma2 semaphore(%arg14 : memref<!tpu.dma_semaphore, #tpu.memory_space<semaphore_mem>>) src(%dma_wait3A_208 : memref<8xi32, #tpu.memory_space<hbm>>) dst(%dma_wait3A_206 : memref<8xi32, #tpu.memory_space<vmem>>)
            %dma_wait3A_209 = arith.constant 0 : i32
            %dma_wait3A_210 = tpu.memref_slice %arg3[%dma_wait3A_209] : memref<6400000xf32, #tpu.memory_space<hbm>> -> memref<4096xf32, #tpu.memory_space<hbm>>
            %dma_wait3A_211 = arith.constant 0 : i32
            %dma_wait3A_212 = tpu.memref_slice %arg3[%dma_wait3A_211] : memref<6400000xf32, #tpu.memory_space<hbm>> -> memref<4096xf32, #tpu.memory_space<hbm>>
            tpu.wait_dma2 semaphore(%arg14 : memref<!tpu.dma_semaphore, #tpu.memory_space<semaphore_mem>>) src(%dma_wait3A_212 : memref<4096xf32, #tpu.memory_space<hbm>>) dst(%arg11 : memref<4096xf32, #tpu.memory_space<vmem>>)
            %mul3A_213 = arith.constant 4096 : i32
            %mul3A_214 = arith.muli %add3A_182, %mul3A_213 : i32
            %add3A_215 = arith.addi %and3A_126, %mul3A_214 : i32
            %min3A = arith.constant 6395904 : i32
            %min3A_216 = arith.minsi %add3A_215, %min3A : i32
            %multiple_of3A_217 = tpu.assume_multiple %min3A_216, 8 : i32
            %parallel_loop3A_218 = arith.constant 0 : i32
            %parallel_loop3A_219 = arith.constant 256 : i32
            %parallel_loop3A_220 = arith.constant 1 : i32
            scf.for %parallel_loop3A_221 = %parallel_loop3A_218 to %parallel_loop3A_219 step %parallel_loop3A_220  : i32 {
              %parallel_loop3A_222 = arith.constant 4 : i32
              %parallel_loop3A_223 = arith.shli %parallel_loop3A_221, %parallel_loop3A_222 : i32
              %parallel_loop3A_224 = arith.index_cast %parallel_loop3A_223 : i32 to index
              %parallel_loop3A_225 = tpu.vector_load %arg9[%parallel_loop3A_224] {strides = array<i32>} : memref<4224xi32, #tpu.memory_space<vmem>>, vector<16xi32>,
              %parallel_loop3A_226 = arith.constant 1 : i32
              %parallel_loop3A_227 = arith.addi %parallel_loop3A_223, %parallel_loop3A_226 : i32
              %parallel_loop3A_228 = arith.index_cast %parallel_loop3A_227 : i32 to index
              %parallel_loop3A_229 = tpu.vector_load %arg9[%parallel_loop3A_228] {strides = array<i32>} : memref<4224xi32, #tpu.memory_space<vmem>>, vector<16xi32>,
              %parallel_loop3A_230 = arith.index_cast %parallel_loop3A_223 : i32 to index
              %parallel_loop3A_231 = tpu.vector_load %arg11[%parallel_loop3A_230] {strides = array<i32>} : memref<4096xf32, #tpu.memory_space<vmem>>, vector<16xf32>,
              %parallel_loop3A_232 = arith.addi %multiple_of3A_217, %parallel_loop3A_223 : i32
              %parallel_loop3A_233 = vector.broadcast %parallel_loop3A_232 : i32 to vector<16xi32>
              %parallel_loop3A_234 = arith.addi %parallel_loop3A_233, %iota3A : vector<16xi32>
              %parallel_loop3A_235 = vector.broadcast %squeeze3A : i32 to vector<16xi32>
              %parallel_loop3A_236 = arith.cmpi sge, %parallel_loop3A_234, %parallel_loop3A_235 : vector<16xi32>
              %parallel_loop3A_237 = vector.broadcast %squeeze3A_124 : i32 to vector<16xi32>
              %parallel_loop3A_238 = arith.cmpi slt, %parallel_loop3A_234, %parallel_loop3A_237 : vector<16xi32>
              %parallel_loop3A_239 = arith.andi %parallel_loop3A_236, %parallel_loop3A_238 : vector<16xi1>
              %parallel_loop3A_240 = arith.cmpi ne, %parallel_loop3A_225, %parallel_loop3A_229 : vector<16xi32>
              %parallel_loop3A_241 = arith.constant 6399999 : i32
              %parallel_loop3A_242 = vector.broadcast %parallel_loop3A_241 : i32 to vector<16xi32>
              %parallel_loop3A_243 = arith.cmpi eq, %parallel_loop3A_234, %parallel_loop3A_242 : vector<16xi32>
              %parallel_loop3A_244 = arith.ori %parallel_loop3A_240, %parallel_loop3A_243 : vector<16xi1>
              %parallel_loop3A_245 = arith.andi %parallel_loop3A_239, %parallel_loop3A_244 : vector<16xi1>
              %parallel_loop3A_246 = arith.constant 9 : i32
              %parallel_loop3A_247 = vector.broadcast %parallel_loop3A_246 : i32 to vector<16xi32>
              %parallel_loop3A_248 = arith.shrsi %parallel_loop3A_225, %parallel_loop3A_247 : vector<16xi32>
              %parallel_loop3A_249 = vector.broadcast %mul3A_121 : i32 to vector<16xi32>
              %parallel_loop3A_250 = arith.subi %parallel_loop3A_248, %parallel_loop3A_249 : vector<16xi32>
              %parallel_loop3A_251 = arith.constant 511 : i32
              %parallel_loop3A_252 = vector.broadcast %parallel_loop3A_251 : i32 to vector<16xi32>
              %parallel_loop3A_253 = arith.andi %parallel_loop3A_225, %parallel_loop3A_252 : vector<16xi32>
              tpu.vector_store_idx %arg7[%parallel_loop3A_250, %parallel_loop3A_253], %parallel_loop3A_231 masked %parallel_loop3A_245 : memref<64x512xf32, #tpu.memory_space<vmem>>[vector<16xi32>, vector<16xi32>], vector<16xf32>, vector<16xi1>
            } {sc.loop_unroll_factor = 4 : i64, sc.parallel_access}
          } else {
          }
          %while3A_187 = arith.constant 0 : i32
          scf.yield %while3A_187 : i32
        }
        %while3A_157 = arith.constant 1 : i32
        %while3A_158 = scf.for %while3A_169 = %while3A_154 to %while3A_150 step %while3A_157 iter_args(%while3A_170 = %while3A_156) -> (i32)  : i32 {
          %mul3A_171 = arith.constant 2 : i32
          %mul3A_172 = arith.muli %mul3A_171, %while3A_169 : i32
          %add3A_173 = arith.constant 0 : i32
          %add3A_174 = arith.addi %mul3A_172, %add3A_173 : i32
          %lt3A_175 = arith.cmpi slt, %add3A_174, %shift_right_arithmetic3A_132 : i32
          %convert_element_type3A_176 = arith.extui %lt3A_175 : i1 to i32
          %cond3A_177 = arith.constant 0 : i32
          %cond3A_178 = arith.cmpi ne, %convert_element_type3A_176, %cond3A_177 : i32
          scf.if %cond3A_178 {
            %add3A_188 = arith.constant 1 : i32
            %add3A_189 = arith.addi %add3A_174, %add3A_188 : i32
            %lt3A_190 = arith.cmpi slt, %add3A_189, %shift_right_arithmetic3A_132 : i32
            %convert_element_type3A_191 = arith.extui %lt3A_190 : i1 to i32
            %cond3A_192 = arith.constant 0 : i32
            %cond3A_193 = arith.cmpi ne, %convert_element_type3A_191, %cond3A_192 : i32
            scf.if %cond3A_193 {
              %add3A_221 = arith.constant 1 : i32
              %add3A_222 = arith.addi %add3A_174, %add3A_221 : i32
              %mul3A_223 = arith.constant 4096 : i32
              %mul3A_224 = arith.muli %add3A_222, %mul3A_223 : i32
              %add3A_225 = arith.addi %and3A_126, %mul3A_224 : i32
              %min3A_226 = arith.constant 6395904 : i32
              %min3A_227 = arith.minsi %add3A_225, %min3A_226 : i32
              %multiple_of3A_228 = tpu.assume_multiple %min3A_227, 8 : i32
              %add3A_229 = arith.constant 4096 : i32
              %add3A_230 = arith.addi %multiple_of3A_228, %add3A_229 : i32
              %min3A_231 = arith.constant 6399992 : i32
              %min3A_232 = arith.minsi %add3A_230, %min3A_231 : i32
              %multiple_of3A_233 = tpu.assume_multiple %min3A_232, 8 : i32
              %dma_start3A = arith.constant 0 : i32
              %dma_start3A_234 = tpu.memref_slice %arg9[%dma_start3A] : memref<4224xi32, #tpu.memory_space<vmem>> -> memref<4096xi32, #tpu.memory_space<vmem>>
              %dma_start3A_235 = tpu.memref_slice %arg2[%multiple_of3A_228] : memref<6400000xi32, #tpu.memory_space<hbm>> -> memref<4096xi32, #tpu.memory_space<hbm>>
              %dma_start3A_236 = arith.constant 0 : i32
              %dma_start3A_237 = tpu.memref_slice %arg9[%dma_start3A_236] : memref<4224xi32, #tpu.memory_space<vmem>> -> memref<4096xi32, #tpu.memory_space<vmem>>
              %dma_start3A_238 = tpu.memref_slice %arg2[%multiple_of3A_228] : memref<6400000xi32, #tpu.memory_space<hbm>> -> memref<4096xi32, #tpu.memory_space<hbm>>
              tpu.enqueue_dma source(%dma_start3A_238 : memref<4096xi32, #tpu.memory_space<hbm>>) target(%dma_start3A_237 : memref<4096xi32, #tpu.memory_space<vmem>>) target_semaphore(%arg14 : memref<!tpu.dma_semaphore, #tpu.memory_space<semaphore_mem>>)
              %dma_start3A_239 = arith.constant 4096 : i32
              %dma_start3A_240 = tpu.memref_slice %arg9[%dma_start3A_239] : memref<4224xi32, #tpu.memory_space<vmem>> -> memref<8xi32, #tpu.memory_space<vmem>>
              %dma_start3A_241 = tpu.memref_slice %arg2[%multiple_of3A_233] : memref<6400000xi32, #tpu.memory_space<hbm>> -> memref<8xi32, #tpu.memory_space<hbm>>
              %dma_start3A_242 = arith.constant 4096 : i32
              %dma_start3A_243 = tpu.memref_slice %arg9[%dma_start3A_242] : memref<4224xi32, #tpu.memory_space<vmem>> -> memref<8xi32, #tpu.memory_space<vmem>>
              %dma_start3A_244 = tpu.memref_slice %arg2[%multiple_of3A_233] : memref<6400000xi32, #tpu.memory_space<hbm>> -> memref<8xi32, #tpu.memory_space<hbm>>
              tpu.enqueue_dma source(%dma_start3A_244 : memref<8xi32, #tpu.memory_space<hbm>>) target(%dma_start3A_243 : memref<8xi32, #tpu.memory_space<vmem>>) target_semaphore(%arg14 : memref<!tpu.dma_semaphore, #tpu.memory_space<semaphore_mem>>)
              %dma_start3A_245 = tpu.memref_slice %arg3[%multiple_of3A_228] : memref<6400000xf32, #tpu.memory_space<hbm>> -> memref<4096xf32, #tpu.memory_space<hbm>>
              %dma_start3A_246 = tpu.memref_slice %arg3[%multiple_of3A_228] : memref<6400000xf32, #tpu.memory_space<hbm>> -> memref<4096xf32, #tpu.memory_space<hbm>>
              tpu.enqueue_dma source(%dma_start3A_246 : memref<4096xf32, #tpu.memory_space<hbm>>) target(%arg11 : memref<4096xf32, #tpu.memory_space<vmem>>) target_semaphore(%arg14 : memref<!tpu.dma_semaphore, #tpu.memory_space<semaphore_mem>>)
            } else {
            }
            %dma_wait3A = arith.constant 0 : i32
            %dma_wait3A_194 = tpu.memref_slice %arg8[%dma_wait3A] : memref<4224xi32, #tpu.memory_space<vmem>> -> memref<4096xi32, #tpu.memory_space<vmem>>
            %dma_wait3A_195 = arith.constant 0 : i32
            %dma_wait3A_196 = tpu.memref_slice %arg2[%dma_wait3A_195] : memref<6400000xi32, #tpu.memory_space<hbm>> -> memref<4096xi32, #tpu.memory_space<hbm>>
            %dma_wait3A_197 = arith.constant 0 : i32
            %dma_wait3A_198 = tpu.memref_slice %arg8[%dma_wait3A_197] : memref<4224xi32, #tpu.memory_space<vmem>> -> memref<4096xi32, #tpu.memory_space<vmem>>
            %dma_wait3A_199 = arith.constant 0 : i32
            %dma_wait3A_200 = tpu.memref_slice %arg2[%dma_wait3A_199] : memref<6400000xi32, #tpu.memory_space<hbm>> -> memref<4096xi32, #tpu.memory_space<hbm>>
            tpu.wait_dma2 semaphore(%arg13 : memref<!tpu.dma_semaphore, #tpu.memory_space<semaphore_mem>>) src(%dma_wait3A_200 : memref<4096xi32, #tpu.memory_space<hbm>>) dst(%dma_wait3A_198 : memref<4096xi32, #tpu.memory_space<vmem>>)
            %dma_wait3A_201 = arith.constant 4096 : i32
            %dma_wait3A_202 = tpu.memref_slice %arg8[%dma_wait3A_201] : memref<4224xi32, #tpu.memory_space<vmem>> -> memref<8xi32, #tpu.memory_space<vmem>>
            %dma_wait3A_203 = arith.constant 0 : i32
            %dma_wait3A_204 = tpu.memref_slice %arg2[%dma_wait3A_203] : memref<6400000xi32, #tpu.memory_space<hbm>> -> memref<8xi32, #tpu.memory_space<hbm>>
            %dma_wait3A_205 = arith.constant 4096 : i32
            %dma_wait3A_206 = tpu.memref_slice %arg8[%dma_wait3A_205] : memref<4224xi32, #tpu.memory_space<vmem>> -> memref<8xi32, #tpu.memory_space<vmem>>
            %dma_wait3A_207 = arith.constant 0 : i32
            %dma_wait3A_208 = tpu.memref_slice %arg2[%dma_wait3A_207] : memref<6400000xi32, #tpu.memory_space<hbm>> -> memref<8xi32, #tpu.memory_space<hbm>>
            tpu.wait_dma2 semaphore(%arg13 : memref<!tpu.dma_semaphore, #tpu.memory_space<semaphore_mem>>) src(%dma_wait3A_208 : memref<8xi32, #tpu.memory_space<hbm>>) dst(%dma_wait3A_206 : memref<8xi32, #tpu.memory_space<vmem>>)
            %dma_wait3A_209 = arith.constant 0 : i32
            %dma_wait3A_210 = tpu.memref_slice %arg3[%dma_wait3A_209] : memref<6400000xf32, #tpu.memory_space<hbm>> -> memref<4096xf32, #tpu.memory_space<hbm>>
            %dma_wait3A_211 = arith.constant 0 : i32
            %dma_wait3A_212 = tpu.memref_slice %arg3[%dma_wait3A_211] : memref<6400000xf32, #tpu.memory_space<hbm>> -> memref<4096xf32, #tpu.memory_space<hbm>>
            tpu.wait_dma2 semaphore(%arg13 : memref<!tpu.dma_semaphore, #tpu.memory_space<semaphore_mem>>) src(%dma_wait3A_212 : memref<4096xf32, #tpu.memory_space<hbm>>) dst(%arg10 : memref<4096xf32, #tpu.memory_space<vmem>>)
            %mul3A_213 = arith.constant 4096 : i32
            %mul3A_214 = arith.muli %add3A_174, %mul3A_213 : i32
            %add3A_215 = arith.addi %and3A_126, %mul3A_214 : i32
            %min3A = arith.constant 6395904 : i32
            %min3A_216 = arith.minsi %add3A_215, %min3A : i32
            %multiple_of3A_217 = tpu.assume_multiple %min3A_216, 8 : i32
            %parallel_loop3A_218 = arith.constant 0 : i32
            %parallel_loop3A_219 = arith.constant 256 : i32
            %parallel_loop3A_220 = arith.constant 1 : i32
            scf.for %parallel_loop3A_221 = %parallel_loop3A_218 to %parallel_loop3A_219 step %parallel_loop3A_220  : i32 {
              %parallel_loop3A_222 = arith.constant 4 : i32
              %parallel_loop3A_223 = arith.shli %parallel_loop3A_221, %parallel_loop3A_222 : i32
              %parallel_loop3A_224 = arith.index_cast %parallel_loop3A_223 : i32 to index
              %parallel_loop3A_225 = tpu.vector_load %arg8[%parallel_loop3A_224] {strides = array<i32>} : memref<4224xi32, #tpu.memory_space<vmem>>, vector<16xi32>,
              %parallel_loop3A_226 = arith.constant 1 : i32
              %parallel_loop3A_227 = arith.addi %parallel_loop3A_223, %parallel_loop3A_226 : i32
              %parallel_loop3A_228 = arith.index_cast %parallel_loop3A_227 : i32 to index
              %parallel_loop3A_229 = tpu.vector_load %arg8[%parallel_loop3A_228] {strides = array<i32>} : memref<4224xi32, #tpu.memory_space<vmem>>, vector<16xi32>,
              %parallel_loop3A_230 = arith.index_cast %parallel_loop3A_223 : i32 to index
              %parallel_loop3A_231 = tpu.vector_load %arg10[%parallel_loop3A_230] {strides = array<i32>} : memref<4096xf32, #tpu.memory_space<vmem>>, vector<16xf32>,
              %parallel_loop3A_232 = arith.addi %multiple_of3A_217, %parallel_loop3A_223 : i32
              %parallel_loop3A_233 = vector.broadcast %parallel_loop3A_232 : i32 to vector<16xi32>
              %parallel_loop3A_234 = arith.addi %parallel_loop3A_233, %iota3A : vector<16xi32>
              %parallel_loop3A_235 = vector.broadcast %squeeze3A : i32 to vector<16xi32>
              %parallel_loop3A_236 = arith.cmpi sge, %parallel_loop3A_234, %parallel_loop3A_235 : vector<16xi32>
              %parallel_loop3A_237 = vector.broadcast %squeeze3A_124 : i32 to vector<16xi32>
              %parallel_loop3A_238 = arith.cmpi slt, %parallel_loop3A_234, %parallel_loop3A_237 : vector<16xi32>
              %parallel_loop3A_239 = arith.andi %parallel_loop3A_236, %parallel_loop3A_238 : vector<16xi1>
              %parallel_loop3A_240 = arith.cmpi ne, %parallel_loop3A_225, %parallel_loop3A_229 : vector<16xi32>
              %parallel_loop3A_241 = arith.constant 6399999 : i32
              %parallel_loop3A_242 = vector.broadcast %parallel_loop3A_241 : i32 to vector<16xi32>
              %parallel_loop3A_243 = arith.cmpi eq, %parallel_loop3A_234, %parallel_loop3A_242 : vector<16xi32>
              %parallel_loop3A_244 = arith.ori %parallel_loop3A_240, %parallel_loop3A_243 : vector<16xi1>
              %parallel_loop3A_245 = arith.andi %parallel_loop3A_239, %parallel_loop3A_244 : vector<16xi1>
              %parallel_loop3A_246 = arith.constant 9 : i32
              %parallel_loop3A_247 = vector.broadcast %parallel_loop3A_246 : i32 to vector<16xi32>
              %parallel_loop3A_248 = arith.shrsi %parallel_loop3A_225, %parallel_loop3A_247 : vector<16xi32>
              %parallel_loop3A_249 = vector.broadcast %mul3A_121 : i32 to vector<16xi32>
              %parallel_loop3A_250 = arith.subi %parallel_loop3A_248, %parallel_loop3A_249 : vector<16xi32>
              %parallel_loop3A_251 = arith.constant 511 : i32
              %parallel_loop3A_252 = vector.broadcast %parallel_loop3A_251 : i32 to vector<16xi32>
              %parallel_loop3A_253 = arith.andi %parallel_loop3A_225, %parallel_loop3A_252 : vector<16xi32>
              tpu.vector_store_idx %arg7[%parallel_loop3A_250, %parallel_loop3A_253], %parallel_loop3A_231 masked %parallel_loop3A_245 : memref<64x512xf32, #tpu.memory_space<vmem>>[vector<16xi32>, vector<16xi32>], vector<16xf32>, vector<16xi1>
            } {sc.loop_unroll_factor = 4 : i64, sc.parallel_access}
          } else {
          }
          %mul3A_179 = arith.constant 2 : i32
          %mul3A_180 = arith.muli %mul3A_179, %while3A_169 : i32
          %add3A_181 = arith.constant 1 : i32
          %add3A_182 = arith.addi %mul3A_180, %add3A_181 : i32
          %lt3A_183 = arith.cmpi slt, %add3A_182, %shift_right_arithmetic3A_132 : i32
          %convert_element_type3A_184 = arith.extui %lt3A_183 : i1 to i32
          %cond3A_185 = arith.constant 0 : i32
          %cond3A_186 = arith.cmpi ne, %convert_element_type3A_184, %cond3A_185 : i32
          scf.if %cond3A_186 {
            %add3A_188 = arith.constant 1 : i32
            %add3A_189 = arith.addi %add3A_182, %add3A_188 : i32
            %lt3A_190 = arith.cmpi slt, %add3A_189, %shift_right_arithmetic3A_132 : i32
            %convert_element_type3A_191 = arith.extui %lt3A_190 : i1 to i32
            %cond3A_192 = arith.constant 0 : i32
            %cond3A_193 = arith.cmpi ne, %convert_element_type3A_191, %cond3A_192 : i32
            scf.if %cond3A_193 {
              %add3A_221 = arith.constant 1 : i32
              %add3A_222 = arith.addi %add3A_182, %add3A_221 : i32
              %mul3A_223 = arith.constant 4096 : i32
              %mul3A_224 = arith.muli %add3A_222, %mul3A_223 : i32
              %add3A_225 = arith.addi %and3A_126, %mul3A_224 : i32
              %min3A_226 = arith.constant 6395904 : i32
              %min3A_227 = arith.minsi %add3A_225, %min3A_226 : i32
              %multiple_of3A_228 = tpu.assume_multiple %min3A_227, 8 : i32
              %add3A_229 = arith.constant 4096 : i32
              %add3A_230 = arith.addi %multiple_of3A_228, %add3A_229 : i32
              %min3A_231 = arith.constant 6399992 : i32
              %min3A_232 = arith.minsi %add3A_230, %min3A_231 : i32
              %multiple_of3A_233 = tpu.assume_multiple %min3A_232, 8 : i32
              %dma_start3A = arith.constant 0 : i32
              %dma_start3A_234 = tpu.memref_slice %arg8[%dma_start3A] : memref<4224xi32, #tpu.memory_space<vmem>> -> memref<4096xi32, #tpu.memory_space<vmem>>
              %dma_start3A_235 = tpu.memref_slice %arg2[%multiple_of3A_228] : memref<6400000xi32, #tpu.memory_space<hbm>> -> memref<4096xi32, #tpu.memory_space<hbm>>
              %dma_start3A_236 = arith.constant 0 : i32
              %dma_start3A_237 = tpu.memref_slice %arg8[%dma_start3A_236] : memref<4224xi32, #tpu.memory_space<vmem>> -> memref<4096xi32, #tpu.memory_space<vmem>>
              %dma_start3A_238 = tpu.memref_slice %arg2[%multiple_of3A_228] : memref<6400000xi32, #tpu.memory_space<hbm>> -> memref<4096xi32, #tpu.memory_space<hbm>>
              tpu.enqueue_dma source(%dma_start3A_238 : memref<4096xi32, #tpu.memory_space<hbm>>) target(%dma_start3A_237 : memref<4096xi32, #tpu.memory_space<vmem>>) target_semaphore(%arg13 : memref<!tpu.dma_semaphore, #tpu.memory_space<semaphore_mem>>)
              %dma_start3A_239 = arith.constant 4096 : i32
              %dma_start3A_240 = tpu.memref_slice %arg8[%dma_start3A_239] : memref<4224xi32, #tpu.memory_space<vmem>> -> memref<8xi32, #tpu.memory_space<vmem>>
              %dma_start3A_241 = tpu.memref_slice %arg2[%multiple_of3A_233] : memref<6400000xi32, #tpu.memory_space<hbm>> -> memref<8xi32, #tpu.memory_space<hbm>>
              %dma_start3A_242 = arith.constant 4096 : i32
              %dma_start3A_243 = tpu.memref_slice %arg8[%dma_start3A_242] : memref<4224xi32, #tpu.memory_space<vmem>> -> memref<8xi32, #tpu.memory_space<vmem>>
              %dma_start3A_244 = tpu.memref_slice %arg2[%multiple_of3A_233] : memref<6400000xi32, #tpu.memory_space<hbm>> -> memref<8xi32, #tpu.memory_space<hbm>>
              tpu.enqueue_dma source(%dma_start3A_244 : memref<8xi32, #tpu.memory_space<hbm>>) target(%dma_start3A_243 : memref<8xi32, #tpu.memory_space<vmem>>) target_semaphore(%arg13 : memref<!tpu.dma_semaphore, #tpu.memory_space<semaphore_mem>>)
              %dma_start3A_245 = tpu.memref_slice %arg3[%multiple_of3A_228] : memref<6400000xf32, #tpu.memory_space<hbm>> -> memref<4096xf32, #tpu.memory_space<hbm>>
              %dma_start3A_246 = tpu.memref_slice %arg3[%multiple_of3A_228] : memref<6400000xf32, #tpu.memory_space<hbm>> -> memref<4096xf32, #tpu.memory_space<hbm>>
              tpu.enqueue_dma source(%dma_start3A_246 : memref<4096xf32, #tpu.memory_space<hbm>>) target(%arg10 : memref<4096xf32, #tpu.memory_space<vmem>>) target_semaphore(%arg13 : memref<!tpu.dma_semaphore, #tpu.memory_space<semaphore_mem>>)
            } else {
            }
            %dma_wait3A = arith.constant 0 : i32
            %dma_wait3A_194 = tpu.memref_slice %arg9[%dma_wait3A] : memref<4224xi32, #tpu.memory_space<vmem>> -> memref<4096xi32, #tpu.memory_space<vmem>>
            %dma_wait3A_195 = arith.constant 0 : i32
            %dma_wait3A_196 = tpu.memref_slice %arg2[%dma_wait3A_195] : memref<6400000xi32, #tpu.memory_space<hbm>> -> memref<4096xi32, #tpu.memory_space<hbm>>
            %dma_wait3A_197 = arith.constant 0 : i32
            %dma_wait3A_198 = tpu.memref_slice %arg9[%dma_wait3A_197] : memref<4224xi32, #tpu.memory_space<vmem>> -> memref<4096xi32, #tpu.memory_space<vmem>>
            %dma_wait3A_199 = arith.constant 0 : i32
            %dma_wait3A_200 = tpu.memref_slice %arg2[%dma_wait3A_199] : memref<6400000xi32, #tpu.memory_space<hbm>> -> memref<4096xi32, #tpu.memory_space<hbm>>
            tpu.wait_dma2 semaphore(%arg14 : memref<!tpu.dma_semaphore, #tpu.memory_space<semaphore_mem>>) src(%dma_wait3A_200 : memref<4096xi32, #tpu.memory_space<hbm>>) dst(%dma_wait3A_198 : memref<4096xi32, #tpu.memory_space<vmem>>)
            %dma_wait3A_201 = arith.constant 4096 : i32
            %dma_wait3A_202 = tpu.memref_slice %arg9[%dma_wait3A_201] : memref<4224xi32, #tpu.memory_space<vmem>> -> memref<8xi32, #tpu.memory_space<vmem>>
            %dma_wait3A_203 = arith.constant 0 : i32
            %dma_wait3A_204 = tpu.memref_slice %arg2[%dma_wait3A_203] : memref<6400000xi32, #tpu.memory_space<hbm>> -> memref<8xi32, #tpu.memory_space<hbm>>
            %dma_wait3A_205 = arith.constant 4096 : i32
            %dma_wait3A_206 = tpu.memref_slice %arg9[%dma_wait3A_205] : memref<4224xi32, #tpu.memory_space<vmem>> -> memref<8xi32, #tpu.memory_space<vmem>>
            %dma_wait3A_207 = arith.constant 0 : i32
            %dma_wait3A_208 = tpu.memref_slice %arg2[%dma_wait3A_207] : memref<6400000xi32, #tpu.memory_space<hbm>> -> memref<8xi32, #tpu.memory_space<hbm>>
            tpu.wait_dma2 semaphore(%arg14 : memref<!tpu.dma_semaphore, #tpu.memory_space<semaphore_mem>>) src(%dma_wait3A_208 : memref<8xi32, #tpu.memory_space<hbm>>) dst(%dma_wait3A_206 : memref<8xi32, #tpu.memory_space<vmem>>)
            %dma_wait3A_209 = arith.constant 0 : i32
            %dma_wait3A_210 = tpu.memref_slice %arg3[%dma_wait3A_209] : memref<6400000xf32, #tpu.memory_space<hbm>> -> memref<4096xf32, #tpu.memory_space<hbm>>
            %dma_wait3A_211 = arith.constant 0 : i32
            %dma_wait3A_212 = tpu.memref_slice %arg3[%dma_wait3A_211] : memref<6400000xf32, #tpu.memory_space<hbm>> -> memref<4096xf32, #tpu.memory_space<hbm>>
            tpu.wait_dma2 semaphore(%arg14 : memref<!tpu.dma_semaphore, #tpu.memory_space<semaphore_mem>>) src(%dma_wait3A_212 : memref<4096xf32, #tpu.memory_space<hbm>>) dst(%arg11 : memref<4096xf32, #tpu.memory_space<vmem>>)
            %mul3A_213 = arith.constant 4096 : i32
            %mul3A_214 = arith.muli %add3A_182, %mul3A_213 : i32
            %add3A_215 = arith.addi %and3A_126, %mul3A_214 : i32
            %min3A = arith.constant 6395904 : i32
            %min3A_216 = arith.minsi %add3A_215, %min3A : i32
            %multiple_of3A_217 = tpu.assume_multiple %min3A_216, 8 : i32
            %parallel_loop3A_218 = arith.constant 0 : i32
            %parallel_loop3A_219 = arith.constant 256 : i32
            %parallel_loop3A_220 = arith.constant 1 : i32
            scf.for %parallel_loop3A_221 = %parallel_loop3A_218 to %parallel_loop3A_219 step %parallel_loop3A_220  : i32 {
              %parallel_loop3A_222 = arith.constant 4 : i32
              %parallel_loop3A_223 = arith.shli %parallel_loop3A_221, %parallel_loop3A_222 : i32
              %parallel_loop3A_224 = arith.index_cast %parallel_loop3A_223 : i32 to index
              %parallel_loop3A_225 = tpu.vector_load %arg9[%parallel_loop3A_224] {strides = array<i32>} : memref<4224xi32, #tpu.memory_space<vmem>>, vector<16xi32>,
              %parallel_loop3A_226 = arith.constant 1 : i32
              %parallel_loop3A_227 = arith.addi %parallel_loop3A_223, %parallel_loop3A_226 : i32
              %parallel_loop3A_228 = arith.index_cast %parallel_loop3A_227 : i32 to index
              %parallel_loop3A_229 = tpu.vector_load %arg9[%parallel_loop3A_228] {strides = array<i32>} : memref<4224xi32, #tpu.memory_space<vmem>>, vector<16xi32>,
              %parallel_loop3A_230 = arith.index_cast %parallel_loop3A_223 : i32 to index
              %parallel_loop3A_231 = tpu.vector_load %arg11[%parallel_loop3A_230] {strides = array<i32>} : memref<4096xf32, #tpu.memory_space<vmem>>, vector<16xf32>,
              %parallel_loop3A_232 = arith.addi %multiple_of3A_217, %parallel_loop3A_223 : i32
              %parallel_loop3A_233 = vector.broadcast %parallel_loop3A_232 : i32 to vector<16xi32>
              %parallel_loop3A_234 = arith.addi %parallel_loop3A_233, %iota3A : vector<16xi32>
              %parallel_loop3A_235 = vector.broadcast %squeeze3A : i32 to vector<16xi32>
              %parallel_loop3A_236 = arith.cmpi sge, %parallel_loop3A_234, %parallel_loop3A_235 : vector<16xi32>
              %parallel_loop3A_237 = vector.broadcast %squeeze3A_124 : i32 to vector<16xi32>
              %parallel_loop3A_238 = arith.cmpi slt, %parallel_loop3A_234, %parallel_loop3A_237 : vector<16xi32>
              %parallel_loop3A_239 = arith.andi %parallel_loop3A_236, %parallel_loop3A_238 : vector<16xi1>
              %parallel_loop3A_240 = arith.cmpi ne, %parallel_loop3A_225, %parallel_loop3A_229 : vector<16xi32>
              %parallel_loop3A_241 = arith.constant 6399999 : i32
              %parallel_loop3A_242 = vector.broadcast %parallel_loop3A_241 : i32 to vector<16xi32>
              %parallel_loop3A_243 = arith.cmpi eq, %parallel_loop3A_234, %parallel_loop3A_242 : vector<16xi32>
              %parallel_loop3A_244 = arith.ori %parallel_loop3A_240, %parallel_loop3A_243 : vector<16xi1>
              %parallel_loop3A_245 = arith.andi %parallel_loop3A_239, %parallel_loop3A_244 : vector<16xi1>
              %parallel_loop3A_246 = arith.constant 9 : i32
              %parallel_loop3A_247 = vector.broadcast %parallel_loop3A_246 : i32 to vector<16xi32>
              %parallel_loop3A_248 = arith.shrsi %parallel_loop3A_225, %parallel_loop3A_247 : vector<16xi32>
              %parallel_loop3A_249 = vector.broadcast %mul3A_121 : i32 to vector<16xi32>
              %parallel_loop3A_250 = arith.subi %parallel_loop3A_248, %parallel_loop3A_249 : vector<16xi32>
              %parallel_loop3A_251 = arith.constant 511 : i32
              %parallel_loop3A_252 = vector.broadcast %parallel_loop3A_251 : i32 to vector<16xi32>
              %parallel_loop3A_253 = arith.andi %parallel_loop3A_225, %parallel_loop3A_252 : vector<16xi32>
              tpu.vector_store_idx %arg7[%parallel_loop3A_250, %parallel_loop3A_253], %parallel_loop3A_231 masked %parallel_loop3A_245 : memref<64x512xf32, #tpu.memory_space<vmem>>[vector<16xi32>, vector<16xi32>], vector<16xf32>, vector<16xi1>
            } {sc.loop_unroll_factor = 4 : i64, sc.parallel_access}
          } else {
          }
          %while3A_187 = arith.constant 0 : i32
          scf.yield %while3A_187 : i32
        }
        %multiple_of3A = tpu.assume_multiple %mul3A_121, 8 : i32
        %lt3A_159 = arith.constant 781 : i32
        %lt3A_160 = arith.cmpi slt, %add3A_113, %lt3A_159 : i32
        %convert_element_type3A_161 = arith.extui %lt3A_160 : i1 to i32
        %cond3A_162 = arith.constant 0 : i32
        %cond3A_163 = arith.cmpi ne, %convert_element_type3A_161, %cond3A_162 : i32
        scf.if %cond3A_163 {
          %dma_start3A = arith.constant 0 : i32
          %dma_start3A_169 = tpu.memref_slice %arg5[%multiple_of3A, %dma_start3A] : memref<50000x512xf32, #tpu.memory_space<hbm>> -> memref<64x512xf32, #tpu.memory_space<hbm>>
          %dma_start3A_170 = arith.constant 0 : i32
          %dma_start3A_171 = tpu.memref_slice %arg5[%multiple_of3A, %dma_start3A_170] : memref<50000x512xf32, #tpu.memory_space<hbm>> -> memref<64x512xf32, #tpu.memory_space<hbm>>
          tpu.enqueue_dma source(%arg7 : memref<64x512xf32, #tpu.memory_space<vmem>>) target(%dma_start3A_171 : memref<64x512xf32, #tpu.memory_space<hbm>>) target_semaphore(%arg16 : memref<!tpu.dma_semaphore, #tpu.memory_space<semaphore_mem>>)
        } else {
        }
        %eq3A_164 = arith.constant 781 : i32
        %eq3A_165 = arith.cmpi eq, %add3A_113, %eq3A_164 : i32
        %convert_element_type3A_166 = arith.extui %eq3A_165 : i1 to i32
        %cond3A_167 = arith.constant 0 : i32
        %cond3A_168 = arith.cmpi ne, %convert_element_type3A_166, %cond3A_167 : i32
        scf.if %cond3A_168 {
          "tpu.region"() ({
            %run_scoped3A = tpu.sem_alloc : memref<!tpu.dma_semaphore, #tpu.memory_space<semaphore_mem>>
            %dma_start3A = arith.constant 0 : i32
            %dma_start3A_169 = arith.constant 0 : i32
            %dma_start3A_170 = tpu.memref_slice %arg7[%dma_start3A, %dma_start3A_169] : memref<64x512xf32, #tpu.memory_space<vmem>> -> memref<16x512xf32, #tpu.memory_space<vmem>>
            %dma_start3A_171 = arith.constant 0 : i32
            %dma_start3A_172 = tpu.memref_slice %arg5[%multiple_of3A, %dma_start3A_171] : memref<50000x512xf32, #tpu.memory_space<hbm>> -> memref<16x512xf32, #tpu.memory_space<hbm>>
            %dma_start3A_173 = arith.constant 0 : i32
            %dma_start3A_174 = tpu.memref_slice %arg5[%multiple_of3A, %dma_start3A_173] : memref<50000x512xf32, #tpu.memory_space<hbm>> -> memref<16x512xf32, #tpu.memory_space<hbm>>
            %dma_start3A_175 = arith.constant 0 : i32
            %dma_start3A_176 = arith.constant 0 : i32
            %dma_start3A_177 = tpu.memref_slice %arg7[%dma_start3A_175, %dma_start3A_176] : memref<64x512xf32, #tpu.memory_space<vmem>> -> memref<16x512xf32, #tpu.memory_space<vmem>>
            tpu.enqueue_dma source(%dma_start3A_177 : memref<16x512xf32, #tpu.memory_space<vmem>>) target(%dma_start3A_174 : memref<16x512xf32, #tpu.memory_space<hbm>>) target_semaphore(%run_scoped3A : memref<!tpu.dma_semaphore, #tpu.memory_space<semaphore_mem>>)
            %dma_wait3A = arith.constant 0 : i32
            %dma_wait3A_178 = arith.constant 0 : i32
            %dma_wait3A_179 = tpu.memref_slice %arg7[%dma_wait3A, %dma_wait3A_178] : memref<64x512xf32, #tpu.memory_space<vmem>> -> memref<16x512xf32, #tpu.memory_space<vmem>>
            %dma_wait3A_180 = arith.constant 0 : i32
            %dma_wait3A_181 = tpu.memref_slice %arg5[%multiple_of3A, %dma_wait3A_180] : memref<50000x512xf32, #tpu.memory_space<hbm>> -> memref<16x512xf32, #tpu.memory_space<hbm>>
            %dma_wait3A_182 = arith.constant 0 : i32
            %dma_wait3A_183 = tpu.memref_slice %arg5[%multiple_of3A, %dma_wait3A_182] : memref<50000x512xf32, #tpu.memory_space<hbm>> -> memref<16x512xf32, #tpu.memory_space<hbm>>
            %dma_wait3A_184 = arith.constant 0 : i32
            %dma_wait3A_185 = arith.constant 0 : i32
            %dma_wait3A_186 = tpu.memref_slice %arg7[%dma_wait3A_184, %dma_wait3A_185] : memref<64x512xf32, #tpu.memory_space<vmem>> -> memref<16x512xf32, #tpu.memory_space<vmem>>
            tpu.wait_dma2 semaphore(%run_scoped3A : memref<!tpu.dma_semaphore, #tpu.memory_space<semaphore_mem>>) src(%dma_wait3A_186 : memref<16x512xf32, #tpu.memory_space<vmem>>) dst(%dma_wait3A_183 : memref<16x512xf32, #tpu.memory_space<hbm>>)
            tpu.yield
          }) : () -> ()
        } else {
        }
      } else {
      }
      %scan3A_119 = arith.constant 0 : i32
      scf.yield %scan3A_119 : i32
    }
    %scan3A_7 = arith.constant 13 : i32
    %sub3A = arith.constant 782 : i32
    %sub3A_8 = arith.subi %sub3A, %add3A : i32
    %add3A_9 = arith.constant 32 : i32
    %add3A_10 = arith.addi %sub3A_8, %add3A_9 : i32
    %sub3A_11 = arith.constant 1 : i32
    %sub3A_12 = arith.subi %add3A_10, %sub3A_11 : i32
    %jit3A = arith.constant 32 : i32
    %div3A = arith.divsi %sub3A_12, %jit3A : i32
    %sign3A = arith.constant 0 : i32
    %sign3A_13 = arith.cmpi sgt, %sub3A_12, %sign3A : i32
    %sign3A_14 = arith.extui %sign3A_13 : i1 to i32
    %sign3A_15 = arith.constant 0 : i32
    %sign3A_16 = arith.cmpi slt, %sub3A_12, %sign3A_15 : i32
    %sign3A_17 = arith.extui %sign3A_16 : i1 to i32
    %sign3A_18 = arith.subi %sign3A_14, %sign3A_17 : i32
    %sign3A_19 = arith.constant 0 : i32
    %sign3A_20 = arith.cmpi sgt, %jit3A, %sign3A_19 : i32
    %sign3A_21 = arith.extui %sign3A_20 : i1 to i32
    %sign3A_22 = arith.constant 0 : i32
    %sign3A_23 = arith.cmpi slt, %jit3A, %sign3A_22 : i32
    %sign3A_24 = arith.extui %sign3A_23 : i1 to i32
    %sign3A_25 = arith.subi %sign3A_21, %sign3A_24 : i32
    %ne3A = arith.cmpi ne, %sign3A_18, %sign3A_25 : i32
    %rem3A = arith.remsi %sub3A_12, %jit3A : i32
    %ne3A_26 = arith.constant 0 : i32
    %ne3A_27 = arith.cmpi ne, %rem3A, %ne3A_26 : i32
    %and3A = arith.andi %ne3A, %ne3A_27 : i1
    %sub3A_28 = arith.constant 1 : i32
    %sub3A_29 = arith.subi %div3A, %sub3A_28 : i32
    %select_n3A = arith.select %and3A, %sub3A_29, %div3A : i32
    %sub3A_30 = arith.constant 1 : i32
    %sub3A_31 = arith.subi %select_n3A, %sub3A_30 : i32
    %sub3A_32 = arith.constant 1 : i32
    %sub3A_33 = arith.subi %select_n3A, %sub3A_32 : i32
    %sub3A_34 = arith.constant 0 : i32
    %sub3A_35 = arith.subi %sub3A_33, %sub3A_34 : i32
    %jit3A_36 = arith.constant 2 : i32
    %eq3A = arith.constant 0 : i32
    %eq3A_37 = arith.cmpi eq, %jit3A_36, %eq3A : i32
    %jit3A_38 = arith.constant 1 : i32
    %select_n3A_39 = arith.select %eq3A_37, %jit3A_38, %jit3A_36 : i32
    %rem3A_40 = arith.remsi %sub3A_35, %select_n3A_39 : i32
    %ne3A_41 = arith.constant 0 : i32
    %ne3A_42 = arith.cmpi ne, %rem3A_40, %ne3A_41 : i32
    %lt3A = arith.constant 0 : i32
    %lt3A_43 = arith.cmpi slt, %rem3A_40, %lt3A : i32
    %lt3A_44 = arith.constant 0 : i32
    %lt3A_45 = arith.cmpi slt, %select_n3A_39, %lt3A_44 : i32
    %ne3A_46 = arith.xori %lt3A_43, %lt3A_45 : i1
    %and3A_47 = arith.andi %ne3A_46, %ne3A_42 : i1
    %add3A_48 = arith.addi %rem3A_40, %select_n3A_39 : i32
    %select_n3A_49 = arith.select %and3A_47, %add3A_48, %rem3A_40 : i32
    %sub3A_50 = arith.subi %sub3A_31, %select_n3A_49 : i32
    %mul3A_51 = arith.constant 32 : i32
    %mul3A_52 = arith.muli %mul3A_51, %sub3A_50 : i32
    %add3A_53 = arith.addi %add3A, %mul3A_52 : i32
    %gt3A = arith.constant 0 : i32
    %gt3A_54 = arith.cmpi sgt, %select_n3A, %gt3A : i32
    %lt3A_55 = arith.constant 781 : i32
    %lt3A_56 = arith.cmpi slt, %add3A_53, %lt3A_55 : i32
    %and3A_57 = arith.andi %gt3A_54, %lt3A_56 : i1
    %convert_element_type3A = arith.extui %and3A_57 : i1 to i32
    %cond3A = arith.constant 0 : i32
    %cond3A_58 = arith.cmpi ne, %convert_element_type3A, %cond3A : i32
    scf.if %cond3A_58 {
      %dma_wait3A = arith.constant 0 : i32
      %dma_wait3A_93 = arith.constant 0 : i32
      %dma_wait3A_94 = tpu.memref_slice %arg5[%dma_wait3A, %dma_wait3A_93] : memref<50000x512xf32, #tpu.memory_space<hbm>> -> memref<64x512xf32, #tpu.memory_space<hbm>>
      %dma_wait3A_95 = arith.constant 0 : i32
      %dma_wait3A_96 = arith.constant 0 : i32
      %dma_wait3A_97 = tpu.memref_slice %arg5[%dma_wait3A_95, %dma_wait3A_96] : memref<50000x512xf32, #tpu.memory_space<hbm>> -> memref<64x512xf32, #tpu.memory_space<hbm>>
      tpu.wait_dma2 semaphore(%arg15 : memref<!tpu.dma_semaphore, #tpu.memory_space<semaphore_mem>>) src(%arg6 : memref<64x512xf32, #tpu.memory_space<vmem>>) dst(%dma_wait3A_97 : memref<64x512xf32, #tpu.memory_space<hbm>>)
    } else {
    }
    %sub3A_59 = arith.constant 1 : i32
    %sub3A_60 = arith.subi %select_n3A, %sub3A_59 : i32
    %sub3A_61 = arith.constant 1 : i32
    %sub3A_62 = arith.subi %select_n3A, %sub3A_61 : i32
    %sub3A_63 = arith.constant 1 : i32
    %sub3A_64 = arith.subi %sub3A_62, %sub3A_63 : i32
    %jit3A_65 = arith.constant 2 : i32
    %eq3A_66 = arith.constant 0 : i32
    %eq3A_67 = arith.cmpi eq, %jit3A_65, %eq3A_66 : i32
    %jit3A_68 = arith.constant 1 : i32
    %select_n3A_69 = arith.select %eq3A_67, %jit3A_68, %jit3A_65 : i32
    %rem3A_70 = arith.remsi %sub3A_64, %select_n3A_69 : i32
    %ne3A_71 = arith.constant 0 : i32
    %ne3A_72 = arith.cmpi ne, %rem3A_70, %ne3A_71 : i32
    %lt3A_73 = arith.constant 0 : i32
    %lt3A_74 = arith.cmpi slt, %rem3A_70, %lt3A_73 : i32
    %lt3A_75 = arith.constant 0 : i32
    %lt3A_76 = arith.cmpi slt, %select_n3A_69, %lt3A_75 : i32
    %ne3A_77 = arith.xori %lt3A_74, %lt3A_76 : i1
    %and3A_78 = arith.andi %ne3A_77, %ne3A_72 : i1
    %add3A_79 = arith.addi %rem3A_70, %select_n3A_69 : i32
    %select_n3A_80 = arith.select %and3A_78, %add3A_79, %rem3A_70 : i32
    %sub3A_81 = arith.subi %sub3A_60, %select_n3A_80 : i32
    %mul3A_82 = arith.constant 32 : i32
    %mul3A_83 = arith.muli %mul3A_82, %sub3A_81 : i32
    %add3A_84 = arith.addi %add3A, %mul3A_83 : i32
    %gt3A_85 = arith.constant 1 : i32
    %gt3A_86 = arith.cmpi sgt, %select_n3A, %gt3A_85 : i32
    %lt3A_87 = arith.constant 781 : i32
    %lt3A_88 = arith.cmpi slt, %add3A_84, %lt3A_87 : i32
    %and3A_89 = arith.andi %gt3A_86, %lt3A_88 : i1
    %convert_element_type3A_90 = arith.extui %and3A_89 : i1 to i32
    %cond3A_91 = arith.constant 0 : i32
    %cond3A_92 = arith.cmpi ne, %convert_element_type3A_90, %cond3A_91 : i32
    scf.if %cond3A_92 {
      %dma_wait3A = arith.constant 0 : i32
      %dma_wait3A_93 = arith.constant 0 : i32
      %dma_wait3A_94 = tpu.memref_slice %arg5[%dma_wait3A, %dma_wait3A_93] : memref<50000x512xf32, #tpu.memory_space<hbm>> -> memref<64x512xf32, #tpu.memory_space<hbm>>
      %dma_wait3A_95 = arith.constant 0 : i32
      %dma_wait3A_96 = arith.constant 0 : i32
      %dma_wait3A_97 = tpu.memref_slice %arg5[%dma_wait3A_95, %dma_wait3A_96] : memref<50000x512xf32, #tpu.memory_space<hbm>> -> memref<64x512xf32, #tpu.memory_space<hbm>>
      tpu.wait_dma2 semaphore(%arg16 : memref<!tpu.dma_semaphore, #tpu.memory_space<semaphore_mem>>) src(%arg7 : memref<64x512xf32, #tpu.memory_space<vmem>>) dst(%dma_wait3A_97 : memref<64x512xf32, #tpu.memory_space<hbm>>)
    } else {
    }
    return
  }
}

</mosaic_0001>

<sc_bundles>
// kernel: kernel.4.cloned.1.call-start
scs
__scs_entry_jumppad:
0x0: {  	(pc) =	sbr.rel $0x88, $3  }
0x1: {  	(tag) =	ssettag $0x0;
	lr =	simm.s32 $0x1  }
0x2: {  	[smem:$0x3F9E] =	sst lr;
	_ =	strace $0xD0000000  }
0x3: {  	_ = 	snop  }
0x4: {  	_ = 	snop  }
0x5: {  	_ = 	snop  }
0x6: {  	_ = 	snop  }
0x7: {  	_ = 	snop  }
__scs_overlays_trampoline_lowered:
0x8: {  	[smem:$0x3FAD] =	sst s0  }
0x9: {  	[smem:$0x3FAE] =	sst s1  }
0xa: {  	[smem:$0x3FAF] =	sst s2  }
0xb: {  	[smem:$0x3FB0] =	sst s3  }
0xc: {  	[smem:$0x3FB1] =	sst s4  }
0xd: {  	[smem:$0x3FB2] =	sst s5  }
0xe: {  	[smem:$0x3FB3] =	sst s6  }
0xf: {  	[smem:$0x3FB4] =	sst s7  }
0x10: {  	[smem:$0x3FB5] =	sst s8  }
0x11: {  	[smem:$0x3FB6] =	sst s9;
	s0 =	simm.s32 @!p0 $0x0  }
0x12: {  	s1 =	sld [smem:$0x3F9C];
	s0 =	simm.s32 @p0 $0x1  }
0x13: {  	[smem:$0x3FB7] =	sst s0;
	s0 =	simm.s32 @!p1 $0x0  }
0x14: {  	s2 =	sld [smem:$0x3F9B];
	s0 =	simm.s32 @p1 $0x1  }
0x15: {  	[smem:$0x3FB8] =	sst s0;
	s0 =	simm.s32 @!p2 $0x0  }
0x16: {  	s3 =	sld [smem:$0x3FDB];
	s0 =	simm.s32 @p2 $0x1  }
0x17: {  	s4 =	simm.s32 $0x1BF5;
	[smem:$0x3FBA] =	sst s0  }
0x18: {  	s0 =	sld [smem:$0x3F9D];
	_ =	swait.ge [sflag:s4], $0x0  }
0x19: {  	s7 =	sld [smem:$0x3F9E]  }
0x1a: {  	s8 =	sadd.s32 $0xFFFFE003, lr  }
0x1b: {  	s9 =	sadd.s32 $0xFFFFFEF7, lr;
	s5 =	simm.s32 $0xFFFFFFFF;
	p2 =	slt.u32 s8, $0xFFFFF086  }
0x1c: {  	p1 =	slt.u32 s9, $0xF7A;
	s5 =	simm.s32 @!p2 $0x0  }
0x1d: {  	s5 =	simm.s32 @p1 $0x1;
	p0 =	seq.s32 s7, s2  }
0x1e: {  	s7 =	smul.u32 @!p0 $0xF7A, s2;
	p2 =	seq.s32 @!p0 s5, $0x0  }
0x1f: {  	s9 =	smul.u32 $0xF7A, s1;
	s8 =	simm.s32 @!p0 $0x1BF5;
	p2 =	por !p2, p0  }
0x20: {  	[sflag:s8] =	ssyncset.s32 @!p0 $0xFFFFF086;
	s6 =	sadd.s32 @!p0 s3, s7;
	s7 =	simm.s32 @!p0 $0x108  }
0x21: {  	s3 =	sadd.s32 s3, s9;
	s6 =	sadd.s32 @!p0 $0x88, s6;
	s7 =	simm.s32 @p2 $0x1082  }
0x22: {  	[simem:s7], [sflag:s8] =	dma.local @!p0 [hbm:s6], $0xF7A  }
0x23: {  	s9 =	sor.u32 $0xD0000000, s2;
	s6 =	simm.s32 $0x108;
	_ =	swait.ge @!p0 [sflag:s8], $0x0  }
0x24: {  	s3 =	sadd.s32 $0x88, s3;
	s6 =	simm.s32 @!p1 $0x1082;
	[sflag:s4] =	ssyncset.s32 $0xFFFFF086  }
0x25: {  	[simem:s6], [sflag:s4] =	dma.local [hbm:s3], $0xF7A  }
0x26: {  	[smem:$0x3F9E] =	sst s1;
	(tag) =	ssettag s2;
	_ =	strace s9  }
0x27: {  	s1 =	sld [smem:$0x3FAE]  }
0x28: {  	s2 =	sld [smem:$0x3FAF]  }
0x29: {  	s4 =	sld [smem:$0x3FB1]  }
0x2a: {  	p0 =	seq.s32 s5, $0x0;
	s5 =	sld [smem:$0x3FB2]  }
0x2b: {  	s6 =	sld [smem:$0x3FB3]  }
0x2c: {  	s7 =	sld [smem:$0x3FB4]  }
0x2d: {  	s3 =	simm.s32 $0x108;
	s8 =	sld [smem:$0x3FB5]  }
0x2e: {  	s3 =	simm.s32 @!p0 $0x1082;
	s9 =	sld [smem:$0x3FB6]  }
0x2f: {  	lr =	sadd.s32 s0, s3;
	s0 =	sld [smem:$0x3FAD]  }
0x30: {  	s3 =	sld [smem:$0x3FB0]  }
0x31: {  	[smem:$0x3FB9] =	sst s10  }
0x32: {  	s10 =	sld [smem:$0x3FB7];
	_ =	sdelay $0x3  }
0x33: {  	p0 =	seq.s32 s10, $0x1;
	s10 =	sld [smem:$0x3FB9];
	_ =	sdelay $0x3  }
0x34: {  	[smem:$0x3FB9] =	sst s10  }
0x35: {  	s10 =	sld [smem:$0x3FB8];
	_ =	sdelay $0x3  }
0x36: {  	p1 =	seq.s32 s10, $0x1;
	s10 =	sld [smem:$0x3FB9];
	_ =	sdelay $0x3  }
0x37: {  	[smem:$0x3FB9] =	sst s10  }
0x38: {  	s10 =	sld [smem:$0x3FBA]  }
0x39: {  	_ = 	snop;
	(pc) =	sbr.ind lr, $3  }
0x3a: {  	_ = 	snop  }
0x3b: {  	_ = 	snop  }
0x3c: {  	p2 =	seq.s32 s10, $0x1;
	s10 =	sld [smem:$0x3FB9]  }
0x3d: {  	_ =	shalt  }
0x3e: {  	_ =	shalt  }
0x3f: {  	_ =	shalt  }
0x40: {  	_ =	shalt  }
0x41: {  	_ =	shalt  }
0x42: {  	_ =	shalt  }
0x43: {  	_ =	shalt  }
0x44: {  	_ =	shalt  }
0x45: {  	_ =	shalt  }
0x46: {  	_ =	shalt  }
0x47: {  	_ =	shalt  }
0x48: {  	_ =	shalt  }
0x49: {  	_ =	shalt  }
0x4a: {  	_ =	shalt  }
0x4b: {  	_ =	shalt  }
0x4c: {  	_ =	shalt  }
0x4d: {  	_ =	shalt  }
0x4e: {  	_ =	shalt  }
0x4f: {  	_ =	shalt  }
0x50: {  	_ =	shalt  }
0x51: {  	_ =	shalt  }
0x52: {  	_ =	shalt  }
0x53: {  	_ =	shalt  }
0x54: {  	_ =	shalt  }
0x55: {  	_ =	shalt  }
0x56: {  	_ =	shalt  }
0x57: {  	_ =	shalt  }
0x58: {  	_ =	shalt  }
0x59: {  	_ =	shalt  }
0x5a: {  	_ =	shalt  }
0x5b: {  	_ =	shalt  }
0x5c: {  	_ =	shalt  }
0x5d: {  	_ =	shalt  }
0x5e: {  	_ =	shalt  }
0x5f: {  	_ =	shalt  }
0x60: {  	_ =	shalt  }
0x61: {  	_ =	shalt  }
0x62: {  	_ =	shalt  }
0x63: {  	_ =	shalt  }
0x64: {  	_ =	shalt  }
0x65: {  	_ =	shalt  }
0x66: {  	_ =	shalt  }
0x67: {  	_ =	shalt  }
0x68: {  	_ =	shalt  }
0x69: {  	_ =	shalt  }
0x6a: {  	_ =	shalt  }
0x6b: {  	_ =	shalt  }
0x6c: {  	_ =	shalt  }
0x6d: {  	_ =	shalt  }
0x6e: {  	_ =	shalt  }
0x6f: {  	_ =	shalt  }
0x70: {  	_ =	shalt  }
0x71: {  	_ =	shalt  }
0x72: {  	_ =	shalt  }
0x73: {  	_ =	shalt  }
0x74: {  	_ =	shalt  }
0x75: {  	_ =	shalt  }
0x76: {  	_ =	shalt  }
0x77: {  	_ =	shalt  }
0x78: {  	_ =	shalt  }
0x79: {  	_ =	shalt  }
0x7a: {  	_ =	shalt  }
0x7b: {  	_ =	shalt  }
0x7c: {  	_ =	shalt  }
0x7d: {  	_ =	shalt  }
0x7e: {  	_ =	shalt  }
0x7f: {  	_ =	shalt  }
0x80: {  	_ =	shalt  }
0x81: {  	_ =	shalt  }
0x82: {  	_ =	shalt  }
0x83: {  	_ =	shalt  }
0x84: {  	_ =	shalt  }
0x85: {  	_ =	shalt  }
0x86: {  	_ =	shalt  }
0x87: {  	_ =	shalt  }
.Lfunc_end0:
.L_simem_size_0:
called_computation_lowered:
.L_overlay_start_0:
0x88: {  	s2 =	sld [smem:$0x3FD9]  }
0x89: {  	s3 =	sld [smem:$0x3FFE];
	_ =	sdelay $0x1  }
0x8a: {  	s1 =	srdreg.scid  }
0x8b: {  	s0 =	sand.u32 $0x1, s1  }
0x8c: {  	s17 =	sshll.u32 s0, $0xA;
	s2 =	sadd.s32 s3, s2  }
0x8d: {  	s2 =	sadd.s32 s2, s17  }
0x8e: {  	[smem:$0x3FC5] =	sst s2  }
0x8f: {  	_ = 	snop  }
0x90: {  	s2 =	sld [smem:$0x3FD0];
	(tm) =	ssettm $0x1  }
0x91: {  	s18 =	sld [smem:$0x3FFB];
	_ =	sdelay $0x3  }
0x92: {  	_ =	strace s18  }
0x93: {  	s3 =	sld [smem:$0x3FFC];
	_ =	sdelay $0x3  }
0x94: {  	_ =	strace s3  }
0x95: {  	s3 =	sld [smem:$0x3FFD];
	_ =	sdelay $0x3  }
0x96: {  	_ =	strace s3  }
0x97: {  	_ =	strace $0x8FFFFFFF  }
0x98: {  	s19 =	sld [smem:$0x3FDB];
	_ =	sdelay $0x1  }
0x99: {  	s4 =	simm.s32 $_scs_section_size  }
0x9a: {  	s5 =	simm.s32 $_size__tile_overlayer_lowered;
	s6 =	simm.s32 $_tile_overlayer_lowered  }
0x9b: {  	s22 =	simm.s32 $0x1BFF;
	s21 =	sshll.u32 s6, $0x1;
	s3 =	sadd.s32 s4, s19  }
0x9c: {  	s7 =	simm.s32 $0x0;
	s20 =	sshll.u32 s5, $0x1;
	s5 =	sadd.s32 s21, s3  }
0x9d: {  	[timem:s7], [sflag:s22] =	dma.local [hbm:s5], s20  }
0x9e: {  	_ =	swait.ge [sflag:s22], s20  }
0x9f: {  	s4 =	ssub.s32 $0x0, s20;
	[sflag:s22] =	ssyncset.done $0x0  }
0xa0: {  	[sflag:s22] =	ssyncadd.s32 s4;
	_ =	sdelay $0x1  }
0xa1: {  	s23 =	simm.s32 $0x1B8B  }
0xa2: {  	_ =	swait.ge [sflag:s23], $0x1  }
0xa3: {  	[sflag:s23] =	ssyncset.done $0x0  }
0xa4: {  	s25 =	simm.s32 $0x1B8E;
	s24 =	sld [smem:$0x3FFE];
	[sflag:s23] =	ssyncadd.s32 $0xFFFFFFFF  }
0xa5: {  	s26 =	simm.s32 $execute0_lowered;
	[smem:$0x3FD2] =	sst s25  }
0xa6: {  	s5 =	sshll.u32 s26, $0x1;
	_ =	strace $0x80000046;
	[dreg:$0x1] =	wrdreg $0xFFFFFFFF  }
0xa7: {  	s28 =	simm.s32 $_size_execute0_lowered;
	s3 =	sadd.s32 s3, s5;
	[dreg:$0x0] =	wrdreg $0x0  }
0xa8: {  	s5 =	sshll.u32 s28, $0x1;
	[dreg:$0x2] =	wrdreg s3  }
0xa9: {  	[dreg:$0x3] =	wrdreg s5  }
0xaa: {  	[dreg:$0x4] =	wrdreg $0xC0  }
0xab: {  	_ =	task [dreg:s7], $0x5FFFF  }
0xac: {  	[dreg:$0x1] =	wrdreg $0xFFFFFFFF  }
0xad: {  	[dreg:$0x0] =	wrdreg $0x60  }
0xae: {  	[dreg:$0x2] =	wrdreg s2  }
0xaf: {  	[dreg:$0x3] =	wrdreg s24  }
0xb0: {  	[dreg:$0x4] =	wrdreg $0x9  }
0xb1: {  	_ =	task.clear_ibuf [dreg:s7], $0x5FFFF;
	_ =	strace $0x90000046  }
0xb2: {  	s29 =	simm.s32 $0x9;
	_ =	strace $0x80000048  }
0xb3: {  	_ =	swait.ge [sflag:s29], $0x1  }
0xb4: {  	[sflag:s29] =	ssyncadd.s32 $0xFFFFFFFF  }
0xb5: {  	_ =	strace $0x90000048  }
0xb6: {  	_ =	sfence  }
0xb7: {  	s30 =	sld [smem:$0x0];
	_ =	sdelay $0x2  }
0xb8: {  	s31 =	sshll.u32 s1, $0xD;
	s1 =	sshrl.u32 s1, $0x2  }
0xb9: {  	s3 =	sand.u32 $0x4000, s31;
	s1 =	sadd.s32 s1, s30  }
0xba: {  	s0 =	sor.u32 s3, s0;
	s1 =	sshll.u32 s1, $0x11  }
0xbb: {  	s0 =	sor.u32 s1, s0  }
0xbc: {  	s0 =	sadd.s32 $0x8F2B, s0  }
0xbd: {  	[sflag:s0] =	ssyncadd.remote.s32 $0x1  }
0xbe: {  	_ =	sfence.sel $0xFFFF  }
0xbf: {  	[dreg:$0x0] =	wrdreg $0xFFFFFFFF;
	(pc) =	sbr.abs _section_cstart, $3  }
0xc0: {  	[dreg:$0x1] =	wrdreg $0xFFFFFFFF  }
0xc1: {  	_ =	task.clear_ibuf [dreg:s7], $0x2FFFF;
	_ =	strace $0x9FFFFFFF  }
0xc2: {  	(tm) =	ssettm $0x7FFFFFFF  }
0xc3: {  	_ =	shalt  }
tec
execute0_lowered:
.L_overlay_start_1:
0x0: {  	(tag) =	ssettag $0x1  }
0x1: {  	s2 =	rddreg [dreg:$0x0];
	s1 =	srdreg.scid  }
0x2: {  	s0 =	stileid.u32;
	s8 =	rddreg [dreg:$0x1];
	s14 =	simm.s32 $0x2100  }
0x3: {  	s15 =	simm.s32 $0x2;
	s16 =	simm.s32 $0x80;
	s18 =	simm.s32 $0x3  }
0x4: {  	s19 =	simm.s32 $0x0;
	s10 =	sshrl.u32 s0, $0x2;
	s31 =	smul.u32 $0x61A80, s0  }
0x5: {  	s6 =	sand.u32 $0x1, s1;
	s3 =	sshll.u32 s0, $0x1;
	s10 =	smul.u32 $0x1C00, s10  }
0x6: {  	s1 =	rddreg [dreg:$0x2];
	s5 =	sor.u32 s6, s3;
	s13 =	smul.u32 $0x30D40, s6  }
0x7: {  	s3 =	simm.s32 $0x0;
	s7 =	ssub.s32 $0x2, s6;
	s4 =	smul.u32 $0x30D40, s5  }
0x8: {  	[smem:$0x7FF] =	sst s3;
	s9 =	sshrl.u32 s7, $0x1;
	s11 =	sshll.u32 s5, $0x7  }
0x9: {  	_ =	strace $0x80000047;
	s9 =	ssub.s32 s7, s9;
	s30 =	sand.u32 $0x380, s11  }
0xa: {  	s29 =	smax.u32 s4, $0x8;
	s17 =	sadd.s32 $0x30D40, s4;
	s12 =	sshrl.u32 s4, $0x3  }
.Ltmp0:
0xb: {  	s10 =	sor.u32 s10, s30;
	s9 =	smax.u32 s9, $0x1;
	(pc) =	sbr.rel .LBB2_1-.Ltmp0, $4  }
0xc: {  	s7 =	sadd.s32 $0xFFFFFFF8, s29;
	s6 =	sadd.s32 s2, s12;
	s10 =	sshrl.u32 s10, $0x3  }
0xd: {  	s12 =	simm.s32 $0x8;
	v0 =	vmov s17;
	s17 =	simm.s32 $0x400;
	s7 =	sshrl.u32 s7, $0x3  }
0xe: {  	s8 =	sadd.s32 s8, s10;
	s10 =	sadd.s32 s13, s31;
	s13 =	simm.s32 $0x1  }
0xf: {  	v1 =	vimm.s32 $0x7FFFFFFF;
	v2 =	vlaneseq.u32;
	s5 =	sadd.s32 s2, s7;
	s7 =	sadd.s32 $0x2000, s4;
	s11 =	sadd.s32 $0x1000, s10  }
.LBB2_11:
0x10: {  	s19 =	sadd.s32 $0x1, s19  }
0x11: {  	p0 =	sne.s32 s19, s9  }
.Ltmp1:
0x12: {  	_ = 	snop;
	(pc) =	sbr.rel @!p0 .LBB2_12-.Ltmp1, $4  }
0x13: {  	[hbm4b:s8+s16] =	stream.strided.scatter [tilespmem:s14], [sflag:$0x3], $0x380, s17, s16, $0x38;
	[tilespmem:$0x2480] =	vst v63  }
0x14: {  	_ =	swait.ge [sflag:s18], $0x380  }
0x15: {  	[sflag:s18] =	ssyncset.done $0x0  }
0x16: {  	[sflag:s18] =	ssyncadd.s32 $0xFFFFFC80  }
.LBB2_1:
0x17: {  	s20 =	simm.s32 $0x2110  }
0x18: {  	s21 =	simm.s32 $0x0;
	[tilespmem:s20+$0xFFFFFFF0] =	vst v1  }
.LBB2_2:
0x19: {  	s21 =	sadd.s32 $0x2, s21  }
0x1a: {  	p0 =	slt.u32 s21, $0x36  }
.Ltmp2:
0x1b: {  	_ = 	snop;
	(pc) =	sbr.rel @p0 .LBB2_2-.Ltmp2, $3  }
0x1c: {  	_ =	sdelay $0x1  }
0x1d: {  	[tilespmem:s20+$0x0] =	vst v1;
	s20 =	sadd.s32 $0x20, s20  }
0x1e: {  	[tilespmem:s20+$0xFFFFFFF0] =	vst v1  }
.Ltmp3:
0x1f: {  	(pc) =	sbr.rel .LBB2_4-.Ltmp3, $4  }
0x20: {  	[tilespmem:s20+$0x0] =	vst v1;
	s20 =	simm.s32 $0x0  }
0x21: {  	[tilespmem:s20], [sflag:$0x1] =	stream.linear.gather [hbm4b:s5+s20], $0x8, $0x38;
	[tilespmem:$0x2480] =	vst v63  }
0x22: {  	s21 =	smov.u32 s11;
	s22 =	smov.u32 s10  }
0x23: {  	[tilespmem:s12], [sflag:$0x1] =	stream.linear.gather [hbm4b:s6+s20], $0x1000, $0x38;
	[tilespmem:$0x2480] =	vst v63  }
.LBB2_10:
0x24: {  	s20 =	sadd.s32 $0x1, s20  }
0x25: {  	p0 =	sne.s32 s20, $0x19  }
.Ltmp4:
0x26: {  	_ = 	snop;
	(pc) =	sbr.rel @!p0 .LBB2_11-.Ltmp4, $2  }
0x27: {  	_ =	sdelay $0x2  }
0x28: {  	s22 =	sadd.s32 $0x2000, s22;
	s21 =	sadd.s32 $0x2000, s21  }
.LBB2_4:
0x29: {  	s23 =	sshllo.u32 s20, $0x1  }
0x2a: {  	p0 =	sgt.u32 s23, $0x30  }
0x2b: {  	s23 =	sshll.u32 @!p0 s23, $0xC  }
0x2c: {  	s23 =	sadd.s32 @!p0 s4, s23  }
0x2d: {  	s23 =	smin.u32 @!p0 s23, $0x619800  }
0x2e: {  	s24 =	smax.u32 @!p0 s23, $0x8  }
0x2f: {  	s24 =	sadd.s32 @!p0 $0xFFFFFFF8, s24  }
0x30: {  	s25 =	simm.s32 @!p0 $0x0;
	s24 =	sshrl.u32 @!p0 s24, $0x3  }
0x31: {  	s26 =	simm.s32 @!p0 $0x1080;
	s23 =	sshrl.u32 @!p0 s23, $0x3;
	s24 =	sadd.s32 @!p0 s2, s24  }
0x32: {  	[tilespmem:s26], [sflag:$0x2] =	stream.linear.gather @!p0 [hbm4b:s24+s25], $0x8, $0x38;
	[tilespmem:$0x2480] =	vst v63  }
0x33: {  	s23 =	sadd.s32 @!p0 s2, s23;
	s24 =	simm.s32 @!p0 $0x1088  }
0x34: {  	[tilespmem:s24], [sflag:$0x2] =	stream.linear.gather @!p0 [hbm4b:s23+s25], $0x1000, $0x38;
	[tilespmem:$0x2480] =	vst v63  }
0x35: {  	_ =	swait.ge [sflag:s13], $0x8  }
0x36: {  	[sflag:s13] =	ssyncset.done $0x0  }
0x37: {  	[sflag:s13] =	ssyncadd.s32 $0xFFFFFFF8  }
0x38: {  	_ =	swait.ge [sflag:s13], $0x1000  }
0x39: {  	[sflag:s13] =	ssyncset.done $0x0  }
0x3a: {  	s26 =	simm.s32 $0x27;
	[sflag:s13] =	ssyncadd.s32 $0xFFFFF000  }
0x3b: {  	v3 =	vld [tilespmem:s26+$0xFFFFFFE0]  }
0x3c: {  	p1 =	slt.s32 s22, $0x619800;
	s24 =	smov.u32 s22;
	v5 =	vld [tilespmem:s26+$0xFFFFFFE1]  }
0x3d: {  	s24 =	simm.s32 @!p1 $0x619800;
	v6 =	vld [tilespmem:s26+$0xFFFFFFF0]  }
0x3e: {  	s24 =	sadd.s32 $0x30, s24;
	v8 =	vld [tilespmem:s26+$0x0]  }
0x3f: {  	s31 =	sadd.s32 $0xFFFFFFD0, s24;
	v4 =	vor.u32 s24, v2;
	v9 =	vld [tilespmem:s26+$0x1]  }
0x40: {  	s25 =	sadd.s32 $0x40, s24;
	v10 =	vmov s31;
	v17 =	vor.u32 s31, v2;
	vm6 =	vlt.u32 v4, v0;
	v7 =	vld [tilespmem:s26+$0xFFFFFFF1]  }
0x41: {  	s29 =	sadd.s32 $0xFFFFFFD0, s25;
	vm1 =	veq.s32 v10, v2;
	v11 =	vld [tilespmem:s26+$0x10];
	v16 =	vshra.s32 v5, $0xF;
	v3 =	vshra.s32 v3, $0xF  }
0x42: {  	s28 =	simm.s32 $0x67;
	v20 =	vmov s29;
	v10 =	vld [tilespmem:s26+$0x11];
	v6 =	vshra.s32 v6, $0xF;
	vm0 =	vgt.s32 v16, v3  }
0x43: {  	s26 =	sadd.s32 $0xFFFFFFE0, s24;
	v18 =	vld [tilespmem:s28+$0xFFFFFFE1];
	v8 =	vshra.s32 v8, $0xF;
	vm0 =	vmor vm1, vm0;
	vm1 =	vlt.u32 v17, v0  }
0x44: {  	s31 =	sadd.s32 $0xFFFFFFF0, s24;
	v15 =	vld [tilespmem:s28+$0xFFFFFFE0];
	v5 =	vor.u32 s26, v2;
	v9 =	vshra.s32 v9, $0xF;
	vm3 =	vmand vm1, vm0  }
0x45: {  	v19 =	vld [tilespmem:s28+$0xFFFFFFF1];
	v3 =	vshra.s32 v7, $0xF;
	v7 =	vor.u32 s31, v2;
	vm2 =	vlt.u32 v5, v0  }
0x46: {  	v12 =	vld [tilespmem:s28+$0xFFFFFFF0];
	vm4 =	vlt.u32 v7, v0;
	vm0 =	vgt.s32 v3, v6;
	vm1 =	vgt.s32 v9, v8  }
0x47: {  	v13 =	vld [tilespmem:s28+$0x0];
	v8 =	vshra.s32 v11, $0xF;
	v6 =	vshra.s32 v10, $0xF;
	vm0 =	vmand vm2, vm0  }
0x48: {  	s23 =	smov.u32 s21;
	p1 =	slt.s32 s21, $0x619800;
	v14 =	vld [tilespmem:s28+$0x1];
	v10 =	vshra.s32 v18, $0xF;
	vm5 =	vgt.s32 v6, v8;
	vm2 =	vmand vm4, vm1  }
0x49: {  	s23 =	simm.s32 @!p1 $0x619800;
	v11 =	vshra.s32 v15, $0xF;
	v15 =	vld [tilespmem:s28+$0x10];
	v8 =	vor.u32 s25, v2;
	vm1 =	vmand vm6, vm5  }
0x4a: {  	s23 =	sadd.s32 $0x30, s23;
	s30 =	sadd.s32 $0xFFFFFFF0, s25;
	s24 =	sshll.u32 s20, $0xD;
	vm4 =	vgt.s32 v10, v11;
	v11 =	vor.u32 s29, v2;
	vm5 =	veq.s32 v20, v2;
	[tilespmem:v16+s14+$0x0] =	vst.idx.msk vm3, v17;
	v16 =	vld [tilespmem:s28+$0x11]  }
0x4b: {  	s26 =	simm.s32 $0x4;
	s29 =	sadd.s32 $0xFFFFFFE0, s25;
	vm3 =	vmor vm5, vm4;
	vm4 =	vlt.u32 v11, v0;
	v17 =	vshra.s32 v19, $0xF;
	s28 =	simm.s32 $0xA7  }
.LBB2_5:
0x4c: {  	v18 =	vld [tilespmem:s28+$0xFFFFFFE0];
	vm3 =	vmand vm4, vm3;
	v19 =	vshra.s32 v12, $0xF;
	v13 =	vshra.s32 v13, $0xF  }
0x4d: {  	s26 =	sadd.s32 $0x4, s26;
	v21 =	vor.u32 s30, v2;
	v20 =	vld [tilespmem:s28+$0xFFFFFFE1];
	v14 =	vshra.s32 v14, $0xF;
	[tilespmem:v3+s14+$0x0] =	vst.idx.msk vm0, v5;
	v5 =	vor.u32 s29, v2;
	v3 =	vmovc v17  }
0x4e: {  	p1 =	slt.u32 s26, $0xFC;
	v12 =	vld [tilespmem:s28+$0xFFFFFFF0];
	vm0 =	vgt.s32 v3, v19;
	vm4 =	vgt.s32 v14, v13;
	v15 =	vshra.s32 v15, $0xF;
	[tilespmem:v9+s14+$0x0] =	vst.idx.msk vm2, v7  }
0x4f: {  	vm5 =	vlt.u32 v21, v0;
	vm2 =	vlt.u32 v5, v0;
	v17 =	vld [tilespmem:s28+$0xFFFFFFF1];
	[tilespmem:v6+s14+$0x0] =	vst.idx.msk vm1, v4;
	v6 =	vshra.s32 v16, $0xF  }
.Ltmp5:
0x50: {  	vm6 =	vlt.u32 v8, v0;
	s25 =	sadd.s32 $0x40, s25;
	v7 =	vmovc v21;
	v9 =	vmovc v14;
	vm0 =	vmand vm2, vm0;
	v13 =	vld [tilespmem:s28+$0x0];
	vm1 =	vgt.s32 v6, v15;
	(pc) =	sbr.rel @p1 .LBB2_5-.Ltmp5, $4  }
0x51: {  	s31 =	sadd.s32 $0xFFFFFFD0, s25;
	s29 =	sadd.s32 $0xFFFFFFE0, s25;
	s30 =	sadd.s32 $0xFFFFFFF0, s25;
	vm2 =	vmand vm5, vm4;
	v4 =	vmovc v8;
	v8 =	vor.u32 s25, v2;
	v14 =	vld [tilespmem:s28+$0x1];
	vm1 =	vmand vm6, vm1  }
0x52: {  	v16 =	vmov s31;
	v18 =	vshra.s32 v18, $0xF;
	v15 =	vld [tilespmem:s28+$0x10];
	[tilespmem:v10+s14+$0x0] =	vst.idx.msk vm3, v11;
	v10 =	vshra.s32 v20, $0xF  }
0x53: {  	vm4 =	veq.s32 v16, v2;
	v11 =	vor.u32 s31, v2;
	vm3 =	vgt.s32 v10, v18;
	v16 =	vld [tilespmem:s28+$0x11]  }
0x54: {  	s28 =	sadd.s32 $0x40, s28;
	vm3 =	vmor vm4, vm3;
	vm4 =	vlt.u32 v11, v0;
	v17 =	vshra.s32 v17, $0xF  }
0x55: {  	vm3 =	vmand vm4, vm3  }
0x56: {  	v12 =	vshra.s32 v12, $0xF;
	v13 =	vshra.s32 v13, $0xF;
	v18 =	vor.u32 s29, v2  }
0x57: {  	v19 =	vor.u32 s30, v2;
	v14 =	vshra.s32 v14, $0xF;
	vm12 =	vgt.s32 v17, v12  }
0x58: {  	vm6 =	vlt.u32 v18, v0;
	vm13 =	vlt.u32 v19, v0;
	vm5 =	vgt.s32 v14, v13  }
0x59: {  	v62 =	vshra.s32 v15, $0xF;
	vm4 =	vmand vm6, vm12;
	v63 =	vshra.s32 v16, $0xF  }
0x5a: {  	vm14 =	vlt.u32 v8, v0;
	vm5 =	vmand vm13, vm5;
	vm7 =	vgt.s32 v63, v62  }
0x5b: {  	[tilespmem:v3+s14+$0x0] =	vst.idx.msk vm0, v5;
	vm15 =	vmand vm14, vm7  }
0x5c: {  	[tilespmem:v9+s14+$0x0] =	vst.idx.msk vm2, v7  }
.Ltmp6:
0x5d: {  	[tilespmem:v6+s14+$0x0] =	vst.idx.msk vm1, v4;
	(pc) =	sbr.rel @p0 .LBB2_10-.Ltmp6, $4  }
0x5e: {  	[tilespmem:v10+s14+$0x0] =	vst.idx.msk vm3, v11  }
0x5f: {  	[tilespmem:v17+s14+$0x0] =	vst.idx.msk vm4, v18  }
0x60: {  	[tilespmem:v14+s14+$0x0] =	vst.idx.msk vm5, v19  }
0x61: {  	[tilespmem:v63+s14+$0x0] =	vst.idx.msk vm15, v8  }
0x62: {  	s24 =	sadd.s32 s24, s7  }
0x63: {  	s24 =	smin.u32 s24, $0x619800  }
0x64: {  	s25 =	smax.u32 s24, $0x8  }
0x65: {  	s25 =	sadd.s32 $0xFFFFFFF8, s25  }
0x66: {  	s25 =	sshrl.u32 s25, $0x3  }
0x67: {  	s24 =	sshrl.u32 s24, $0x3;
	s25 =	sadd.s32 s2, s25  }
0x68: {  	[tilespmem:s3], [sflag:$0x1] =	stream.linear.gather [hbm4b:s25+s3], $0x8, $0x38;
	[tilespmem:$0x2480] =	vst v63  }
0x69: {  	s24 =	sadd.s32 s2, s24  }
0x6a: {  	[tilespmem:s12], [sflag:$0x1] =	stream.linear.gather [hbm4b:s24+s3], $0x1000, $0x38;
	[tilespmem:$0x2480] =	vst v63  }
0x6b: {  	_ =	swait.ge [sflag:s15], $0x8  }
0x6c: {  	[sflag:s15] =	ssyncset.done $0x0  }
0x6d: {  	[sflag:s15] =	ssyncadd.s32 $0xFFFFFFF8  }
0x6e: {  	_ =	swait.ge [sflag:s15], $0x1000  }
0x6f: {  	[sflag:s15] =	ssyncset.done $0x0  }
0x70: {  	s31 =	simm.s32 $0x10A7;
	[sflag:s15] =	ssyncadd.s32 $0xFFFFF000  }
0x71: {  	v3 =	vld [tilespmem:s31+$0xFFFFFFE0]  }
0x72: {  	v5 =	vld [tilespmem:s31+$0xFFFFFFE1]  }
0x73: {  	v6 =	vld [tilespmem:s31+$0xFFFFFFF0]  }
0x74: {  	v7 =	vld [tilespmem:s31+$0xFFFFFFF1]  }
0x75: {  	v8 =	vld [tilespmem:s31+$0x0]  }
0x76: {  	s26 =	sadd.s32 $0xFFFFFFD0, s23;
	v4 =	vor.u32 s23, v2;
	v9 =	vld [tilespmem:s31+$0x1]  }
0x77: {  	s30 =	sadd.s32 $0xFFFFFFE0, s23;
	v10 =	vmov s26;
	v17 =	vor.u32 s26, v2;
	s26 =	sadd.s32 $0xFFFFFFF0, s23;
	vm6 =	vlt.u32 v4, v0;
	s23 =	sadd.s32 $0x40, s23;
	v11 =	vld [tilespmem:s31+$0x10]  }
0x78: {  	vm1 =	veq.s32 v10, v2;
	v10 =	vld [tilespmem:s31+$0x11];
	s31 =	sadd.s32 $0xFFFFFFD0, s23;
	v16 =	vshra.s32 v5, $0xF;
	v3 =	vshra.s32 v3, $0xF  }
0x79: {  	s29 =	simm.s32 $0x10E7;
	v20 =	vmov s31;
	v6 =	vshra.s32 v6, $0xF;
	vm0 =	vgt.s32 v16, v3  }
0x7a: {  	v18 =	vld [tilespmem:s29+$0xFFFFFFE1];
	v5 =	vor.u32 s30, v2;
	vm0 =	vmor vm1, vm0;
	vm1 =	vlt.u32 v17, v0  }
0x7b: {  	v15 =	vld [tilespmem:s29+$0xFFFFFFE0];
	v9 =	vshra.s32 v9, $0xF;
	v3 =	vshra.s32 v7, $0xF;
	vm3 =	vmand vm1, vm0  }
0x7c: {  	v19 =	vld [tilespmem:s29+$0xFFFFFFF1];
	v7 =	vshra.s32 v8, $0xF;
	v8 =	vor.u32 s26, v2;
	vm2 =	vlt.u32 v5, v0  }
0x7d: {  	v12 =	vld [tilespmem:s29+$0xFFFFFFF0];
	vm4 =	vlt.u32 v8, v0;
	vm0 =	vgt.s32 v3, v6;
	vm1 =	vgt.s32 v9, v7  }
0x7e: {  	v13 =	vld [tilespmem:s29+$0x0];
	v7 =	vshra.s32 v11, $0xF;
	v6 =	vshra.s32 v10, $0xF;
	vm0 =	vmand vm2, vm0  }
0x7f: {  	v14 =	vld [tilespmem:s29+$0x1];
	v10 =	vshra.s32 v18, $0xF;
	vm5 =	vgt.s32 v6, v7;
	vm2 =	vmand vm4, vm1  }
0x80: {  	v11 =	vshra.s32 v15, $0xF;
	v15 =	vld [tilespmem:s29+$0x10];
	v7 =	vor.u32 s23, v2;
	vm1 =	vmand vm6, vm5  }
0x81: {  	s28 =	sadd.s32 $0xFFFFFFF0, s23;
	vm4 =	vgt.s32 v10, v11;
	v11 =	vor.u32 s31, v2;
	vm5 =	veq.s32 v20, v2;
	[tilespmem:v16+s14+$0x0] =	vst.idx.msk vm3, v17;
	v16 =	vld [tilespmem:s29+$0x11]  }
0x82: {  	s25 =	simm.s32 $0x1127;
	s24 =	simm.s32 $0x4;
	s26 =	sadd.s32 $0xFFFFFFE0, s23;
	vm3 =	vmor vm5, vm4;
	vm4 =	vlt.u32 v11, v0;
	v17 =	vshra.s32 v19, $0xF  }
.LBB2_8:
0x83: {  	v18 =	vld [tilespmem:s25+$0xFFFFFFE0];
	vm3 =	vmand vm4, vm3;
	v19 =	vshra.s32 v12, $0xF;
	v13 =	vshra.s32 v13, $0xF  }
0x84: {  	s24 =	sadd.s32 $0x4, s24;
	v21 =	vor.u32 s28, v2;
	v20 =	vld [tilespmem:s25+$0xFFFFFFE1];
	v14 =	vshra.s32 v14, $0xF;
	[tilespmem:v3+s14+$0x0] =	vst.idx.msk vm0, v5;
	v5 =	vor.u32 s26, v2;
	v3 =	vmovc v17  }
0x85: {  	p0 =	slt.u32 s24, $0xFC;
	v12 =	vld [tilespmem:s25+$0xFFFFFFF0];
	vm0 =	vgt.s32 v3, v19;
	vm4 =	vgt.s32 v14, v13;
	v15 =	vshra.s32 v15, $0xF;
	[tilespmem:v9+s14+$0x0] =	vst.idx.msk vm2, v8  }
0x86: {  	vm5 =	vlt.u32 v21, v0;
	vm2 =	vlt.u32 v5, v0;
	v17 =	vld [tilespmem:s25+$0xFFFFFFF1];
	[tilespmem:v6+s14+$0x0] =	vst.idx.msk vm1, v4;
	v6 =	vshra.s32 v16, $0xF  }
.Ltmp7:
0x87: {  	vm6 =	vlt.u32 v7, v0;
	s23 =	sadd.s32 $0x40, s23;
	v8 =	vmovc v21;
	v9 =	vmovc v14;
	vm0 =	vmand vm2, vm0;
	v13 =	vld [tilespmem:s25+$0x0];
	vm1 =	vgt.s32 v6, v15;
	(pc) =	sbr.rel @p0 .LBB2_8-.Ltmp7, $4  }
0x88: {  	s29 =	sadd.s32 $0xFFFFFFD0, s23;
	s26 =	sadd.s32 $0xFFFFFFE0, s23;
	s28 =	sadd.s32 $0xFFFFFFF0, s23;
	vm2 =	vmand vm5, vm4;
	v4 =	vmovc v7;
	v7 =	vor.u32 s23, v2;
	v14 =	vld [tilespmem:s25+$0x1];
	vm1 =	vmand vm6, vm1  }
0x89: {  	v16 =	vmov s29;
	v18 =	vshra.s32 v18, $0xF;
	v15 =	vld [tilespmem:s25+$0x10];
	[tilespmem:v10+s14+$0x0] =	vst.idx.msk vm3, v11;
	v10 =	vshra.s32 v20, $0xF  }
0x8a: {  	vm4 =	veq.s32 v16, v2;
	v11 =	vor.u32 s29, v2;
	vm3 =	vgt.s32 v10, v18;
	v16 =	vld [tilespmem:s25+$0x11]  }
0x8b: {  	s25 =	sadd.s32 $0x40, s25;
	vm3 =	vmor vm4, vm3;
	vm4 =	vlt.u32 v11, v0;
	v17 =	vshra.s32 v17, $0xF  }
0x8c: {  	vm3 =	vmand vm4, vm3  }
0x8d: {  	v12 =	vshra.s32 v12, $0xF;
	v13 =	vshra.s32 v13, $0xF;
	v18 =	vor.u32 s26, v2  }
0x8e: {  	v19 =	vor.u32 s28, v2;
	v14 =	vshra.s32 v14, $0xF;
	vm12 =	vgt.s32 v17, v12  }
0x8f: {  	vm6 =	vlt.u32 v18, v0;
	vm13 =	vlt.u32 v19, v0;
	vm5 =	vgt.s32 v14, v13  }
0x90: {  	v62 =	vshra.s32 v15, $0xF;
	vm4 =	vmand vm6, vm12;
	v63 =	vshra.s32 v16, $0xF  }
0x91: {  	vm14 =	vlt.u32 v7, v0;
	vm5 =	vmand vm13, vm5;
	vm7 =	vgt.s32 v63, v62  }
0x92: {  	[tilespmem:v3+s14+$0x0] =	vst.idx.msk vm0, v5;
	vm15 =	vmand vm14, vm7  }
0x93: {  	[tilespmem:v9+s14+$0x0] =	vst.idx.msk vm2, v8  }
.Ltmp8:
0x94: {  	[tilespmem:v6+s14+$0x0] =	vst.idx.msk vm1, v4;
	(pc) =	sbr.rel .LBB2_10-.Ltmp8, $4  }
0x95: {  	[tilespmem:v10+s14+$0x0] =	vst.idx.msk vm3, v11  }
0x96: {  	[tilespmem:v17+s14+$0x0] =	vst.idx.msk vm4, v18  }
0x97: {  	[tilespmem:v14+s14+$0x0] =	vst.idx.msk vm5, v19  }
0x98: {  	[tilespmem:v63+s14+$0x0] =	vst.idx.msk vm15, v7  }
.LBB2_12:
0x99: {  	_ =	sfence.sel $0x180000  }
0x9a: {  	[bflag:$0x0] =	sbarrier.arrive $0xFFFF  }
0x9b: {  	p0 =	sne.s32 s0, $0x0;
	_ =	strace $0x90000047  }
0x9c: {  	s0 =	sadd.s32 @!p0 $0x100000, s1;
	[bflag:$0x2] =	sbarrier.arrive $0xFFFF  }
0x9d: {  	[sflag:s0] =	ssyncadd.tile.s32 @!p0 $0x1;
	_ =	shalt  }
.Lfunc_end2:
_tile_overlayer_lowered:
.L_overlay_start_2:
0x9e: {  	(tag) =	ssettag $0x2  }
0x9f: {  	s0 =	rddreg [dreg:$0x0];
	s2 =	stileid.u32  }
0xa0: {  	s1 =	rddreg [dreg:$0x1];
	p0 =	sne.s32 s2, $0x0  }
0xa1: {  	s3 =	rddreg [dreg:$0x2];
	[bflag:$0x3] =	sbarrier.arrive $0xFFFF;
	s2 =	simm.s32 @!p0 $0x1C03  }
0xa2: {  	[timem:s3], [sflag:s2] =	dma.local @!p0 [hbm:s0], s1  }
0xa3: {  	s0 =	simm.s32 @!p0 $0x3  }
0xa4: {  	_ =	swait.ge @!p0 [sflag:s0], s1  }
0xa5: {  	s1 =	ssub.s32 @!p0 $0x0, s1;
	[sflag:s0] =	ssyncset.done @!p0 $0x0  }
0xa6: {  	[sflag:s0] =	ssyncadd.s32 @!p0 s1  }
0xa7: {  	[bflag:$0x3] =	sbarrier.arrive $0xFFFF  }
0xa8: {  	_ =	shalt  }

// kernel: kernel.7.cloned.1.call-start
scs
__scs_entry_jumppad:
0x0: {  	(pc) =	sbr.rel $0x88, $3  }
0x1: {  	(tag) =	ssettag $0x0;
	lr =	simm.s32 $0x1  }
0x2: {  	[smem:$0x3F9E] =	sst lr;
	_ =	strace $0xD0000000  }
0x3: {  	_ = 	snop  }
0x4: {  	_ = 	snop  }
0x5: {  	_ = 	snop  }
0x6: {  	_ = 	snop  }
0x7: {  	_ = 	snop  }
__scs_overlays_trampoline_lowered:
0x8: {  	[smem:$0x3FAD] =	sst s0  }
0x9: {  	[smem:$0x3FAE] =	sst s1  }
0xa: {  	[smem:$0x3FAF] =	sst s2  }
0xb: {  	[smem:$0x3FB0] =	sst s3  }
0xc: {  	[smem:$0x3FB1] =	sst s4  }
0xd: {  	[smem:$0x3FB2] =	sst s5  }
0xe: {  	[smem:$0x3FB3] =	sst s6  }
0xf: {  	[smem:$0x3FB4] =	sst s7  }
0x10: {  	[smem:$0x3FB5] =	sst s8  }
0x11: {  	[smem:$0x3FB6] =	sst s9;
	s0 =	simm.s32 @!p0 $0x0  }
0x12: {  	s1 =	sld [smem:$0x3F9C];
	s0 =	simm.s32 @p0 $0x1  }
0x13: {  	[smem:$0x3FB7] =	sst s0;
	s0 =	simm.s32 @!p1 $0x0  }
0x14: {  	s2 =	sld [smem:$0x3F9B];
	s0 =	simm.s32 @p1 $0x1  }
0x15: {  	[smem:$0x3FB8] =	sst s0;
	s0 =	simm.s32 @!p2 $0x0  }
0x16: {  	s3 =	sld [smem:$0x3FDB];
	s0 =	simm.s32 @p2 $0x1  }
0x17: {  	s4 =	simm.s32 $0x1BF5;
	[smem:$0x3FBA] =	sst s0  }
0x18: {  	s0 =	sld [smem:$0x3F9D];
	_ =	swait.ge [sflag:s4], $0x0  }
0x19: {  	s7 =	sld [smem:$0x3F9E]  }
0x1a: {  	s8 =	sadd.s32 $0xFFFFE003, lr  }
0x1b: {  	s9 =	sadd.s32 $0xFFFFFEF7, lr;
	s5 =	simm.s32 $0xFFFFFFFF;
	p2 =	slt.u32 s8, $0xFFFFF086  }
0x1c: {  	p1 =	slt.u32 s9, $0xF7A;
	s5 =	simm.s32 @!p2 $0x0  }
0x1d: {  	s5 =	simm.s32 @p1 $0x1;
	p0 =	seq.s32 s7, s2  }
0x1e: {  	s7 =	smul.u32 @!p0 $0xF7A, s2;
	p2 =	seq.s32 @!p0 s5, $0x0  }
0x1f: {  	s9 =	smul.u32 $0xF7A, s1;
	s8 =	simm.s32 @!p0 $0x1BF5;
	p2 =	por !p2, p0  }
0x20: {  	[sflag:s8] =	ssyncset.s32 @!p0 $0xFFFFF086;
	s6 =	sadd.s32 @!p0 s3, s7;
	s7 =	simm.s32 @!p0 $0x108  }
0x21: {  	s3 =	sadd.s32 s3, s9;
	s6 =	sadd.s32 @!p0 $0x88, s6;
	s7 =	simm.s32 @p2 $0x1082  }
0x22: {  	[simem:s7], [sflag:s8] =	dma.local @!p0 [hbm:s6], $0xF7A  }
0x23: {  	s9 =	sor.u32 $0xD0000000, s2;
	s6 =	simm.s32 $0x108;
	_ =	swait.ge @!p0 [sflag:s8], $0x0  }
0x24: {  	s3 =	sadd.s32 $0x88, s3;
	s6 =	simm.s32 @!p1 $0x1082;
	[sflag:s4] =	ssyncset.s32 $0xFFFFF086  }
0x25: {  	[simem:s6], [sflag:s4] =	dma.local [hbm:s3], $0xF7A  }
0x26: {  	[smem:$0x3F9E] =	sst s1;
	(tag) =	ssettag s2;
	_ =	strace s9  }
0x27: {  	s1 =	sld [smem:$0x3FAE]  }
0x28: {  	s2 =	sld [smem:$0x3FAF]  }
0x29: {  	s4 =	sld [smem:$0x3FB1]  }
0x2a: {  	p0 =	seq.s32 s5, $0x0;
	s5 =	sld [smem:$0x3FB2]  }
0x2b: {  	s6 =	sld [smem:$0x3FB3]  }
0x2c: {  	s7 =	sld [smem:$0x3FB4]  }
0x2d: {  	s3 =	simm.s32 $0x108;
	s8 =	sld [smem:$0x3FB5]  }
0x2e: {  	s3 =	simm.s32 @!p0 $0x1082;
	s9 =	sld [smem:$0x3FB6]  }
0x2f: {  	lr =	sadd.s32 s0, s3;
	s0 =	sld [smem:$0x3FAD]  }
0x30: {  	s3 =	sld [smem:$0x3FB0]  }
0x31: {  	[smem:$0x3FB9] =	sst s10  }
0x32: {  	s10 =	sld [smem:$0x3FB7];
	_ =	sdelay $0x3  }
0x33: {  	p0 =	seq.s32 s10, $0x1;
	s10 =	sld [smem:$0x3FB9];
	_ =	sdelay $0x3  }
0x34: {  	[smem:$0x3FB9] =	sst s10  }
0x35: {  	s10 =	sld [smem:$0x3FB8];
	_ =	sdelay $0x3  }
0x36: {  	p1 =	seq.s32 s10, $0x1;
	s10 =	sld [smem:$0x3FB9];
	_ =	sdelay $0x3  }
0x37: {  	[smem:$0x3FB9] =	sst s10  }
0x38: {  	s10 =	sld [smem:$0x3FBA]  }
0x39: {  	_ = 	snop;
	(pc) =	sbr.ind lr, $3  }
0x3a: {  	_ = 	snop  }
0x3b: {  	_ = 	snop  }
0x3c: {  	p2 =	seq.s32 s10, $0x1;
	s10 =	sld [smem:$0x3FB9]  }
0x3d: {  	_ =	shalt  }
0x3e: {  	_ =	shalt  }
0x3f: {  	_ =	shalt  }
0x40: {  	_ =	shalt  }
0x41: {  	_ =	shalt  }
0x42: {  	_ =	shalt  }
0x43: {  	_ =	shalt  }
0x44: {  	_ =	shalt  }
0x45: {  	_ =	shalt  }
0x46: {  	_ =	shalt  }
0x47: {  	_ =	shalt  }
0x48: {  	_ =	shalt  }
0x49: {  	_ =	shalt  }
0x4a: {  	_ =	shalt  }
0x4b: {  	_ =	shalt  }
0x4c: {  	_ =	shalt  }
0x4d: {  	_ =	shalt  }
0x4e: {  	_ =	shalt  }
0x4f: {  	_ =	shalt  }
0x50: {  	_ =	shalt  }
0x51: {  	_ =	shalt  }
0x52: {  	_ =	shalt  }
0x53: {  	_ =	shalt  }
0x54: {  	_ =	shalt  }
0x55: {  	_ =	shalt  }
0x56: {  	_ =	shalt  }
0x57: {  	_ =	shalt  }
0x58: {  	_ =	shalt  }
0x59: {  	_ =	shalt  }
0x5a: {  	_ =	shalt  }
0x5b: {  	_ =	shalt  }
0x5c: {  	_ =	shalt  }
0x5d: {  	_ =	shalt  }
0x5e: {  	_ =	shalt  }
0x5f: {  	_ =	shalt  }
0x60: {  	_ =	shalt  }
0x61: {  	_ =	shalt  }
0x62: {  	_ =	shalt  }
0x63: {  	_ =	shalt  }
0x64: {  	_ =	shalt  }
0x65: {  	_ =	shalt  }
0x66: {  	_ =	shalt  }
0x67: {  	_ =	shalt  }
0x68: {  	_ =	shalt  }
0x69: {  	_ =	shalt  }
0x6a: {  	_ =	shalt  }
0x6b: {  	_ =	shalt  }
0x6c: {  	_ =	shalt  }
0x6d: {  	_ =	shalt  }
0x6e: {  	_ =	shalt  }
0x6f: {  	_ =	shalt  }
0x70: {  	_ =	shalt  }
0x71: {  	_ =	shalt  }
0x72: {  	_ =	shalt  }
0x73: {  	_ =	shalt  }
0x74: {  	_ =	shalt  }
0x75: {  	_ =	shalt  }
0x76: {  	_ =	shalt  }
0x77: {  	_ =	shalt  }
0x78: {  	_ =	shalt  }
0x79: {  	_ =	shalt  }
0x7a: {  	_ =	shalt  }
0x7b: {  	_ =	shalt  }
0x7c: {  	_ =	shalt  }
0x7d: {  	_ =	shalt  }
0x7e: {  	_ =	shalt  }
0x7f: {  	_ =	shalt  }
0x80: {  	_ =	shalt  }
0x81: {  	_ =	shalt  }
0x82: {  	_ =	shalt  }
0x83: {  	_ =	shalt  }
0x84: {  	_ =	shalt  }
0x85: {  	_ =	shalt  }
0x86: {  	_ =	shalt  }
0x87: {  	_ =	shalt  }
.Lfunc_end0:
.L_simem_size_0:
called_computation.1_lowered:
.L_overlay_start_0:
0x88: {  	s2 =	sld [smem:$0x3FD9]  }
0x89: {  	s3 =	sld [smem:$0x3FFE];
	_ =	sdelay $0x1  }
0x8a: {  	s1 =	srdreg.scid  }
0x8b: {  	s0 =	sand.u32 $0x1, s1  }
0x8c: {  	s17 =	sshll.u32 s0, $0xA;
	s2 =	sadd.s32 s3, s2  }
0x8d: {  	s2 =	sadd.s32 s2, s17  }
0x8e: {  	[smem:$0x3FC5] =	sst s2  }
0x8f: {  	_ = 	snop  }
0x90: {  	s2 =	sld [smem:$0x3FD0];
	(tm) =	ssettm $0x1  }
0x91: {  	s18 =	sld [smem:$0x3FFB];
	_ =	sdelay $0x3  }
0x92: {  	_ =	strace s18  }
0x93: {  	s3 =	sld [smem:$0x3FFC];
	_ =	sdelay $0x3  }
0x94: {  	_ =	strace s3  }
0x95: {  	s3 =	sld [smem:$0x3FFD];
	_ =	sdelay $0x3  }
0x96: {  	_ =	strace s3  }
0x97: {  	_ =	strace $0x8FFFFFFF  }
0x98: {  	s19 =	sld [smem:$0x3FDB];
	_ =	sdelay $0x1  }
0x99: {  	s4 =	simm.s32 $_scs_section_size  }
0x9a: {  	s5 =	simm.s32 $_size__tile_overlayer_lowered;
	s6 =	simm.s32 $_tile_overlayer_lowered  }
0x9b: {  	s22 =	simm.s32 $0x1BFF;
	s21 =	sshll.u32 s6, $0x1;
	s3 =	sadd.s32 s4, s19  }
0x9c: {  	s7 =	simm.s32 $0x0;
	s20 =	sshll.u32 s5, $0x1;
	s5 =	sadd.s32 s21, s3  }
0x9d: {  	[timem:s7], [sflag:s22] =	dma.local [hbm:s5], s20  }
0x9e: {  	_ =	swait.ge [sflag:s22], s20  }
0x9f: {  	s4 =	ssub.s32 $0x0, s20;
	[sflag:s22] =	ssyncset.done $0x0  }
0xa0: {  	[sflag:s22] =	ssyncadd.s32 s4;
	_ =	sdelay $0x1  }
0xa1: {  	s23 =	simm.s32 $0x1B8B  }
0xa2: {  	_ =	swait.ge [sflag:s23], $0x1  }
0xa3: {  	[sflag:s23] =	ssyncset.done $0x0  }
0xa4: {  	s25 =	simm.s32 $0x1B8E;
	s24 =	sld [smem:$0x3FFE];
	[sflag:s23] =	ssyncadd.s32 $0xFFFFFFFF  }
0xa5: {  	s26 =	simm.s32 $execute0_lowered;
	[smem:$0x3FD2] =	sst s25  }
0xa6: {  	s5 =	sshll.u32 s26, $0x1;
	_ =	strace $0x80000049;
	[dreg:$0x1] =	wrdreg $0xFFFFFFFF  }
0xa7: {  	s28 =	simm.s32 $_size_execute0_lowered;
	s3 =	sadd.s32 s3, s5;
	[dreg:$0x0] =	wrdreg $0x0  }
0xa8: {  	s5 =	sshll.u32 s28, $0x1;
	[dreg:$0x2] =	wrdreg s3  }
0xa9: {  	[dreg:$0x3] =	wrdreg s5  }
0xaa: {  	[dreg:$0x4] =	wrdreg $0xC0  }
0xab: {  	_ =	task [dreg:s7], $0x5FFFF  }
0xac: {  	[dreg:$0x1] =	wrdreg $0xFFFFFFFF  }
0xad: {  	[dreg:$0x0] =	wrdreg $0x60  }
0xae: {  	[dreg:$0x2] =	wrdreg s24  }
0xaf: {  	[dreg:$0x3] =	wrdreg s2  }
0xb0: {  	[dreg:$0x4] =	wrdreg $0x9  }
0xb1: {  	_ =	task.clear_ibuf [dreg:s7], $0x5FFFF;
	_ =	strace $0x90000049  }
0xb2: {  	s29 =	simm.s32 $0x9;
	_ =	strace $0x8000004B  }
0xb3: {  	_ =	swait.ge [sflag:s29], $0x1  }
0xb4: {  	[sflag:s29] =	ssyncadd.s32 $0xFFFFFFFF  }
0xb5: {  	_ =	strace $0x9000004B  }
0xb6: {  	_ =	sfence  }
0xb7: {  	s30 =	sld [smem:$0x0];
	_ =	sdelay $0x2  }
0xb8: {  	s31 =	sshll.u32 s1, $0xD;
	s1 =	sshrl.u32 s1, $0x2  }
0xb9: {  	s3 =	sand.u32 $0x4000, s31;
	s1 =	sadd.s32 s1, s30  }
0xba: {  	s0 =	sor.u32 s3, s0;
	s1 =	sshll.u32 s1, $0x11  }
0xbb: {  	s0 =	sor.u32 s1, s0  }
0xbc: {  	s0 =	sadd.s32 $0x8F2B, s0  }
0xbd: {  	[sflag:s0] =	ssyncadd.remote.s32 $0x1  }
0xbe: {  	_ =	sfence.sel $0xFFFF  }
0xbf: {  	[dreg:$0x0] =	wrdreg $0xFFFFFFFF;
	(pc) =	sbr.abs _section_cstart, $3  }
0xc0: {  	[dreg:$0x1] =	wrdreg $0xFFFFFFFF  }
0xc1: {  	_ =	task.clear_ibuf [dreg:s7], $0x2FFFF;
	_ =	strace $0x9FFFFFFF  }
0xc2: {  	(tm) =	ssettm $0x7FFFFFFF  }
0xc3: {  	_ =	shalt  }
tec
execute0_lowered:
.L_overlay_start_1:
0x0: {  	(tag) =	ssettag $0x1  }
0x1: {  	s2 =	rddreg [dreg:$0x0]  }
0x2: {  	s3 =	rddreg [dreg:$0x1]  }
0x3: {  	s5 =	srdreg.scid;
	s0 =	stileid.u32  }
0x4: {  	s4 =	simm.s32 $0x0;
	s13 =	simm.s32 $0x2;
	s14 =	simm.s32 $0x6  }
0x5: {  	s8 =	sand.u32 $0x1, s5;
	s30 =	sshll.u32 s0, $0x1;
	[smem:$0x7FF] =	sst s4  }
0x6: {  	s6 =	sadd.s32 $0xE00, s2;
	s5 =	sor.u32 s8, s30;
	s8 =	ssub.s32 $0x2, s8  }
0x7: {  	s7 =	sadd.s32 $0xC4400, s2;
	s9 =	ssub.s32 $0x32D, s5;
	s10 =	sshrl.u32 s8, $0x1  }
0x8: {  	_ =	strace $0x8000004A;
	s9 =	sshrl.u32 s9, $0x5;
	s10 =	ssub.s32 s8, s10  }
0x9: {  	s8 =	sadd.s32 $0x30D000, s3;
	s11 =	sadd.s32 $0xFFFFFFFF, s9;
	s9 =	sand.u32 $0x1, s9  }
.Ltmp0:
0xa: {  	s12 =	sshll.u32 s11, $0x5;
	s9 =	ssub.s32 s11, s9;
	(pc) =	sbr.rel .LBB2_1-.Ltmp0, $4  }
0xb: {  	s11 =	simm.s32 $0x5;
	s31 =	sand.u32 $0x7FFFFFC0, s12;
	s9 =	sshll.u32 s9, $0x5  }
0xc: {  	s12 =	simm.s32 $0x1;
	s15 =	sor.u32 s5, s31;
	s16 =	sor.u32 s5, s9  }
0xd: {  	s9 =	smax.u32 s10, $0x1;
	s10 =	simm.s32 $0x14100;
	p0 =	sgt.u32 s15, $0x30C  }
0xe: {  	v0 =	vimm.f32 $0.0e+00;
	v1 =	vlaneseq.u32;
	p1 =	sgt.u32 s16, $0x30C;
	s15 =	simm.s32 $0x8000;
	s16 =	simm.s32 $0x0  }
.LBB2_34:
0xf: {  	s0 =	simm.s32 @!p0 $0x3;
	s16 =	sadd.s32 $0x1, s16  }
0x10: {  	_ =	swait.ge @!p0 [sflag:s0], $0x8000;
	p2 =	sne.s32 s16, s9  }
.Ltmp1:
0x11: {  	[sflag:s0] =	ssyncset.done @!p0 $0x0;
	(pc) =	sbr.rel @!p2 .LBB2_35-.Ltmp1, $4  }
0x12: {  	[sflag:s0] =	ssyncadd.s32 @!p0 $0xFFFF8000;
	s0 =	simm.s32 @!p1 $0x4  }
0x13: {  	_ =	swait.ge @!p1 [sflag:s0], $0x8000  }
0x14: {  	[sflag:s0] =	ssyncset.done @!p1 $0x0  }
0x15: {  	[sflag:s0] =	ssyncadd.s32 @!p1 $0xFFFF8000  }
.LBB2_1:
.Ltmp2:
0x16: {  	(pc) =	sbr.rel .LBB2_2-.Ltmp2, $4  }
0x17: {  	[tilespmem:s10], [sflag:$0x5] =	stream.linear.gather [hbm4b:s2+s4], $0x380, $0x38;
	[tilespmem:$0x14480] =	vst v63  }
0x18: {  	_ =	swait.ge [sflag:s11], $0x380  }
0x19: {  	[sflag:s11] =	ssyncset.done $0x0  }
0x1a: {  	s17 =	simm.s32 $0x0;
	[sflag:s11] =	ssyncadd.s32 $0xFFFFFC80  }
.LBB2_32:
0x1b: {  	s0 =	sshll.u32 s18, $0xC  }
0x1c: {  	s0 =	sadd.s32 s3, s0  }
0x1d: {  	[hbm4b:s0+s4] =	stream.linear.scatter [tilespmem:s15], [sflag:$0x4], $0x8000, $0x38;
	[tilespmem:$0x14480] =	vst v63  }
.LBB2_33:
0x1e: {  	s17 =	sadd.s32 $0x1, s17  }
0x1f: {  	p2 =	sne.s32 s17, $0xD  }
.Ltmp3:
0x20: {  	_ = 	snop;
	(pc) =	sbr.rel @!p2 .LBB2_34-.Ltmp3, $1  }
0x21: {  	_ =	sdelay $0x3  }
.LBB2_2:
0x22: {  	s18 =	sshll.u32 s17, $0x6  }
0x23: {  	s18 =	sor.u32 s5, s18  }
0x24: {  	p2 =	sgt.u32 s18, $0x30D  }
.Ltmp4:
0x25: {  	_ = 	snop;
	(pc) =	sbr.rel @p2 .LBB2_18-.Ltmp4, $1  }
0x26: {  	_ =	sdelay $0x3  }
0x27: {  	v3 =	vld [tilespmem:s18+$0x14100];
	_ =	sdelay $0x4  }
0x28: {  	(v2sf) =	vpush v3, $0x0  }
0x29: {  	(v2sf) =	vpush v3, $0x1;
	_ =	sdelay $0xd  }
0x2a: {  	s19 =	spop (v2sf)  }
0x2b: {  	s20 =	spop (v2sf);
	s19 =	sand.u32 $0xFFFFFFF8, s19  }
0x2c: {  	s20 =	ssub.s32 s20, s19  }
0x2d: {  	s20 =	sadd.s32 $0xFFF, s20  }
0x2e: {  	s20 =	sshra.s32 s20, $0xC  }
0x2f: {  	p2 =	slt.s32 s20, $0x1  }
0x30: {  	s21 =	smov.u32 s19;
	p3 =	slt.s32 @!p2 s19, $0x6197F8;
	p4 =	slt.s32 @!p2 s19, $0x619800  }
0x31: {  	s22 =	smov.u32 s19;
	p3 =	por !p3, p2;
	p4 =	por !p4, p2  }
0x32: {  	s21 =	simm.s32 @p3 $0x6197F8;
	s22 =	simm.s32 @p4 $0x619800  }
0x33: {  	s24 =	simm.s32 @!p2 $0x0;
	s21 =	sadd.s32 @!p2 $0x1000, s21;
	s22 =	sshrl.u32 @!p2 s22, $0x3  }
0x34: {  	s25 =	simm.s32 @!p2 $0x10000;
	s23 =	sadd.s32 @!p2 s6, s22;
	s21 =	sshrl.u32 @!p2 s21, $0x3  }
0x35: {  	[tilespmem:s25], [sflag:$0x1] =	stream.linear.gather @!p2 [hbm4b:s23+s24], $0x1000, $0x38;
	[tilespmem:$0x14480] =	vst v63  }
0x36: {  	s21 =	sadd.s32 @!p2 s6, s21;
	s23 =	simm.s32 @!p2 $0x11000  }
0x37: {  	[tilespmem:s23], [sflag:$0x1] =	stream.linear.gather @!p2 [hbm4b:s21+s24], $0x8, $0x38;
	[tilespmem:$0x14480] =	vst v63  }
0x38: {  	s21 =	sadd.s32 @!p2 s7, s22;
	s22 =	simm.s32 @!p2 $0x12100  }
0x39: {  	[tilespmem:s22], [sflag:$0x1] =	stream.linear.gather @!p2 [hbm4b:s21+s24], $0x1000, $0x38;
	[tilespmem:$0x14480] =	vst v63  }
0x3a: {  	s29 =	simm.s32 $0x0;
	p2 =	seq.s32 s17, $0x0  }
0x3b: {  	s31 =	simm.s32 $0x0;
	s21 =	simm.s32 $0x0;
	s22 =	simm.s32 @!p2 $0x3  }
0x3c: {  	s23 =	sand.u32 $0x7000, s29;
	s30 =	sand.u32 $0xC00, s21;
	_ =	swait.ge @!p2 [sflag:s22], $0x8000  }
0x3d: {  	s25 =	sand.u32 $0x380, s31;
	s23 =	sor.u32 s30, s23;
	[sflag:s22] =	ssyncset.done @!p2 $0x0  }
0x3e: {  	s23 =	sor.u32 s25, s23;
	[sflag:s22] =	ssyncadd.s32 @!p2 $0xFFFF8000  }
0x3f: {  	[tilespmem:s23+$0x70] =	vst v0  }
0x40: {  	[tilespmem:s23+$0x0] =	vst v0  }
0x41: {  	s24 =	simm.s32 $0x0;
	s22 =	sshll.u32 s18, $0x6;
	[tilespmem:s23+$0x10] =	vst v0  }
.LBB2_4:
0x42: {  	s24 =	sadd.s32 $0x8, s24;
	[tilespmem:s23+$0x20] =	vst v0  }
0x43: {  	s21 =	sadd.s32 $0x400, s21;
	s25 =	sshll.u32 s24, $0x4;
	p2 =	slt.u32 s24, $0x7F8;
	[tilespmem:s23+$0x30] =	vst v0  }
0x44: {  	s26 =	sand.u32 $0xC00, s21;
	s28 =	sshll.u32 s24, $0x2;
	s25 =	sand.u32 $0x7000, s25;
	[tilespmem:s23+$0x40] =	vst v0  }
.Ltmp5:
0x45: {  	s28 =	sand.u32 $0x380, s28;
	s25 =	sor.u32 s26, s25;
	[tilespmem:s23+$0x50] =	vst v0;
	(pc) =	sbr.rel @p2 .LBB2_4-.Ltmp5, $4  }
0x46: {  	[tilespmem:s23+$0x60] =	vst v0;
	s23 =	sor.u32 s28, s25  }
0x47: {  	[tilespmem:s23+$0x70] =	vst v0  }
0x48: {  	[tilespmem:s23+$0x0] =	vst v0  }
0x49: {  	[tilespmem:s23+$0x10] =	vst v0  }
0x4a: {  	s21 =	sadd.s32 $0x1, s20  }
0x4b: {  	s21 =	sshra.s32 s21, $0x1  }
0x4c: {  	p2 =	slt.s32 s21, $0x1  }
.Ltmp6:
0x4d: {  	[tilespmem:s23+$0x20] =	vst v0;
	(pc) =	sbr.rel @p2 .LBB2_16-.Ltmp6, $4  }
0x4e: {  	[tilespmem:s23+$0x30] =	vst v0  }
0x4f: {  	[tilespmem:s23+$0x40] =	vst v0  }
0x50: {  	[tilespmem:s23+$0x50] =	vst v0  }
0x51: {  	[tilespmem:s23+$0x60] =	vst v0  }
.Ltmp7:
0x52: {  	(pc) =	sbr.rel .LBB2_7-.Ltmp7, $2  }
0x53: {  	_ =	sdelay $0x2  }
0x54: {  	v2 =	vbroadcast v3, $0x0;
	v3 =	vbroadcast v3, $0x1;
	v4 =	vmov s22;
	s22 =	sadd.s32 $0x1000, s19;
	s23 =	simm.s32 $0x0;
	s24 =	smov.u32 s19  }
.LBB2_14:
0x55: {  	vm0 =	vmand vm0, vm6  }
0x56: {  	vm3 =	vmand vm3, vm4;
	vm15 =	vmand vm5, vm8;
	vm0 =	vmand vm0, vm9  }
0x57: {  	vm2 =	vmor vm7, vm2;
	v9 =	vor.u32 v9, v10;
	vm1 =	vmand vm3, vm1  }
0x58: {  	v63 =	vor.u32 v11, v12;
	vm2 =	vmand vm15, vm2  }
0x59: {  	v8 =	vor.u32 v8, v13;
	_ =	sdelay $0x2  }
0x5a: {  	[tilespmem:v9+s4+$0x0] =	vst.idx.msk vm0, v5  }
0x5b: {  	[tilespmem:v63+s4+$0x0] =	vst.idx.msk vm1, v6  }
0x5c: {  	[tilespmem:v8+s4+$0x0] =	vst.idx.msk vm2, v7  }
.LBB2_15:
0x5d: {  	s23 =	sadd.s32 $0x1, s23  }
0x5e: {  	p2 =	sne.s32 s23, s21  }
.Ltmp8:
0x5f: {  	_ = 	snop;
	(pc) =	sbr.rel @!p2 .LBB2_16-.Ltmp8, $2  }
0x60: {  	_ =	sdelay $0x2  }
0x61: {  	s24 =	sadd.s32 $0x2000, s24;
	s22 =	sadd.s32 $0x2000, s22  }
.LBB2_7:
0x62: {  	s25 =	sshll.u32 s23, $0x1  }
0x63: {  	p3 =	sge.s32 s25, s20  }
.Ltmp9:
0x64: {  	_ = 	snop;
	(pc) =	sbr.rel @p3 .LBB2_11-.Ltmp9, $3  }
0x65: {  	_ =	sdelay $0x1  }
0x66: {  	s26 =	sshllo.u32 s23, $0x1  }
0x67: {  	p2 =	sge.s32 s26, s20  }
0x68: {  	s26 =	sshll.u32 @!p2 s26, $0xC  }
0x69: {  	s26 =	sadd.s32 @!p2 s19, s26  }
0x6a: {  	p3 =	slt.s32 @!p2 s26, $0x6197F8;
	p4 =	slt.s32 @!p2 s26, $0x619800  }
0x6b: {  	s28 =	smov.u32 s26;
	p3 =	por !p3, p2;
	p4 =	por !p4, p2  }
0x6c: {  	s28 =	simm.s32 @p3 $0x6197F8;
	s26 =	simm.s32 @p4 $0x619800  }
0x6d: {  	s30 =	simm.s32 @!p2 $0x0;
	s28 =	sadd.s32 @!p2 $0x1000, s28;
	s26 =	sshrl.u32 @!p2 s26, $0x3  }
0x6e: {  	s31 =	simm.s32 @!p2 $0x11080;
	s29 =	sadd.s32 @!p2 s6, s26;
	s28 =	sshrl.u32 @!p2 s28, $0x3  }
0x6f: {  	[tilespmem:s31], [sflag:$0x2] =	stream.linear.gather @!p2 [hbm4b:s29+s30], $0x1000, $0x38;
	[tilespmem:$0x14480] =	vst v63  }
0x70: {  	s28 =	sadd.s32 @!p2 s6, s28;
	s29 =	simm.s32 @!p2 $0x12080  }
0x71: {  	[tilespmem:s29], [sflag:$0x2] =	stream.linear.gather @!p2 [hbm4b:s28+s30], $0x8, $0x38;
	[tilespmem:$0x14480] =	vst v63  }
0x72: {  	s26 =	sadd.s32 @!p2 s7, s26;
	s28 =	simm.s32 @!p2 $0x13100  }
0x73: {  	[tilespmem:s28], [sflag:$0x2] =	stream.linear.gather @!p2 [hbm4b:s26+s30], $0x1000, $0x38;
	[tilespmem:$0x14480] =	vst v63  }
0x74: {  	_ =	swait.ge [sflag:s12], $0x1000  }
0x75: {  	[sflag:s12] =	ssyncset.done $0x0  }
0x76: {  	[sflag:s12] =	ssyncadd.s32 $0xFFFFF000  }
0x77: {  	_ =	swait.ge [sflag:s12], $0x8  }
0x78: {  	[sflag:s12] =	ssyncset.done $0x0  }
0x79: {  	[sflag:s12] =	ssyncadd.s32 $0xFFFFFFF8  }
0x7a: {  	_ =	swait.ge [sflag:s12], $0x1000  }
0x7b: {  	p3 =	slt.s32 s24, $0x619800;
	[sflag:s12] =	ssyncset.done $0x0  }
0x7c: {  	s28 =	simm.s32 $0x10020;
	s26 =	smov.u32 s24;
	[sflag:s12] =	ssyncadd.s32 $0xFFFFF000  }
0x7d: {  	s26 =	simm.s32 @!p3 $0x619800;
	v5 =	vld [tilespmem:s28+$0x11]  }
0x7e: {  	s30 =	sadd.s32 $0x30, s26;
	v6 =	vld [tilespmem:s28+$0x10]  }
0x7f: {  	v7 =	vadd.s32 s26, v1;
	v9 =	vadd.s32 s30, v1;
	v10 =	vld [tilespmem:s28+$0xFFFFFFF0]  }
0x80: {  	s29 =	sadd.s32 $0x10, s26;
	vm1 =	vge.s32 v9, v2;
	vm2 =	vlt.s32 v9, v3;
	vm3 =	veq.s32 v9, $0x61A7FF;
	v9 =	vld [tilespmem:s28+$0xFFFFFFE0]  }
0x81: {  	vm0 =	vge.s32 v7, v2;
	v8 =	vadd.s32 s29, v1;
	s29 =	sadd.s32 $0x20, s26;
	v11 =	vld [tilespmem:s28+$0x0]  }
0x82: {  	vm6 =	vlt.s32 v7, v3;
	vm12 =	veq.s32 v7, $0x61A7FF;
	v25 =	vadd.s32 s29, v1;
	v18 =	vld [tilespmem:s28+$0xFFFFFFE1]  }
0x83: {  	vm4 =	vlt.s32 v8, v3;
	vm11 =	veq.s32 v8, $0x61A7FF;
	vm1 =	vmand vm1, vm2;
	v20 =	vld [tilespmem:s28+$0xFFFFFFF1]  }
0x84: {  	vm5 =	vge.s32 v25, v2;
	vm8 =	vlt.s32 v25, v3;
	vm7 =	veq.s32 v25, $0x61A7FF  }
0x85: {  	vm2 =	vne.s32 v6, v5;
	v5 =	vand.u32 $0x7F, v6;
	v12 =	vshra.s32 v6, $0x9  }
0x86: {  	v6 =	vshll.u32 v6, $0x3;
	v15 =	vshra.s32 v11, $0x9;
	v17 =	vshll.u32 v11, $0x3  }
0x87: {  	v23 =	vand.u32 $0x7F, v9;
	v24 =	vand.u32 $0x7F, v10;
	v26 =	vand.u32 $0x7F, v11  }
0x88: {  	vm9 =	vne.s32 v9, v18;
	vm10 =	vne.s32 v10, v20;
	vm2 =	vmor vm3, vm2  }
0x89: {  	v22 =	vld [tilespmem:s28+$0x1];
	v13 =	vsub.s32 v12, v4;
	v6 =	vand.u32 $0xC00, v6;
	v12 =	vshll.u32 v12, $0x7  }
0x8a: {  	v21 =	vsub.s32 v15, v4;
	v17 =	vand.u32 $0xC00, v17;
	v15 =	vshll.u32 v15, $0x7  }
0x8b: {  	vm3 =	vge.s32 v8, v2;
	vm9 =	vmor vm12, vm9;
	v13 =	vshll.u32 v13, $0x9  }
0x8c: {  	v12 =	vand.u32 $0x380, v12;
	v5 =	vor.u32 v5, v6;
	vm1 =	vmand vm1, vm2  }
0x8d: {  	v21 =	vshll.u32 v21, $0x9;
	v15 =	vand.u32 $0x380, v15;
	v17 =	vor.u32 v26, v17  }
0x8e: {  	vm2 =	vne.s32 v11, v22;
	v6 =	vand.u32 $0xFFFFF000, v13;
	v5 =	vor.u32 v12, v5  }
0x8f: {  	v12 =	vshra.s32 v9, $0x9;
	v13 =	vshll.u32 v9, $0x3;
	v8 =	vand.u32 $0xFFFFF000, v21  }
0x90: {  	s28 =	simm.s32 $0x12120;
	v14 =	vor.u32 v6, v5;
	v5 =	vshra.s32 v10, $0x9;
	v6 =	vshll.u32 v10, $0x3  }
0x91: {  	v63 =	vld [tilespmem:s28+$0x10];
	v16 =	vsub.s32 v12, v4;
	v13 =	vand.u32 $0xC00, v13;
	v12 =	vshll.u32 v12, $0x7  }
0x92: {  	v19 =	vsub.s32 v5, v4;
	v6 =	vand.u32 $0xC00, v6;
	v5 =	vshll.u32 v5, $0x7  }
0x93: {  	v16 =	vshll.u32 v16, $0x9;
	v12 =	vand.u32 $0x380, v12;
	v13 =	vor.u32 v23, v13  }
0x94: {  	v7 =	vld [tilespmem:s28+$0x0];
	v19 =	vshll.u32 v19, $0x9;
	v62 =	vand.u32 $0x380, v5;
	v24 =	vor.u32 v24, v6  }
0x95: {  	v5 =	vld [tilespmem:s28+$0xFFFFFFE0];
	v9 =	vand.u32 $0xFFFFF000, v16;
	v10 =	vor.u32 v12, v13;
	v13 =	vor.u32 v15, v17  }
0x96: {  	s30 =	simm.s32 $0x10060;
	s29 =	simm.s32 $0x0;
	v6 =	vld [tilespmem:s28+$0xFFFFFFF0];
	v11 =	vand.u32 $0xFFFFF000, v19;
	v12 =	vor.u32 v62, v24;
	[tilespmem:v14+s4+$0x0] =	vst.idx.msk vm1, v63;
	vm1 =	vmor vm11, vm10  }
.LBB2_9:
0x97: {  	v14 =	vld [tilespmem:s30+$0x11];
	vm3 =	vmand vm3, vm4;
	vm4 =	vmand vm5, vm8;
	vm5 =	vmor vm7, vm2  }
0x98: {  	vm0 =	vmand vm0, vm6;
	v9 =	vor.u32 v9, v10;
	v10 =	vor.u32 v11, v12;
	v15 =	vld [tilespmem:s30+$0x10]  }
0x99: {  	s29 =	sadd.s32 $0x4, s29;
	v8 =	vor.u32 v8, v13;
	s26 =	sadd.s32 $0x40, s26;
	vm2 =	vmand vm0, vm9;
	vm1 =	vmand vm3, vm1;
	v11 =	vld [tilespmem:s30+$0xFFFFFFF0]  }
0x9a: {  	v12 =	vadd.s32 s26, v1;
	s31 =	sadd.s32 $0x10, s26;
	s0 =	sadd.s32 $0x30, s26;
	p3 =	slt.u32 s29, $0xFC;
	vm3 =	vmand vm4, vm5;
	v13 =	vld [tilespmem:s30+$0x0]  }
0x9b: {  	vm0 =	vge.s32 v12, v2;
	v17 =	vadd.s32 s31, v1;
	s31 =	sadd.s32 $0x20, s26;
	v18 =	vadd.s32 s0, v1;
	v16 =	vld [tilespmem:s30+$0xFFFFFFE0]  }
0x9c: {  	vm4 =	vge.s32 v18, v2;
	vm5 =	vlt.s32 v18, v3;
	vm6 =	veq.s32 v18, $0x61A7FF;
	v19 =	vld [tilespmem:s30+$0xFFFFFFE1]  }
0x9d: {  	vm4 =	vmand vm4, vm5;
	v18 =	vld [tilespmem:s30+$0xFFFFFFF1];
	vm5 =	vne.s32 v15, v14;
	v14 =	vand.u32 $0x7F, v15  }
0x9e: {  	v21 =	vshra.s32 v15, $0x9;
	v15 =	vshll.u32 v15, $0x3;
	v20 =	vld [tilespmem:s30+$0x1];
	vm5 =	vmor vm6, vm5  }
0x9f: {  	v22 =	vsub.s32 v21, v4;
	v15 =	vand.u32 $0xC00, v15;
	v21 =	vshll.u32 v21, $0x7;
	[tilespmem:v9+s4+$0x0] =	vst.idx.msk vm2, v5  }
0xa0: {  	v5 =	vshll.u32 v22, $0x9;
	v9 =	vand.u32 $0x380, v21;
	v14 =	vor.u32 v14, v15;
	[tilespmem:v10+s4+$0x0] =	vst.idx.msk vm1, v6  }
0xa1: {  	s28 =	sadd.s32 $0x40, s28;
	vm1 =	vmand vm4, vm5;
	v5 =	vand.u32 $0xFFFFF000, v5;
	v6 =	vor.u32 v9, v14;
	[tilespmem:v8+s4+$0x0] =	vst.idx.msk vm3, v7  }
0xa2: {  	v7 =	vshra.s32 v16, $0x9;
	v8 =	vshll.u32 v16, $0x3;
	v10 =	vor.u32 v5, v6;
	v9 =	vld [tilespmem:s28+$0x10]  }
0xa3: {  	v15 =	vshll.u32 v11, $0x3;
	v21 =	vshra.s32 v13, $0x9;
	v14 =	vshra.s32 v11, $0x9;
	v5 =	vld [tilespmem:s28+$0xFFFFFFE0]  }
0xa4: {  	v23 =	vshll.u32 v13, $0x3;
	v22 =	vsub.s32 v7, v4;
	v8 =	vand.u32 $0xC00, v8;
	v6 =	vld [tilespmem:s28+$0xFFFFFFF0]  }
0xa5: {  	v15 =	vand.u32 $0xC00, v15;
	v25 =	vsub.s32 v14, v4;
	v24 =	vshll.u32 v7, $0x7;
	v7 =	vld [tilespmem:s28+$0x0]  }
0xa6: {  	v26 =	vsub.s32 v21, v4;
	v23 =	vand.u32 $0xC00, v23;
	v14 =	vshll.u32 v14, $0x7  }
0xa7: {  	v28 =	vand.u32 $0x7F, v11;
	v27 =	vand.u32 $0x7F, v16;
	v21 =	vshll.u32 v21, $0x7;
	[tilespmem:v10+s4+$0x0] =	vst.idx.msk vm1, v9  }
0xa8: {  	v9 =	vshll.u32 v22, $0x9;
	v10 =	vadd.s32 s31, v1;
	v22 =	vand.u32 $0x7F, v13  }
0xa9: {  	v25 =	vshll.u32 v25, $0x9;
	v24 =	vand.u32 $0x380, v24;
	v8 =	vor.u32 v27, v8  }
0xaa: {  	v15 =	vor.u32 v28, v15;
	v26 =	vshll.u32 v26, $0x9;
	v14 =	vand.u32 $0x380, v14  }
0xab: {  	vm1 =	vne.s32 v16, v19;
	v16 =	vand.u32 $0x380, v21;
	v19 =	vor.u32 v22, v23  }
0xac: {  	vm3 =	vge.s32 v17, v2;
	vm10 =	vne.s32 v11, v18;
	vm2 =	vne.s32 v13, v20  }
.Ltmp10:
0xad: {  	vm11 =	veq.s32 v17, $0x61A7FF;
	vm4 =	vlt.s32 v17, v3;
	vm5 =	vge.s32 v10, v2;
	(pc) =	sbr.rel @p3 .LBB2_9-.Ltmp10, $4  }
0xae: {  	vm6 =	vlt.s32 v12, v3;
	vm8 =	vlt.s32 v10, v3;
	vm7 =	veq.s32 v10, $0x61A7FF  }
0xaf: {  	vm9 =	veq.s32 v12, $0x61A7FF;
	v9 =	vand.u32 $0xFFFFF000, v9;
	v10 =	vor.u32 v24, v8  }
0xb0: {  	v11 =	vand.u32 $0xFFFFF000, v25;
	v12 =	vor.u32 v14, v15;
	v8 =	vand.u32 $0xFFFFF000, v26  }
0xb1: {  	s30 =	sadd.s32 $0x40, s30;
	vm9 =	vmor vm9, vm1;
	vm1 =	vmor vm11, vm10;
	v13 =	vor.u32 v16, v19  }
0xb2: {  	vm0 =	vmand vm0, vm6  }
0xb3: {  	vm3 =	vmand vm3, vm4;
	vm15 =	vmand vm5, vm8;
	vm0 =	vmand vm0, vm9  }
0xb4: {  	vm2 =	vmor vm7, vm2;
	v9 =	vor.u32 v9, v10;
	vm1 =	vmand vm3, vm1  }
0xb5: {  	v63 =	vor.u32 v11, v12;
	vm2 =	vmand vm15, vm2  }
0xb6: {  	v8 =	vor.u32 v8, v13;
	_ =	sdelay $0x2  }
0xb7: {  	[tilespmem:v9+s4+$0x0] =	vst.idx.msk vm0, v5  }
0xb8: {  	[tilespmem:v63+s4+$0x0] =	vst.idx.msk vm1, v6  }
0xb9: {  	[tilespmem:v8+s4+$0x0] =	vst.idx.msk vm2, v7  }
.LBB2_11:
.Ltmp11:
0xba: {  	(pc) =	sbr.rel @p2 .LBB2_15-.Ltmp11, $1  }
0xbb: {  	_ =	sdelay $0x3  }
0xbc: {  	s0 =	sadd.s32 $0x2, s25  }
0xbd: {  	p2 =	sge.s32 s0, s20  }
0xbe: {  	s0 =	sshll.u32 @!p2 s0, $0xC  }
0xbf: {  	s0 =	sadd.s32 @!p2 s19, s0  }
0xc0: {  	p3 =	slt.s32 @!p2 s0, $0x6197F8;
	p4 =	slt.s32 @!p2 s0, $0x619800  }
0xc1: {  	s25 =	smov.u32 s0;
	p3 =	por !p3, p2;
	p4 =	por !p4, p2  }
0xc2: {  	s25 =	simm.s32 @p3 $0x6197F8;
	s0 =	simm.s32 @p4 $0x619800  }
0xc3: {  	s28 =	simm.s32 @!p2 $0x0;
	s25 =	sadd.s32 @!p2 $0x1000, s25;
	s0 =	sshrl.u32 @!p2 s0, $0x3  }
0xc4: {  	s29 =	simm.s32 @!p2 $0x10000;
	s26 =	sadd.s32 @!p2 s6, s0;
	s25 =	sshrl.u32 @!p2 s25, $0x3  }
0xc5: {  	[tilespmem:s29], [sflag:$0x1] =	stream.linear.gather @!p2 [hbm4b:s26+s28], $0x1000, $0x38;
	[tilespmem:$0x14480] =	vst v63  }
0xc6: {  	s25 =	sadd.s32 @!p2 s6, s25;
	s26 =	simm.s32 @!p2 $0x11000  }
0xc7: {  	[tilespmem:s26], [sflag:$0x1] =	stream.linear.gather @!p2 [hbm4b:s25+s28], $0x8, $0x38;
	[tilespmem:$0x14480] =	vst v63  }
0xc8: {  	s0 =	sadd.s32 @!p2 s7, s0;
	s25 =	simm.s32 @!p2 $0x12100  }
0xc9: {  	[tilespmem:s25], [sflag:$0x1] =	stream.linear.gather @!p2 [hbm4b:s0+s28], $0x1000, $0x38;
	[tilespmem:$0x14480] =	vst v63  }
0xca: {  	_ =	swait.ge [sflag:s13], $0x1000  }
0xcb: {  	[sflag:s13] =	ssyncset.done $0x0  }
0xcc: {  	[sflag:s13] =	ssyncadd.s32 $0xFFFFF000  }
0xcd: {  	_ =	swait.ge [sflag:s13], $0x8  }
0xce: {  	[sflag:s13] =	ssyncset.done $0x0  }
0xcf: {  	[sflag:s13] =	ssyncadd.s32 $0xFFFFFFF8  }
0xd0: {  	_ =	swait.ge [sflag:s13], $0x1000  }
0xd1: {  	s1 =	simm.s32 $0x110A0;
	[sflag:s13] =	ssyncset.done $0x0  }
0xd2: {  	p2 =	slt.s32 s22, $0x619800;
	s25 =	smov.u32 s22;
	[sflag:s13] =	ssyncadd.s32 $0xFFFFF000  }
0xd3: {  	s25 =	simm.s32 @!p2 $0x619800;
	v5 =	vld [tilespmem:s1+$0x11]  }
0xd4: {  	s28 =	sadd.s32 $0x30, s25;
	v6 =	vld [tilespmem:s1+$0x10]  }
0xd5: {  	v7 =	vadd.s32 s25, v1;
	v9 =	vadd.s32 s28, v1;
	v10 =	vld [tilespmem:s1+$0xFFFFFFF0]  }
0xd6: {  	s30 =	sadd.s32 $0x10, s25;
	vm1 =	vge.s32 v9, v2;
	vm2 =	vlt.s32 v9, v3;
	vm3 =	veq.s32 v9, $0x61A7FF;
	v9 =	vld [tilespmem:s1+$0xFFFFFFE0]  }
0xd7: {  	s31 =	sadd.s32 $0x20, s25;
	vm0 =	vge.s32 v7, v2;
	v8 =	vadd.s32 s30, v1;
	v11 =	vld [tilespmem:s1+$0x0]  }
0xd8: {  	v25 =	vadd.s32 s31, v1;
	vm6 =	vlt.s32 v7, v3;
	vm12 =	veq.s32 v7, $0x61A7FF;
	v18 =	vld [tilespmem:s1+$0xFFFFFFE1]  }
0xd9: {  	vm4 =	vlt.s32 v8, v3;
	vm11 =	veq.s32 v8, $0x61A7FF;
	vm5 =	vge.s32 v25, v2;
	v20 =	vld [tilespmem:s1+$0xFFFFFFF1]  }
0xda: {  	vm8 =	vlt.s32 v25, v3;
	vm7 =	veq.s32 v25, $0x61A7FF;
	vm1 =	vmand vm1, vm2  }
0xdb: {  	vm2 =	vne.s32 v6, v5;
	v5 =	vand.u32 $0x7F, v6;
	v12 =	vshra.s32 v6, $0x9  }
0xdc: {  	v6 =	vshll.u32 v6, $0x3;
	v15 =	vshra.s32 v11, $0x9;
	v17 =	vshll.u32 v11, $0x3  }
0xdd: {  	v23 =	vand.u32 $0x7F, v9;
	v24 =	vand.u32 $0x7F, v10;
	v26 =	vand.u32 $0x7F, v11  }
0xde: {  	vm9 =	vne.s32 v9, v18;
	vm10 =	vne.s32 v10, v20;
	vm2 =	vmor vm3, vm2  }
0xdf: {  	v22 =	vld [tilespmem:s1+$0x1];
	v13 =	vsub.s32 v12, v4;
	v6 =	vand.u32 $0xC00, v6;
	v12 =	vshll.u32 v12, $0x7  }
0xe0: {  	v21 =	vsub.s32 v15, v4;
	v17 =	vand.u32 $0xC00, v17;
	v15 =	vshll.u32 v15, $0x7  }
0xe1: {  	vm3 =	vge.s32 v8, v2;
	vm9 =	vmor vm12, vm9;
	v13 =	vshll.u32 v13, $0x9  }
0xe2: {  	v12 =	vand.u32 $0x380, v12;
	v5 =	vor.u32 v5, v6;
	vm1 =	vmand vm1, vm2  }
0xe3: {  	v21 =	vshll.u32 v21, $0x9;
	v15 =	vand.u32 $0x380, v15;
	v17 =	vor.u32 v26, v17  }
0xe4: {  	vm2 =	vne.s32 v11, v22;
	v6 =	vand.u32 $0xFFFFF000, v13;
	v5 =	vor.u32 v12, v5  }
0xe5: {  	v12 =	vshra.s32 v9, $0x9;
	v13 =	vshll.u32 v9, $0x3;
	v8 =	vand.u32 $0xFFFFF000, v21  }
0xe6: {  	s26 =	simm.s32 $0x13120;
	v14 =	vor.u32 v6, v5;
	v5 =	vshra.s32 v10, $0x9;
	v6 =	vshll.u32 v10, $0x3  }
0xe7: {  	v63 =	vld [tilespmem:s26+$0x10];
	v16 =	vsub.s32 v12, v4;
	v13 =	vand.u32 $0xC00, v13;
	v12 =	vshll.u32 v12, $0x7  }
0xe8: {  	v19 =	vsub.s32 v5, v4;
	v6 =	vand.u32 $0xC00, v6;
	v5 =	vshll.u32 v5, $0x7  }
0xe9: {  	v16 =	vshll.u32 v16, $0x9;
	v12 =	vand.u32 $0x380, v12;
	v13 =	vor.u32 v23, v13  }
0xea: {  	v7 =	vld [tilespmem:s26+$0x0];
	v19 =	vshll.u32 v19, $0x9;
	v62 =	vand.u32 $0x380, v5;
	v24 =	vor.u32 v24, v6  }
0xeb: {  	v5 =	vld [tilespmem:s26+$0xFFFFFFE0];
	v9 =	vand.u32 $0xFFFFF000, v16;
	v10 =	vor.u32 v12, v13;
	v13 =	vor.u32 v15, v17  }
0xec: {  	s29 =	simm.s32 $0x110E0;
	s28 =	simm.s32 $0x0;
	v6 =	vld [tilespmem:s26+$0xFFFFFFF0];
	v11 =	vand.u32 $0xFFFFF000, v19;
	v12 =	vor.u32 v62, v24;
	[tilespmem:v14+s4+$0x0] =	vst.idx.msk vm1, v63;
	vm1 =	vmor vm11, vm10  }
.LBB2_13:
0xed: {  	v14 =	vld [tilespmem:s29+$0x11];
	vm3 =	vmand vm3, vm4;
	vm4 =	vmand vm5, vm8;
	vm5 =	vmor vm7, vm2  }
0xee: {  	vm0 =	vmand vm0, vm6;
	v9 =	vor.u32 v9, v10;
	v10 =	vor.u32 v11, v12;
	v15 =	vld [tilespmem:s29+$0x10]  }
0xef: {  	s28 =	sadd.s32 $0x4, s28;
	v8 =	vor.u32 v8, v13;
	s25 =	sadd.s32 $0x40, s25;
	vm2 =	vmand vm0, vm9;
	vm1 =	vmand vm3, vm1;
	v11 =	vld [tilespmem:s29+$0xFFFFFFF0]  }
0xf0: {  	v12 =	vadd.s32 s25, v1;
	s0 =	sadd.s32 $0x10, s25;
	s31 =	sadd.s32 $0x30, s25;
	p2 =	slt.u32 s28, $0xFC;
	vm3 =	vmand vm4, vm5;
	v13 =	vld [tilespmem:s29+$0x0]  }
0xf1: {  	s30 =	sadd.s32 $0x20, s25;
	vm0 =	vge.s32 v12, v2;
	v17 =	vadd.s32 s0, v1;
	v18 =	vadd.s32 s31, v1;
	v16 =	vld [tilespmem:s29+$0xFFFFFFE0]  }
0xf2: {  	vm4 =	vge.s32 v18, v2;
	vm5 =	vlt.s32 v18, v3;
	vm6 =	veq.s32 v18, $0x61A7FF;
	v19 =	vld [tilespmem:s29+$0xFFFFFFE1]  }
0xf3: {  	vm4 =	vmand vm4, vm5;
	v18 =	vld [tilespmem:s29+$0xFFFFFFF1];
	vm5 =	vne.s32 v15, v14;
	v14 =	vand.u32 $0x7F, v15  }
0xf4: {  	v21 =	vshra.s32 v15, $0x9;
	v15 =	vshll.u32 v15, $0x3;
	v20 =	vld [tilespmem:s29+$0x1];
	vm5 =	vmor vm6, vm5  }
0xf5: {  	v22 =	vsub.s32 v21, v4;
	v15 =	vand.u32 $0xC00, v15;
	v21 =	vshll.u32 v21, $0x7;
	[tilespmem:v9+s4+$0x0] =	vst.idx.msk vm2, v5  }
0xf6: {  	v5 =	vshll.u32 v22, $0x9;
	v9 =	vand.u32 $0x380, v21;
	v14 =	vor.u32 v14, v15;
	[tilespmem:v10+s4+$0x0] =	vst.idx.msk vm1, v6  }
0xf7: {  	s26 =	sadd.s32 $0x40, s26;
	vm1 =	vmand vm4, vm5;
	v5 =	vand.u32 $0xFFFFF000, v5;
	v6 =	vor.u32 v9, v14;
	[tilespmem:v8+s4+$0x0] =	vst.idx.msk vm3, v7  }
0xf8: {  	v7 =	vshra.s32 v16, $0x9;
	v8 =	vshll.u32 v16, $0x3;
	v10 =	vor.u32 v5, v6;
	v9 =	vld [tilespmem:s26+$0x10]  }
0xf9: {  	v15 =	vshll.u32 v11, $0x3;
	v21 =	vshra.s32 v13, $0x9;
	v14 =	vshra.s32 v11, $0x9;
	v5 =	vld [tilespmem:s26+$0xFFFFFFE0]  }
0xfa: {  	v23 =	vshll.u32 v13, $0x3;
	v22 =	vsub.s32 v7, v4;
	v8 =	vand.u32 $0xC00, v8;
	v6 =	vld [tilespmem:s26+$0xFFFFFFF0]  }
0xfb: {  	v15 =	vand.u32 $0xC00, v15;
	v25 =	vsub.s32 v14, v4;
	v24 =	vshll.u32 v7, $0x7;
	v7 =	vld [tilespmem:s26+$0x0]  }
0xfc: {  	v26 =	vsub.s32 v21, v4;
	v23 =	vand.u32 $0xC00, v23;
	v14 =	vshll.u32 v14, $0x7  }
0xfd: {  	v28 =	vand.u32 $0x7F, v11;
	v27 =	vand.u32 $0x7F, v16;
	v21 =	vshll.u32 v21, $0x7;
	[tilespmem:v10+s4+$0x0] =	vst.idx.msk vm1, v9  }
0xfe: {  	v9 =	vshll.u32 v22, $0x9;
	v10 =	vadd.s32 s30, v1;
	v22 =	vand.u32 $0x7F, v13  }
0xff: {  	v25 =	vshll.u32 v25, $0x9;
	v24 =	vand.u32 $0x380, v24;
	v8 =	vor.u32 v27, v8  }
0x100: {  	v15 =	vor.u32 v28, v15;
	v26 =	vshll.u32 v26, $0x9;
	v14 =	vand.u32 $0x380, v14  }
0x101: {  	vm1 =	vne.s32 v16, v19;
	v16 =	vand.u32 $0x380, v21;
	v19 =	vor.u32 v22, v23  }
0x102: {  	vm3 =	vge.s32 v17, v2;
	vm10 =	vne.s32 v11, v18;
	vm2 =	vne.s32 v13, v20  }
.Ltmp12:
0x103: {  	vm11 =	veq.s32 v17, $0x61A7FF;
	vm4 =	vlt.s32 v17, v3;
	vm5 =	vge.s32 v10, v2;
	(pc) =	sbr.rel @p2 .LBB2_13-.Ltmp12, $4  }
0x104: {  	vm6 =	vlt.s32 v12, v3;
	vm8 =	vlt.s32 v10, v3;
	vm7 =	veq.s32 v10, $0x61A7FF  }
0x105: {  	vm9 =	veq.s32 v12, $0x61A7FF;
	v9 =	vand.u32 $0xFFFFF000, v9;
	v10 =	vor.u32 v24, v8  }
0x106: {  	v11 =	vand.u32 $0xFFFFF000, v25;
	v12 =	vor.u32 v14, v15;
	v8 =	vand.u32 $0xFFFFF000, v26  }
0x107: {  	s29 =	sadd.s32 $0x40, s29;
	vm9 =	vmor vm9, vm1;
	vm1 =	vmor vm11, vm10;
	v13 =	vor.u32 v16, v19  }
.Ltmp13:
0x108: {  	_ = 	snop;
	(pc) =	sbr.rel .LBB2_14-.Ltmp13, $1  }
0x109: {  	_ =	sdelay $0x3  }
.LBB2_16:
0x10a: {  	p2 =	seq.s32 s18, $0x30D  }
.Ltmp14:
0x10b: {  	_ = 	snop;
	(pc) =	sbr.rel @!p2 .LBB2_17-.Ltmp14, $1  }
0x10c: {  	_ =	sdelay $0x3  }
.Ltmp15:
0x10d: {  	(pc) =	sbr.rel .LBB2_33-.Ltmp15, $4  }
0x10e: {  	[hbm4b:s8+s4] =	stream.linear.scatter [tilespmem:s4], [sflag:$0x6], $0x2000, $0x38;
	[tilespmem:$0x14480] =	vst v63  }
0x10f: {  	_ =	swait.ge [sflag:s14], $0x2000  }
0x110: {  	[sflag:s14] =	ssyncset.done $0x0  }
0x111: {  	[sflag:s14] =	ssyncadd.s32 $0xFFFFE000  }
.LBB2_17:
0x112: {  	s0 =	sshll.u32 s18, $0xC  }
0x113: {  	s0 =	sadd.s32 s3, s0  }
0x114: {  	[hbm4b:s0+s4] =	stream.linear.scatter [tilespmem:s4], [sflag:$0x3], $0x8000, $0x38;
	[tilespmem:$0x14480] =	vst v63  }
.LBB2_18:
0x115: {  	s18 =	sor.u32 $0x20, s18  }
0x116: {  	p2 =	sgt.u32 s18, $0x30D  }
.Ltmp16:
0x117: {  	_ = 	snop;
	(pc) =	sbr.rel @p2 .LBB2_33-.Ltmp16, $1  }
0x118: {  	_ =	sdelay $0x3  }
0x119: {  	v3 =	vld [tilespmem:s18+$0x14100];
	_ =	sdelay $0x4  }
0x11a: {  	(v2sf) =	vpush v3, $0x0  }
0x11b: {  	(v2sf) =	vpush v3, $0x1;
	_ =	sdelay $0xd  }
0x11c: {  	s0 =	spop (v2sf)  }
0x11d: {  	s20 =	spop (v2sf);
	s19 =	sand.u32 $0xFFFFFFF8, s0  }
0x11e: {  	s0 =	ssub.s32 s20, s19  }
0x11f: {  	s0 =	sadd.s32 $0xFFF, s0  }
0x120: {  	s20 =	sshra.s32 s0, $0xC  }
0x121: {  	p2 =	slt.s32 s20, $0x1  }
0x122: {  	s21 =	smov.u32 s19;
	p3 =	slt.s32 @!p2 s19, $0x6197F8;
	p4 =	slt.s32 @!p2 s19, $0x619800  }
0x123: {  	s0 =	smov.u32 s19;
	p3 =	por !p3, p2;
	p4 =	por !p4, p2  }
0x124: {  	s0 =	simm.s32 @p3 $0x6197F8;
	s21 =	simm.s32 @p4 $0x619800  }
0x125: {  	s23 =	simm.s32 @!p2 $0x0;
	s0 =	sadd.s32 @!p2 $0x1000, s0;
	s21 =	sshrl.u32 @!p2 s21, $0x3  }
0x126: {  	s24 =	simm.s32 @!p2 $0x10000;
	s22 =	sadd.s32 @!p2 s6, s21;
	s0 =	sshrl.u32 @!p2 s0, $0x3  }
0x127: {  	[tilespmem:s24], [sflag:$0x1] =	stream.linear.gather @!p2 [hbm4b:s22+s23], $0x1000, $0x38;
	[tilespmem:$0x14480] =	vst v63  }
0x128: {  	s0 =	sadd.s32 @!p2 s6, s0;
	s22 =	simm.s32 @!p2 $0x11000  }
0x129: {  	[tilespmem:s22], [sflag:$0x1] =	stream.linear.gather @!p2 [hbm4b:s0+s23], $0x8, $0x38;
	[tilespmem:$0x14480] =	vst v63  }
0x12a: {  	s0 =	sadd.s32 @!p2 s7, s21;
	s21 =	simm.s32 @!p2 $0x12100  }
0x12b: {  	[tilespmem:s21], [sflag:$0x1] =	stream.linear.gather @!p2 [hbm4b:s0+s23], $0x1000, $0x38;
	[tilespmem:$0x14480] =	vst v63  }
0x12c: {  	s29 =	simm.s32 $0x0;
	p2 =	seq.s32 s17, $0x0  }
0x12d: {  	s31 =	simm.s32 $0x0;
	s21 =	simm.s32 $0x0;
	s0 =	simm.s32 @!p2 $0x4  }
0x12e: {  	s22 =	sand.u32 $0x7000, s29;
	s30 =	sand.u32 $0xC00, s21;
	_ =	swait.ge @!p2 [sflag:s0], $0x8000  }
0x12f: {  	s24 =	sand.u32 $0x380, s31;
	s22 =	sor.u32 s30, s22;
	[sflag:s0] =	ssyncset.done @!p2 $0x0  }
0x130: {  	s23 =	sor.u32 s24, s22;
	[sflag:s0] =	ssyncadd.s32 @!p2 $0xFFFF8000  }
0x131: {  	[tilespmem:s23+$0x8070] =	vst v0  }
0x132: {  	[tilespmem:s23+$0x8000] =	vst v0  }
0x133: {  	s22 =	sshll.u32 s18, $0x6;
	s24 =	simm.s32 $0x0;
	[tilespmem:s23+$0x8010] =	vst v0  }
.LBB2_20:
0x134: {  	s24 =	sadd.s32 $0x8, s24;
	[tilespmem:s23+$0x8020] =	vst v0  }
0x135: {  	s21 =	sadd.s32 $0x400, s21;
	s0 =	sshll.u32 s24, $0x4;
	p2 =	slt.u32 s24, $0x7F8;
	[tilespmem:s23+$0x8030] =	vst v0  }
0x136: {  	s25 =	sand.u32 $0xC00, s21;
	s26 =	sshll.u32 s24, $0x2;
	s0 =	sand.u32 $0x7000, s0;
	[tilespmem:s23+$0x8040] =	vst v0  }
.Ltmp17:
0x137: {  	s26 =	sand.u32 $0x380, s26;
	s0 =	sor.u32 s25, s0;
	[tilespmem:s23+$0x8050] =	vst v0;
	(pc) =	sbr.rel @p2 .LBB2_20-.Ltmp17, $4  }
0x138: {  	[tilespmem:s23+$0x8060] =	vst v0;
	s23 =	sor.u32 s26, s0  }
0x139: {  	[tilespmem:s23+$0x8070] =	vst v0  }
0x13a: {  	[tilespmem:s23+$0x8000] =	vst v0  }
0x13b: {  	[tilespmem:s23+$0x8010] =	vst v0  }
0x13c: {  	s0 =	sadd.s32 $0x1, s20  }
0x13d: {  	s21 =	sshra.s32 s0, $0x1  }
0x13e: {  	p2 =	slt.s32 s21, $0x1  }
.Ltmp18:
0x13f: {  	[tilespmem:s23+$0x8020] =	vst v0;
	(pc) =	sbr.rel @p2 .LBB2_32-.Ltmp18, $4  }
0x140: {  	[tilespmem:s23+$0x8030] =	vst v0  }
0x141: {  	[tilespmem:s23+$0x8040] =	vst v0  }
0x142: {  	[tilespmem:s23+$0x8050] =	vst v0  }
0x143: {  	[tilespmem:s23+$0x8060] =	vst v0  }
.Ltmp19:
0x144: {  	(pc) =	sbr.rel .LBB2_23-.Ltmp19, $2  }
0x145: {  	_ =	sdelay $0x2  }
0x146: {  	v2 =	vbroadcast v3, $0x0;
	v3 =	vbroadcast v3, $0x1;
	v4 =	vmov s22;
	s22 =	sadd.s32 $0x1000, s19;
	s23 =	simm.s32 $0x0;
	s24 =	smov.u32 s19  }
.LBB2_30:
0x147: {  	vm0 =	vmand vm0, vm6  }
0x148: {  	vm3 =	vmand vm3, vm4;
	vm15 =	vmand vm5, vm8;
	vm0 =	vmand vm0, vm9  }
0x149: {  	vm2 =	vmor vm7, vm2;
	v9 =	vor.u32 v9, v10;
	vm1 =	vmand vm3, vm1  }
0x14a: {  	v63 =	vor.u32 v11, v12;
	vm2 =	vmand vm15, vm2  }
0x14b: {  	v8 =	vor.u32 v8, v13;
	_ =	sdelay $0x2  }
0x14c: {  	[tilespmem:v9+s15+$0x0] =	vst.idx.msk vm0, v5  }
0x14d: {  	[tilespmem:v63+s15+$0x0] =	vst.idx.msk vm1, v6  }
0x14e: {  	[tilespmem:v8+s15+$0x0] =	vst.idx.msk vm2, v7  }
.LBB2_31:
0x14f: {  	s23 =	sadd.s32 $0x1, s23  }
0x150: {  	p2 =	sne.s32 s23, s21  }
.Ltmp20:
0x151: {  	_ = 	snop;
	(pc) =	sbr.rel @!p2 .LBB2_32-.Ltmp20, $2  }
0x152: {  	_ =	sdelay $0x2  }
0x153: {  	s24 =	sadd.s32 $0x2000, s24;
	s22 =	sadd.s32 $0x2000, s22  }
.LBB2_23:
0x154: {  	s25 =	sshll.u32 s23, $0x1  }
0x155: {  	p3 =	sge.s32 s25, s20  }
.Ltmp21:
0x156: {  	_ = 	snop;
	(pc) =	sbr.rel @p3 .LBB2_27-.Ltmp21, $3  }
0x157: {  	_ =	sdelay $0x1  }
0x158: {  	s26 =	sshllo.u32 s23, $0x1  }
0x159: {  	p2 =	sge.s32 s26, s20  }
0x15a: {  	s0 =	sshll.u32 @!p2 s26, $0xC  }
0x15b: {  	s0 =	sadd.s32 @!p2 s19, s0  }
0x15c: {  	p3 =	slt.s32 @!p2 s0, $0x6197F8;
	p4 =	slt.s32 @!p2 s0, $0x619800  }
0x15d: {  	s26 =	smov.u32 s0;
	p3 =	por !p3, p2;
	p4 =	por !p4, p2  }
0x15e: {  	s26 =	simm.s32 @p3 $0x6197F8;
	s0 =	simm.s32 @p4 $0x619800  }
0x15f: {  	s29 =	simm.s32 @!p2 $0x0;
	s26 =	sadd.s32 @!p2 $0x1000, s26;
	s0 =	sshrl.u32 @!p2 s0, $0x3  }
0x160: {  	s30 =	simm.s32 @!p2 $0x11080;
	s28 =	sadd.s32 @!p2 s6, s0;
	s26 =	sshrl.u32 @!p2 s26, $0x3  }
0x161: {  	[tilespmem:s30], [sflag:$0x2] =	stream.linear.gather @!p2 [hbm4b:s28+s29], $0x1000, $0x38;
	[tilespmem:$0x14480] =	vst v63  }
0x162: {  	s26 =	sadd.s32 @!p2 s6, s26;
	s28 =	simm.s32 @!p2 $0x12080  }
0x163: {  	[tilespmem:s28], [sflag:$0x2] =	stream.linear.gather @!p2 [hbm4b:s26+s29], $0x8, $0x38;
	[tilespmem:$0x14480] =	vst v63  }
0x164: {  	s0 =	sadd.s32 @!p2 s7, s0;
	s26 =	simm.s32 @!p2 $0x13100  }
0x165: {  	[tilespmem:s26], [sflag:$0x2] =	stream.linear.gather @!p2 [hbm4b:s0+s29], $0x1000, $0x38;
	[tilespmem:$0x14480] =	vst v63  }
0x166: {  	_ =	swait.ge [sflag:s12], $0x1000  }
0x167: {  	[sflag:s12] =	ssyncset.done $0x0  }
0x168: {  	[sflag:s12] =	ssyncadd.s32 $0xFFFFF000  }
0x169: {  	_ =	swait.ge [sflag:s12], $0x8  }
0x16a: {  	[sflag:s12] =	ssyncset.done $0x0  }
0x16b: {  	[sflag:s12] =	ssyncadd.s32 $0xFFFFFFF8  }
0x16c: {  	_ =	swait.ge [sflag:s12], $0x1000  }
0x16d: {  	s31 =	simm.s32 $0x10020;
	[sflag:s12] =	ssyncset.done $0x0  }
0x16e: {  	p3 =	slt.s32 s24, $0x619800;
	s26 =	smov.u32 s24;
	[sflag:s12] =	ssyncadd.s32 $0xFFFFF000  }
0x16f: {  	s26 =	simm.s32 @!p3 $0x619800;
	v5 =	vld [tilespmem:s31+$0x11]  }
0x170: {  	s29 =	sadd.s32 $0x30, s26;
	v6 =	vld [tilespmem:s31+$0x10]  }
0x171: {  	v7 =	vadd.s32 s26, v1;
	v9 =	vadd.s32 s29, v1;
	v10 =	vld [tilespmem:s31+$0xFFFFFFF0]  }
0x172: {  	s28 =	sadd.s32 $0x10, s26;
	vm1 =	vge.s32 v9, v2;
	vm2 =	vlt.s32 v9, v3;
	vm3 =	veq.s32 v9, $0x61A7FF;
	v9 =	vld [tilespmem:s31+$0xFFFFFFE0]  }
0x173: {  	vm0 =	vge.s32 v7, v2;
	v8 =	vadd.s32 s28, v1;
	s28 =	sadd.s32 $0x20, s26;
	v11 =	vld [tilespmem:s31+$0x0]  }
0x174: {  	vm6 =	vlt.s32 v7, v3;
	vm12 =	veq.s32 v7, $0x61A7FF;
	v25 =	vadd.s32 s28, v1;
	v18 =	vld [tilespmem:s31+$0xFFFFFFE1]  }
0x175: {  	vm4 =	vlt.s32 v8, v3;
	vm11 =	veq.s32 v8, $0x61A7FF;
	vm1 =	vmand vm1, vm2;
	v20 =	vld [tilespmem:s31+$0xFFFFFFF1]  }
0x176: {  	vm5 =	vge.s32 v25, v2;
	vm8 =	vlt.s32 v25, v3;
	vm7 =	veq.s32 v25, $0x61A7FF  }
0x177: {  	vm2 =	vne.s32 v6, v5;
	v5 =	vand.u32 $0x7F, v6;
	v12 =	vshra.s32 v6, $0x9  }
0x178: {  	v6 =	vshll.u32 v6, $0x3;
	v15 =	vshra.s32 v11, $0x9;
	v17 =	vshll.u32 v11, $0x3  }
0x179: {  	v23 =	vand.u32 $0x7F, v9;
	v24 =	vand.u32 $0x7F, v10;
	v26 =	vand.u32 $0x7F, v11  }
0x17a: {  	vm9 =	vne.s32 v9, v18;
	vm10 =	vne.s32 v10, v20;
	vm2 =	vmor vm3, vm2  }
0x17b: {  	v22 =	vld [tilespmem:s31+$0x1];
	v13 =	vsub.s32 v12, v4;
	v6 =	vand.u32 $0xC00, v6;
	v12 =	vshll.u32 v12, $0x7  }
0x17c: {  	v21 =	vsub.s32 v15, v4;
	v17 =	vand.u32 $0xC00, v17;
	v15 =	vshll.u32 v15, $0x7  }
0x17d: {  	vm3 =	vge.s32 v8, v2;
	vm9 =	vmor vm12, vm9;
	v13 =	vshll.u32 v13, $0x9  }
0x17e: {  	v12 =	vand.u32 $0x380, v12;
	v5 =	vor.u32 v5, v6;
	vm1 =	vmand vm1, vm2  }
0x17f: {  	v21 =	vshll.u32 v21, $0x9;
	v15 =	vand.u32 $0x380, v15;
	v17 =	vor.u32 v26, v17  }
0x180: {  	vm2 =	vne.s32 v11, v22;
	v6 =	vand.u32 $0xFFFFF000, v13;
	v5 =	vor.u32 v12, v5  }
0x181: {  	v12 =	vshra.s32 v9, $0x9;
	v13 =	vshll.u32 v9, $0x3;
	v8 =	vand.u32 $0xFFFFF000, v21  }
0x182: {  	s28 =	simm.s32 $0x12120;
	v14 =	vor.u32 v6, v5;
	v5 =	vshra.s32 v10, $0x9;
	v6 =	vshll.u32 v10, $0x3  }
0x183: {  	v63 =	vld [tilespmem:s28+$0x10];
	v16 =	vsub.s32 v12, v4;
	v13 =	vand.u32 $0xC00, v13;
	v12 =	vshll.u32 v12, $0x7  }
0x184: {  	v19 =	vsub.s32 v5, v4;
	v6 =	vand.u32 $0xC00, v6;
	v5 =	vshll.u32 v5, $0x7  }
0x185: {  	v16 =	vshll.u32 v16, $0x9;
	v12 =	vand.u32 $0x380, v12;
	v13 =	vor.u32 v23, v13  }
0x186: {  	v7 =	vld [tilespmem:s28+$0x0];
	v19 =	vshll.u32 v19, $0x9;
	v62 =	vand.u32 $0x380, v5;
	v24 =	vor.u32 v24, v6  }
0x187: {  	v5 =	vld [tilespmem:s28+$0xFFFFFFE0];
	v9 =	vand.u32 $0xFFFFF000, v16;
	v10 =	vor.u32 v12, v13;
	v13 =	vor.u32 v15, v17  }
0x188: {  	s30 =	simm.s32 $0x10060;
	s29 =	simm.s32 $0x0;
	v6 =	vld [tilespmem:s28+$0xFFFFFFF0];
	v11 =	vand.u32 $0xFFFFF000, v19;
	v12 =	vor.u32 v62, v24;
	[tilespmem:v14+s15+$0x0] =	vst.idx.msk vm1, v63;
	vm1 =	vmor vm11, vm10  }
.LBB2_25:
0x189: {  	v14 =	vld [tilespmem:s30+$0x11];
	vm3 =	vmand vm3, vm4;
	vm4 =	vmand vm5, vm8;
	vm5 =	vmor vm7, vm2  }
0x18a: {  	vm0 =	vmand vm0, vm6;
	v9 =	vor.u32 v9, v10;
	v10 =	vor.u32 v11, v12;
	v15 =	vld [tilespmem:s30+$0x10]  }
0x18b: {  	s29 =	sadd.s32 $0x4, s29;
	v8 =	vor.u32 v8, v13;
	s26 =	sadd.s32 $0x40, s26;
	vm2 =	vmand vm0, vm9;
	vm1 =	vmand vm3, vm1;
	v11 =	vld [tilespmem:s30+$0xFFFFFFF0]  }
0x18c: {  	v12 =	vadd.s32 s26, v1;
	s0 =	sadd.s32 $0x10, s26;
	s1 =	sadd.s32 $0x30, s26;
	p3 =	slt.u32 s29, $0xFC;
	vm3 =	vmand vm4, vm5;
	v13 =	vld [tilespmem:s30+$0x0]  }
0x18d: {  	s31 =	sadd.s32 $0x20, s26;
	vm0 =	vge.s32 v12, v2;
	v17 =	vadd.s32 s0, v1;
	v18 =	vadd.s32 s1, v1;
	v16 =	vld [tilespmem:s30+$0xFFFFFFE0]  }
0x18e: {  	vm4 =	vge.s32 v18, v2;
	vm5 =	vlt.s32 v18, v3;
	vm6 =	veq.s32 v18, $0x61A7FF;
	v19 =	vld [tilespmem:s30+$0xFFFFFFE1]  }
0x18f: {  	vm4 =	vmand vm4, vm5;
	v18 =	vld [tilespmem:s30+$0xFFFFFFF1];
	vm5 =	vne.s32 v15, v14;
	v14 =	vand.u32 $0x7F, v15  }
0x190: {  	v21 =	vshra.s32 v15, $0x9;
	v15 =	vshll.u32 v15, $0x3;
	v20 =	vld [tilespmem:s30+$0x1];
	vm5 =	vmor vm6, vm5  }
0x191: {  	v22 =	vsub.s32 v21, v4;
	v15 =	vand.u32 $0xC00, v15;
	v21 =	vshll.u32 v21, $0x7;
	[tilespmem:v9+s15+$0x0] =	vst.idx.msk vm2, v5  }
0x192: {  	v5 =	vshll.u32 v22, $0x9;
	v9 =	vand.u32 $0x380, v21;
	v14 =	vor.u32 v14, v15;
	[tilespmem:v10+s15+$0x0] =	vst.idx.msk vm1, v6  }
0x193: {  	s28 =	sadd.s32 $0x40, s28;
	vm1 =	vmand vm4, vm5;
	v5 =	vand.u32 $0xFFFFF000, v5;
	v6 =	vor.u32 v9, v14;
	[tilespmem:v8+s15+$0x0] =	vst.idx.msk vm3, v7  }
0x194: {  	v7 =	vshra.s32 v16, $0x9;
	v8 =	vshll.u32 v16, $0x3;
	v10 =	vor.u32 v5, v6;
	v9 =	vld [tilespmem:s28+$0x10]  }
0x195: {  	v15 =	vshll.u32 v11, $0x3;
	v21 =	vshra.s32 v13, $0x9;
	v14 =	vshra.s32 v11, $0x9;
	v5 =	vld [tilespmem:s28+$0xFFFFFFE0]  }
0x196: {  	v23 =	vshll.u32 v13, $0x3;
	v22 =	vsub.s32 v7, v4;
	v8 =	vand.u32 $0xC00, v8;
	v6 =	vld [tilespmem:s28+$0xFFFFFFF0]  }
0x197: {  	v15 =	vand.u32 $0xC00, v15;
	v25 =	vsub.s32 v14, v4;
	v24 =	vshll.u32 v7, $0x7;
	v7 =	vld [tilespmem:s28+$0x0]  }
0x198: {  	v26 =	vsub.s32 v21, v4;
	v23 =	vand.u32 $0xC00, v23;
	v14 =	vshll.u32 v14, $0x7  }
0x199: {  	v28 =	vand.u32 $0x7F, v11;
	v27 =	vand.u32 $0x7F, v16;
	v21 =	vshll.u32 v21, $0x7;
	[tilespmem:v10+s15+$0x0] =	vst.idx.msk vm1, v9  }
0x19a: {  	v9 =	vshll.u32 v22, $0x9;
	v10 =	vadd.s32 s31, v1;
	v22 =	vand.u32 $0x7F, v13  }
0x19b: {  	v25 =	vshll.u32 v25, $0x9;
	v24 =	vand.u32 $0x380, v24;
	v8 =	vor.u32 v27, v8  }
0x19c: {  	v15 =	vor.u32 v28, v15;
	v26 =	vshll.u32 v26, $0x9;
	v14 =	vand.u32 $0x380, v14  }
0x19d: {  	vm1 =	vne.s32 v16, v19;
	v16 =	vand.u32 $0x380, v21;
	v19 =	vor.u32 v22, v23  }
0x19e: {  	vm3 =	vge.s32 v17, v2;
	vm10 =	vne.s32 v11, v18;
	vm2 =	vne.s32 v13, v20  }
.Ltmp22:
0x19f: {  	vm11 =	veq.s32 v17, $0x61A7FF;
	vm4 =	vlt.s32 v17, v3;
	vm5 =	vge.s32 v10, v2;
	(pc) =	sbr.rel @p3 .LBB2_25-.Ltmp22, $4  }
0x1a0: {  	vm6 =	vlt.s32 v12, v3;
	vm8 =	vlt.s32 v10, v3;
	vm7 =	veq.s32 v10, $0x61A7FF  }
0x1a1: {  	vm9 =	veq.s32 v12, $0x61A7FF;
	v9 =	vand.u32 $0xFFFFF000, v9;
	v10 =	vor.u32 v24, v8  }
0x1a2: {  	v11 =	vand.u32 $0xFFFFF000, v25;
	v12 =	vor.u32 v14, v15;
	v8 =	vand.u32 $0xFFFFF000, v26  }
0x1a3: {  	s30 =	sadd.s32 $0x40, s30;
	vm9 =	vmor vm9, vm1;
	vm1 =	vmor vm11, vm10;
	v13 =	vor.u32 v16, v19  }
0x1a4: {  	vm0 =	vmand vm0, vm6  }
0x1a5: {  	vm3 =	vmand vm3, vm4;
	vm15 =	vmand vm5, vm8;
	vm0 =	vmand vm0, vm9  }
0x1a6: {  	vm2 =	vmor vm7, vm2;
	v9 =	vor.u32 v9, v10;
	vm1 =	vmand vm3, vm1  }
0x1a7: {  	v63 =	vor.u32 v11, v12;
	vm2 =	vmand vm15, vm2  }
0x1a8: {  	v8 =	vor.u32 v8, v13;
	_ =	sdelay $0x2  }
0x1a9: {  	[tilespmem:v9+s15+$0x0] =	vst.idx.msk vm0, v5  }
0x1aa: {  	[tilespmem:v63+s15+$0x0] =	vst.idx.msk vm1, v6  }
0x1ab: {  	[tilespmem:v8+s15+$0x0] =	vst.idx.msk vm2, v7  }
.LBB2_27:
.Ltmp23:
0x1ac: {  	(pc) =	sbr.rel @p2 .LBB2_31-.Ltmp23, $1  }
0x1ad: {  	_ =	sdelay $0x3  }
0x1ae: {  	s0 =	sadd.s32 $0x2, s25  }
0x1af: {  	p2 =	sge.s32 s0, s20  }
0x1b0: {  	s0 =	sshll.u32 @!p2 s0, $0xC  }
0x1b1: {  	s0 =	sadd.s32 @!p2 s19, s0  }
0x1b2: {  	p3 =	slt.s32 @!p2 s0, $0x6197F8;
	p4 =	slt.s32 @!p2 s0, $0x619800  }
0x1b3: {  	s1 =	smov.u32 s0;
	p3 =	por !p3, p2;
	p4 =	por !p4, p2  }
0x1b4: {  	s1 =	simm.s32 @p3 $0x6197F8;
	s0 =	simm.s32 @p4 $0x619800  }
0x1b5: {  	s26 =	simm.s32 @!p2 $0x0;
	s1 =	sadd.s32 @!p2 $0x1000, s1;
	s0 =	sshrl.u32 @!p2 s0, $0x3  }
0x1b6: {  	s28 =	simm.s32 @!p2 $0x10000;
	s25 =	sadd.s32 @!p2 s6, s0;
	s1 =	sshrl.u32 @!p2 s1, $0x3  }
0x1b7: {  	[tilespmem:s28], [sflag:$0x1] =	stream.linear.gather @!p2 [hbm4b:s25+s26], $0x1000, $0x38;
	[tilespmem:$0x14480] =	vst v63  }
0x1b8: {  	s1 =	sadd.s32 @!p2 s6, s1;
	s25 =	simm.s32 @!p2 $0x11000  }
0x1b9: {  	[tilespmem:s25], [sflag:$0x1] =	stream.linear.gather @!p2 [hbm4b:s1+s26], $0x8, $0x38;
	[tilespmem:$0x14480] =	vst v63  }
0x1ba: {  	s0 =	sadd.s32 @!p2 s7, s0;
	s1 =	simm.s32 @!p2 $0x12100  }
0x1bb: {  	[tilespmem:s1], [sflag:$0x1] =	stream.linear.gather @!p2 [hbm4b:s0+s26], $0x1000, $0x38;
	[tilespmem:$0x14480] =	vst v63  }
0x1bc: {  	_ =	swait.ge [sflag:s13], $0x1000  }
0x1bd: {  	[sflag:s13] =	ssyncset.done $0x0  }
0x1be: {  	[sflag:s13] =	ssyncadd.s32 $0xFFFFF000  }
0x1bf: {  	_ =	swait.ge [sflag:s13], $0x8  }
0x1c0: {  	[sflag:s13] =	ssyncset.done $0x0  }
0x1c1: {  	[sflag:s13] =	ssyncadd.s32 $0xFFFFFFF8  }
0x1c2: {  	_ =	swait.ge [sflag:s13], $0x1000  }
0x1c3: {  	s25 =	smov.u32 s22;
	[sflag:s13] =	ssyncset.done $0x0  }
0x1c4: {  	s0 =	simm.s32 $0x110A0;
	p2 =	slt.s32 s22, $0x619800;
	[sflag:s13] =	ssyncadd.s32 $0xFFFFF000  }
0x1c5: {  	s25 =	simm.s32 @!p2 $0x619800;
	v5 =	vld [tilespmem:s0+$0x11]  }
0x1c6: {  	s30 =	sadd.s32 $0x30, s25;
	v6 =	vld [tilespmem:s0+$0x10]  }
0x1c7: {  	v7 =	vadd.s32 s25, v1;
	v9 =	vadd.s32 s30, v1;
	v10 =	vld [tilespmem:s0+$0xFFFFFFF0]  }
0x1c8: {  	s26 =	sadd.s32 $0x10, s25;
	vm1 =	vge.s32 v9, v2;
	vm2 =	vlt.s32 v9, v3;
	vm3 =	veq.s32 v9, $0x61A7FF;
	v9 =	vld [tilespmem:s0+$0xFFFFFFE0]  }
0x1c9: {  	s31 =	sadd.s32 $0x20, s25;
	vm0 =	vge.s32 v7, v2;
	v8 =	vadd.s32 s26, v1;
	v11 =	vld [tilespmem:s0+$0x0]  }
0x1ca: {  	v25 =	vadd.s32 s31, v1;
	vm6 =	vlt.s32 v7, v3;
	vm12 =	veq.s32 v7, $0x61A7FF;
	v18 =	vld [tilespmem:s0+$0xFFFFFFE1]  }
0x1cb: {  	vm4 =	vlt.s32 v8, v3;
	vm11 =	veq.s32 v8, $0x61A7FF;
	vm5 =	vge.s32 v25, v2;
	v20 =	vld [tilespmem:s0+$0xFFFFFFF1]  }
0x1cc: {  	vm8 =	vlt.s32 v25, v3;
	vm7 =	veq.s32 v25, $0x61A7FF;
	vm1 =	vmand vm1, vm2  }
0x1cd: {  	vm2 =	vne.s32 v6, v5;
	v5 =	vand.u32 $0x7F, v6;
	v12 =	vshra.s32 v6, $0x9  }
0x1ce: {  	v6 =	vshll.u32 v6, $0x3;
	v15 =	vshra.s32 v11, $0x9;
	v17 =	vshll.u32 v11, $0x3  }
0x1cf: {  	v23 =	vand.u32 $0x7F, v9;
	v24 =	vand.u32 $0x7F, v10;
	v26 =	vand.u32 $0x7F, v11  }
0x1d0: {  	vm9 =	vne.s32 v9, v18;
	vm10 =	vne.s32 v10, v20;
	vm2 =	vmor vm3, vm2  }
0x1d1: {  	v22 =	vld [tilespmem:s0+$0x1];
	v13 =	vsub.s32 v12, v4;
	v6 =	vand.u32 $0xC00, v6;
	v12 =	vshll.u32 v12, $0x7  }
0x1d2: {  	v21 =	vsub.s32 v15, v4;
	v17 =	vand.u32 $0xC00, v17;
	v15 =	vshll.u32 v15, $0x7  }
0x1d3: {  	vm3 =	vge.s32 v8, v2;
	vm9 =	vmor vm12, vm9;
	v13 =	vshll.u32 v13, $0x9  }
0x1d4: {  	v12 =	vand.u32 $0x380, v12;
	v5 =	vor.u32 v5, v6;
	vm1 =	vmand vm1, vm2  }
0x1d5: {  	v21 =	vshll.u32 v21, $0x9;
	v15 =	vand.u32 $0x380, v15;
	v17 =	vor.u32 v26, v17  }
0x1d6: {  	vm2 =	vne.s32 v11, v22;
	v6 =	vand.u32 $0xFFFFF000, v13;
	v5 =	vor.u32 v12, v5  }
0x1d7: {  	v12 =	vshra.s32 v9, $0x9;
	v13 =	vshll.u32 v9, $0x3;
	v8 =	vand.u32 $0xFFFFF000, v21  }
0x1d8: {  	s26 =	simm.s32 $0x13120;
	v14 =	vor.u32 v6, v5;
	v5 =	vshra.s32 v10, $0x9;
	v6 =	vshll.u32 v10, $0x3  }
0x1d9: {  	v63 =	vld [tilespmem:s26+$0x10];
	v16 =	vsub.s32 v12, v4;
	v13 =	vand.u32 $0xC00, v13;
	v12 =	vshll.u32 v12, $0x7  }
0x1da: {  	v19 =	vsub.s32 v5, v4;
	v6 =	vand.u32 $0xC00, v6;
	v5 =	vshll.u32 v5, $0x7  }
0x1db: {  	v16 =	vshll.u32 v16, $0x9;
	v12 =	vand.u32 $0x380, v12;
	v13 =	vor.u32 v23, v13  }
0x1dc: {  	v7 =	vld [tilespmem:s26+$0x0];
	v19 =	vshll.u32 v19, $0x9;
	v62 =	vand.u32 $0x380, v5;
	v24 =	vor.u32 v24, v6  }
0x1dd: {  	v5 =	vld [tilespmem:s26+$0xFFFFFFE0];
	v9 =	vand.u32 $0xFFFFF000, v16;
	v10 =	vor.u32 v12, v13;
	v13 =	vor.u32 v15, v17  }
0x1de: {  	s29 =	simm.s32 $0x110E0;
	s28 =	simm.s32 $0x0;
	v6 =	vld [tilespmem:s26+$0xFFFFFFF0];
	v11 =	vand.u32 $0xFFFFF000, v19;
	v12 =	vor.u32 v62, v24;
	[tilespmem:v14+s15+$0x0] =	vst.idx.msk vm1, v63;
	vm1 =	vmor vm11, vm10  }
.LBB2_29:
0x1df: {  	v14 =	vld [tilespmem:s29+$0x11];
	vm3 =	vmand vm3, vm4;
	vm4 =	vmand vm5, vm8;
	vm5 =	vmor vm7, vm2  }
0x1e0: {  	vm0 =	vmand vm0, vm6;
	v9 =	vor.u32 v9, v10;
	v10 =	vor.u32 v11, v12;
	v15 =	vld [tilespmem:s29+$0x10]  }
0x1e1: {  	s28 =	sadd.s32 $0x4, s28;
	v8 =	vor.u32 v8, v13;
	s25 =	sadd.s32 $0x40, s25;
	vm2 =	vmand vm0, vm9;
	vm1 =	vmand vm3, vm1;
	v11 =	vld [tilespmem:s29+$0xFFFFFFF0]  }
0x1e2: {  	v12 =	vadd.s32 s25, v1;
	s0 =	sadd.s32 $0x10, s25;
	s1 =	sadd.s32 $0x30, s25;
	p2 =	slt.u32 s28, $0xFC;
	vm3 =	vmand vm4, vm5;
	v13 =	vld [tilespmem:s29+$0x0]  }
0x1e3: {  	s30 =	sadd.s32 $0x20, s25;
	vm0 =	vge.s32 v12, v2;
	v17 =	vadd.s32 s0, v1;
	v18 =	vadd.s32 s1, v1;
	v16 =	vld [tilespmem:s29+$0xFFFFFFE0]  }
0x1e4: {  	vm4 =	vge.s32 v18, v2;
	vm5 =	vlt.s32 v18, v3;
	vm6 =	veq.s32 v18, $0x61A7FF;
	v19 =	vld [tilespmem:s29+$0xFFFFFFE1]  }
0x1e5: {  	vm4 =	vmand vm4, vm5;
	v18 =	vld [tilespmem:s29+$0xFFFFFFF1];
	vm5 =	vne.s32 v15, v14;
	v14 =	vand.u32 $0x7F, v15  }
0x1e6: {  	v21 =	vshra.s32 v15, $0x9;
	v15 =	vshll.u32 v15, $0x3;
	v20 =	vld [tilespmem:s29+$0x1];
	vm5 =	vmor vm6, vm5  }
0x1e7: {  	v22 =	vsub.s32 v21, v4;
	v15 =	vand.u32 $0xC00, v15;
	v21 =	vshll.u32 v21, $0x7;
	[tilespmem:v9+s15+$0x0] =	vst.idx.msk vm2, v5  }
0x1e8: {  	v5 =	vshll.u32 v22, $0x9;
	v9 =	vand.u32 $0x380, v21;
	v14 =	vor.u32 v14, v15;
	[tilespmem:v10+s15+$0x0] =	vst.idx.msk vm1, v6  }
0x1e9: {  	s26 =	sadd.s32 $0x40, s26;
	vm1 =	vmand vm4, vm5;
	v5 =	vand.u32 $0xFFFFF000, v5;
	v6 =	vor.u32 v9, v14;
	[tilespmem:v8+s15+$0x0] =	vst.idx.msk vm3, v7  }
0x1ea: {  	v7 =	vshra.s32 v16, $0x9;
	v8 =	vshll.u32 v16, $0x3;
	v10 =	vor.u32 v5, v6;
	v9 =	vld [tilespmem:s26+$0x10]  }
0x1eb: {  	v15 =	vshll.u32 v11, $0x3;
	v21 =	vshra.s32 v13, $0x9;
	v14 =	vshra.s32 v11, $0x9;
	v5 =	vld [tilespmem:s26+$0xFFFFFFE0]  }
0x1ec: {  	v23 =	vshll.u32 v13, $0x3;
	v22 =	vsub.s32 v7, v4;
	v8 =	vand.u32 $0xC00, v8;
	v6 =	vld [tilespmem:s26+$0xFFFFFFF0]  }
0x1ed: {  	v15 =	vand.u32 $0xC00, v15;
	v25 =	vsub.s32 v14, v4;
	v24 =	vshll.u32 v7, $0x7;
	v7 =	vld [tilespmem:s26+$0x0]  }
0x1ee: {  	v26 =	vsub.s32 v21, v4;
	v23 =	vand.u32 $0xC00, v23;
	v14 =	vshll.u32 v14, $0x7  }
0x1ef: {  	v28 =	vand.u32 $0x7F, v11;
	v27 =	vand.u32 $0x7F, v16;
	v21 =	vshll.u32 v21, $0x7;
	[tilespmem:v10+s15+$0x0] =	vst.idx.msk vm1, v9  }
0x1f0: {  	v9 =	vshll.u32 v22, $0x9;
	v10 =	vadd.s32 s30, v1;
	v22 =	vand.u32 $0x7F, v13  }
0x1f1: {  	v25 =	vshll.u32 v25, $0x9;
	v24 =	vand.u32 $0x380, v24;
	v8 =	vor.u32 v27, v8  }
0x1f2: {  	v15 =	vor.u32 v28, v15;
	v26 =	vshll.u32 v26, $0x9;
	v14 =	vand.u32 $0x380, v14  }
0x1f3: {  	vm1 =	vne.s32 v16, v19;
	v16 =	vand.u32 $0x380, v21;
	v19 =	vor.u32 v22, v23  }
0x1f4: {  	vm3 =	vge.s32 v17, v2;
	vm10 =	vne.s32 v11, v18;
	vm2 =	vne.s32 v13, v20  }
.Ltmp24:
0x1f5: {  	vm11 =	veq.s32 v17, $0x61A7FF;
	vm4 =	vlt.s32 v17, v3;
	vm5 =	vge.s32 v10, v2;
	(pc) =	sbr.rel @p2 .LBB2_29-.Ltmp24, $4  }
0x1f6: {  	vm6 =	vlt.s32 v12, v3;
	vm8 =	vlt.s32 v10, v3;
	vm7 =	veq.s32 v10, $0x61A7FF  }
0x1f7: {  	vm9 =	veq.s32 v12, $0x61A7FF;
	v9 =	vand.u32 $0xFFFFF000, v9;
	v10 =	vor.u32 v24, v8  }
0x1f8: {  	v11 =	vand.u32 $0xFFFFF000, v25;
	v12 =	vor.u32 v14, v15;
	v8 =	vand.u32 $0xFFFFF000, v26  }
0x1f9: {  	s29 =	sadd.s32 $0x40, s29;
	vm9 =	vmor vm9, vm1;
	vm1 =	vmor vm11, vm10;
	v13 =	vor.u32 v16, v19  }
.Ltmp25:
0x1fa: {  	_ = 	snop;
	(pc) =	sbr.rel .LBB2_30-.Ltmp25, $1  }
0x1fb: {  	_ =	sdelay $0x3  }
.LBB2_35:
0x1fc: {  	_ =	sfence.sel $0x180000  }
0x1fd: {  	[bflag:$0x0] =	sbarrier.arrive $0xFFFF  }
0x1fe: {  	_ =	strace $0x9000004A  }
0x1ff: {  	s0 =	stileid.u32;
	[bflag:$0x2] =	sbarrier.arrive $0xFFFF  }
0x200: {  	p0 =	sne.s32 s0, $0x0;
	s0 =	rddreg [dreg:$0x2]  }
0x201: {  	s0 =	sadd.s32 @!p0 $0x100000, s0  }
0x202: {  	[sflag:s0] =	ssyncadd.tile.s32 @!p0 $0x1;
	_ =	shalt  }
.Lfunc_end2:
_tile_overlayer_lowered:
.L_overlay_start_2:
0x203: {  	(tag) =	ssettag $0x2  }
0x204: {  	s0 =	rddreg [dreg:$0x0];
	s2 =	stileid.u32  }
0x205: {  	s1 =	rddreg [dreg:$0x1];
	p0 =	sne.s32 s2, $0x0  }
0x206: {  	s3 =	rddreg [dreg:$0x2];
	[bflag:$0x3] =	sbarrier.arrive $0xFFFF;
	s2 =	simm.s32 @!p0 $0x1C05  }
0x207: {  	[timem:s3], [sflag:s2] =	dma.local @!p0 [hbm:s0], s1  }
0x208: {  	s0 =	simm.s32 @!p0 $0x5  }
0x209: {  	_ =	swait.ge @!p0 [sflag:s0], s1  }
0x20a: {  	s1 =	ssub.s32 @!p0 $0x0, s1;
	[sflag:s0] =	ssyncset.done @!p0 $0x0  }
0x20b: {  	[sflag:s0] =	ssyncadd.s32 @!p0 s1  }
0x20c: {  	[bflag:$0x3] =	sbarrier.arrive $0xFFFF  }
0x20d: {  	_ =	shalt  }

</sc_bundles>
